<compile_context>
chip_gen: v7x
topology: tpu7x:2x2x1
jax: 0.10.2.dev20260603
libtpu: 0.0.44.dev20260713+nightly
codegen_flags: <defaults>
</compile_context>

<pallas_src>
import functools

import jax
import jax.numpy as jnp
from jax.experimental import pallas as pl
from jax.experimental.pallas import tpu as pltpu
from jax.experimental.pallas import tpu_sc as plsc

_HID = 1024
_VOCAB = 8192
_NUM_MEM = 256
_MAX_LEN = 16
_SIM_BUF = 8
_CONT_BUF = 4
_WINDOW = 20
_B = 2
_S = 2048
_NTOK = _B * _S
_VB = 512
_NV = _VOCAB // _VB


def _surprise_body(q_ref, wb_ref, out_ref, z_ref, s1_ref):
    v = pl.program_id(0)

    @pl.when(v == 0)
    def _init():
        z_ref[...] = jnp.zeros((_NTOK, 1), jnp.float32)
        s1_ref[...] = jnp.zeros((_NTOK, 1), jnp.float32)

    logits = jnp.dot(q_ref[...], wb_ref[...], preferred_element_type=jnp.float32)
    e = jnp.exp(logits)
    z_new = z_ref[...] + jnp.sum(e, axis=1, keepdims=True)
    s1_new = s1_ref[...] + jnp.sum(e * logits, axis=1, keepdims=True)
    z_ref[...] = z_new
    s1_ref[...] = s1_new

    @pl.when(v == _NV - 1)
    def _fin():
        out_ref[...] = jnp.log(z_new) - s1_new / z_new


def _surprise(q_flat, w_brain):
    return pl.pallas_call(
        _surprise_body,
        grid=(_NV,),
        in_specs=[
            pl.BlockSpec((_NTOK, _HID), lambda v: (0, 0)),
            pl.BlockSpec((_HID, _VB), lambda v: (0, v)),
        ],
        out_specs=pl.BlockSpec((_NTOK, 1), lambda v: (0, 0)),
        out_shape=jax.ShapeDtypeStruct((_NTOK, 1), jnp.float32),
        scratch_shapes=[
            pltpu.VMEM((_NTOK, 1), jnp.float32),
            pltpu.VMEM((_NTOK, 1), jnp.float32),
        ],
    )(q_flat, w_brain)


def _retrieve_body(s_ref, q_ref, wsim_ref, bsim_ref, idx_out_ref, w_out_ref):
    f32 = jnp.float32
    NW = _S - _WINDOW + 1

    surp = s_ref[...]

    acc = jnp.zeros((_B, NW), f32)
    for k in range(_WINDOW):
        acc = acc + surp[:, k:k + NW]
    mu = acc / _WINDOW
    acc2 = jnp.zeros((_B, NW), f32)
    for k in range(_WINDOW):
        d = surp[:, k:k + NW] - mu
        acc2 = acc2 + d * d
    var = acc2 / (_WINDOW - 1)

    pad_mu = jnp.concatenate(
        [jnp.broadcast_to(mu[:, :1], (_B, _WINDOW - 1)), mu], axis=1)
    pad_var = jnp.concatenate(
        [jnp.broadcast_to(var[:, :1], (_B, _WINDOW - 1)), var], axis=1)
    dev = surp - pad_mu
    boundaries = (dev > 0.0) & (dev * dev > 4.0 * pad_var)

    lane = jax.lax.broadcasted_iota(jnp.int32, (_B, _S), 1)
    is_new = boundaries | (lane == 0)
    isn = is_new.astype(f32)

    cs = isn
    shn = 1
    while shn < _S:
        cs = cs + jnp.concatenate(
            [jnp.zeros((_B, shn), f32), cs[:, :_S - shn]], axis=1)
        shn *= 2
    n0 = cs[0:1, _S - 1:_S]
    n1 = cs[1:2, _S - 1:_S]
    row_id = jax.lax.broadcasted_iota(jnp.int32, (_B, _S), 0).astype(f32)
    ev = cs - 1.0 + row_id * n0
    n_ev = n0 + n1
    shift = jnp.maximum(n_ev - float(_NUM_MEM), 0.0)
    row2d = ev - shift

    r_iota = jax.lax.broadcasted_iota(jnp.int32, (_NUM_MEM, _S), 0).astype(f32)
    k0 = jnp.where((row2d[0:1, :] == r_iota) & is_new[0:1, :], 1.0, 0.0)
    k1 = jnp.where((row2d[1:2, :] == r_iota) & is_new[1:2, :], 1.0, 0.0)
    q0 = q_ref[0:_S, :]
    q1 = q_ref[_S:_NTOK, :]
    keys = (jnp.dot(k0, q0, preferred_element_type=f32)
            + jnp.dot(k1, q1, preferred_element_type=f32))

    t_row = jax.lax.broadcasted_iota(jnp.int32, (1, _S), 1).astype(f32)
    starts = (jnp.sum(k0 * t_row, axis=1, keepdims=True)
              + jnp.sum(k1 * (t_row + float(_S)), axis=1, keepdims=True))
    cnt = (jnp.sum(k0, axis=1, keepdims=True)
           + jnp.sum(k1, axis=1, keepdims=True))
    valid_row = cnt > 0.5

    nxt = jnp.concatenate([starts[1:], jnp.full((1, 1), float(_NTOK))], axis=0)
    nxt_cnt = jnp.concatenate([cnt[1:], jnp.zeros((1, 1), f32)], axis=0)
    nxt = jnp.where(nxt_cnt > 0.5, nxt, float(_NTOK))
    length = nxt - starts
    len16 = jnp.clip(length, 0.0, float(_MAX_LEN))
    len16 = jnp.where(valid_row, len16, 0.0)

    qbar0 = jnp.sum(q0, axis=0, keepdims=True) / float(_S)
    qbar1 = jnp.sum(q1, axis=0, keepdims=True) / float(_S)
    bsim = bsim_ref[...]
    qsim0 = jnp.dot(qbar0, wsim_ref[...], preferred_element_type=f32) + bsim
    qsim1 = jnp.dot(qbar1, wsim_ref[...], preferred_element_type=f32) + bsim

    r_col = jax.lax.broadcasted_iota(jnp.int32, (_NUM_MEM, 1), 0).astype(f32)
    n_kept = jnp.minimum(n_ev, float(_NUM_MEM))

    rr = jax.lax.broadcasted_iota(jnp.int32, (_SIM_BUF * _MAX_LEN, 1), 0)

    def top8_select(qsim):
        scores = jnp.sum(keys * qsim, axis=1, keepdims=True)
        cur = scores
        target = jnp.zeros((_SIM_BUF * _MAX_LEN, 1), f32)
        wv = jnp.zeros((_SIM_BUF * _MAX_LEN, 1), f32)
        top_s = []
        top_i = []
        for _ in range(_SIM_BUF):
            m = jnp.max(cur, axis=0, keepdims=True)
            idx = jnp.min(jnp.where(cur == m, r_col, float(_NUM_MEM)),
                          axis=0, keepdims=True)
            top_s.append(m)
            top_i.append(idx)
            cur = jnp.where(r_col == idx, -jnp.inf, cur)
        smax = top_s[0]
        exps = [jnp.exp(s - smax) for s in top_s]
        zsum = exps[0]
        for e in exps[1:]:
            zsum = zsum + e
        for j in range(_SIM_BUF):
            w_j = exps[j] / zsum
            sel = jnp.where(r_col == top_i[j], 1.0, 0.0)
            st_j = jnp.sum(sel * starts, axis=0, keepdims=True)
            ln_j = jnp.sum(sel * len16, axis=0, keepdims=True)
            in_j = (rr // _MAX_LEN) == j
            c_f = (rr % _MAX_LEN).astype(f32)
            target = jnp.where(in_j, st_j + c_f, target)
            wv = jnp.where(in_j & (c_f < ln_j), w_j, wv)
        return target, wv

    t0, w0 = top8_select(qsim0)
    t1, w1v = top8_select(qsim1)

    rr_c = jax.lax.broadcasted_iota(jnp.int32, (_CONT_BUF * _MAX_LEN, 1), 0)
    targ_c = jnp.zeros((_CONT_BUF * _MAX_LEN, 1), f32)
    wv_c = jnp.zeros((_CONT_BUF * _MAX_LEN, 1), f32)
    for kk in range(_CONT_BUF):
        idx_k = jnp.maximum(n_kept - 1.0 - kk, 0.0)
        sel = jnp.where(r_col == idx_k, 1.0, 0.0)
        st_k = jnp.sum(sel * starts, axis=0, keepdims=True)
        ln_k = jnp.sum(sel * len16, axis=0, keepdims=True)
        in_k = (rr_c // _MAX_LEN) == kk
        c_f = (rr_c % _MAX_LEN).astype(f32)
        targ_c = jnp.where(in_k, st_k + c_f, targ_c)
        wv_c = jnp.where(in_k & (c_f < ln_k), 1.0, wv_c)

    targ = jnp.concatenate([t0, t1, targ_c], axis=0)
    wv_all = jnp.concatenate([w0, w1v, wv_c], axis=0)
    targ = jnp.where(wv_all > 0.0, targ, 0.0)
    idx_out_ref[0:_GATHER, :] = targ.astype(jnp.int32)
    idx_out_ref[_GATHER:_GATHER_PAD, :] = jnp.zeros(
        (_GATHER_PAD - _GATHER, 1), jnp.int32)
    w_out_ref[...] = wv_all


_GATHER = 320
_GATHER_PAD = 512


def _retrieve(surp2d, q_flat, w_sim, b_sim):
    return pl.pallas_call(
        _retrieve_body,
        out_shape=[
            jax.ShapeDtypeStruct((_GATHER_PAD, 1), jnp.int32),
            jax.ShapeDtypeStruct((_GATHER, 1), jnp.float32),
        ],
    )(surp2d, q_flat, w_sim, b_sim.reshape(1, _HID))


def _sc_gather_body(q_hbm, idx_hbm, out_hbm, idx_v, rows_v, sem):
    wid = jax.lax.axis_index("s") * 2 + jax.lax.axis_index("c")
    base = wid * 16
    pltpu.sync_copy(idx_hbm.at[pl.ds(base, 16)], idx_v)
    pltpu.async_copy(q_hbm.at[idx_v], rows_v, sem).wait()
    pltpu.sync_copy(rows_v, out_hbm.at[pl.ds(base, 16)])


def _sc_gather(q_flat, idx1d):
    mesh = plsc.VectorSubcoreMesh(core_axis_name="c", subcore_axis_name="s")
    k = functools.partial(
        pl.kernel, mesh=mesh,
        out_type=jax.ShapeDtypeStruct((_GATHER_PAD, _HID), jnp.float32),
        scratch_types=[
            pltpu.VMEM((16,), jnp.int32),
            pltpu.VMEM((16, _HID), jnp.float32),
            pltpu.SemaphoreType.DMA,
        ],
    )(_sc_gather_body)
    return k(q_flat, idx1d)


def _mlp_head_body(g_ref, wv_ref, w1_ref, b1_ref, w2_ref, b2_ref, out_ref):
    f32 = jnp.float32
    x = g_ref[...] * wv_ref[...]
    h = jnp.maximum(
        jnp.dot(x, w1_ref[...], preferred_element_type=f32) + b1_ref[...], 0.0)
    y = jnp.dot(h, w2_ref[...], preferred_element_type=f32) + b2_ref[...]
    out_ref[0:128, :] = y[0:128, :]
    out_ref[128:192, :] = y[256:320, :]
    out_ref[192:320, :] = y[128:256, :]
    out_ref[320:384, :] = y[256:320, :]


def _mlp_head(g, wv, w1, b1, w2, b2):
    head_rows = _B * (_SIM_BUF + _CONT_BUF) * _MAX_LEN
    return pl.pallas_call(
        _mlp_head_body,
        out_shape=jax.ShapeDtypeStruct((head_rows, _HID), jnp.float32),
    )(g, wv, w1, b1.reshape(1, _HID), w2, b2.reshape(1, _HID))


def kernel(query, key, value, attention_mask, W_brain, W_sim, b_sim,
           W1, b1, W2, b2):
    q_flat = query.reshape(_NTOK, _HID)
    surp = _surprise(q_flat, W_brain)
    idx, wv = _retrieve(surp.reshape(_B, _S), q_flat, W_sim, b_sim)
    g = _sc_gather(q_flat, idx.reshape(_GATHER_PAD))
    head = _mlp_head(g[:_GATHER], wv, W1, b1, W2, b2)
    head = head.reshape(_B, (_SIM_BUF + _CONT_BUF) * _MAX_LEN, _HID)
    context = jnp.concatenate([head, key], axis=1)
    ext = jnp.ones((_B, context.shape[1] - attention_mask.shape[1]),
                   attention_mask.dtype)
    mask_out = jnp.concatenate([ext, attention_mask], axis=1)
    return (query, context, context, mask_out)

# --- scband reference (transcript-rebuilt; emitter-appended) ---
"""Pipeline reference for scband-praxis-memory-74113955660085 (READ-ONLY COPY).

The authoritative reference and input builder live on the scoring server;
editing this copy changes nothing except your own understanding.
"""

import jax, jax.numpy as jnp
import numpy as np

HID = 1024; VOCAB = 8192; NUM_MEM = 256; MAX_LEN = 16
SIM_BUF = 8; CONT_BUF = 4; WINDOW = 20; GAMMA = 2.0
B, S = 2, 2048


def setup_inputs(seed: int = 0):
    key = jax.random.key(seed)
    ks = jax.random.split(key, 10)
    return {
        "query": jax.random.normal(ks[0], (B, S, HID), jnp.float32),
        "key": jax.random.normal(ks[1], (B, S, HID), jnp.float32),
        "value": jax.random.normal(ks[2], (B, S, HID), jnp.float32),
        "attention_mask": jnp.ones((B, S), jnp.float32),
        "W_brain": jax.random.normal(ks[3], (HID, VOCAB), jnp.float32) * 0.02,
        "W_sim": jax.random.normal(ks[4], (HID, HID), jnp.float32) * 0.02,
        "b_sim": jnp.zeros((HID,), jnp.float32),
        "W1": jax.random.normal(ks[5], (HID, HID), jnp.float32) * 0.02,
        "b1": jnp.zeros((HID,), jnp.float32),
        "W2": jax.random.normal(ks[6], (HID, HID), jnp.float32) * 0.02,
        "b2": jnp.zeros((HID,), jnp.float32),
    }


def _build_memory(query, W_brain):
    # Non-differentiable path (torch stores with .detach()): surprise -> event
    # boundaries -> scatter events into the circular memory buffers.
    b, s, d = query.shape
    logits = query.reshape(-1, d) @ W_brain
    logits = logits - logits.max(-1, keepdims=True)
    logp = logits - jnp.log(jnp.exp(logits).sum(-1, keepdims=True))
    p = jnp.exp(logp)
    surprise = -(p * logp).sum(-1).reshape(b, s)
    widx = jnp.arange(s - WINDOW + 1)[:, None] + jnp.arange(WINDOW)[None, :]
    win = surprise[:, widx]
    mu = win.mean(-1); sigma = jnp.std(win, axis=-1, ddof=1)
    thr = mu + GAMMA * sigma
    thr = jnp.concatenate([jnp.repeat(thr[:, :1], WINDOW - 1, axis=1), thr], axis=1)
    boundaries = surprise > thr
    is_new = boundaries.at[:, 0].set(True).reshape(-1)
    n_tok = b * s
    ev = jnp.cumsum(is_new.astype(jnp.int32)) - 1
    n_ev = ev[-1] + 1
    starts = jax.lax.cummax(jnp.where(is_new, jnp.arange(n_tok), -1))
    positions = jnp.arange(n_tok) - starts
    shift = jnp.maximum(n_ev - NUM_MEM, 0)
    row = ev - shift
    valid = (row >= 0) & (positions < MAX_LEN)
    row_s = jnp.where(valid, row, NUM_MEM)
    col_s = jnp.where(valid, positions, 0)
    flat_tokens = query.reshape(-1, d)
    buf = jnp.zeros((NUM_MEM + 1, MAX_LEN, d), jnp.float32)
    buf = buf.at[row_s, col_s].set(flat_tokens)
    mem_values = buf[:NUM_MEM]
    mem_keys = mem_values[:, 0, :]
    n_ev_kept = jnp.minimum(n_ev, NUM_MEM)
    cont_idx = jnp.maximum((n_ev_kept - 1) - jnp.arange(CONT_BUF), 0)
    return mem_keys, mem_values, cont_idx


def reference(query, key, value, attention_mask, W_brain, W_sim, b_sim, W1, b1, W2, b2):
    mem_keys, mem_values, cont_idx = _build_memory(query, W_brain)
    b = query.shape[0]; d = query.shape[-1]
    # similarity-based retrieval of memory slots (gather) weighted by softmax scores
    q_proj = query @ W_sim + b_sim
    scores = q_proj.mean(axis=1) @ mem_keys.T            # [B, NUM_MEM]
    top_scores, top_idx = jax.lax.top_k(scores, SIM_BUF)
    sim_mem = mem_values[top_idx]                        # [B, SIM_BUF, MAX_LEN, D] gather
    w = jax.nn.softmax(top_scores, axis=-1)
    sim_buffer = (sim_mem * w[:, :, None, None]).reshape(b, SIM_BUF * MAX_LEN, d)
    cont_buffer = jnp.broadcast_to(
        mem_values[cont_idx].reshape(1, CONT_BUF * MAX_LEN, d),
        (b, CONT_BUF * MAX_LEN, d))
    def storage(x):
        return jax.nn.relu(x @ W1 + b1) @ W2 + b2
    sim_buffer = storage(sim_buffer)
    cont_buffer = storage(cont_buffer)
    context = jnp.concatenate([sim_buffer, cont_buffer, key], axis=1)
    ext = jnp.ones((b, context.shape[1] - attention_mask.shape[1]), attention_mask.dtype)
    mask_out = jnp.concatenate([ext, attention_mask], axis=1)
    return (query, context, context, mask_out)

if __name__ == "__main__":
    import jax
    _d = setup_inputs()
    print(jax.jit(kernel)(*tuple(_d.values())))

</pallas_src>

<mosaic_0001>
#map = affine_map<(d0, d1) -> (0, 0)>
#map1 = affine_map<(d0, d1) -> (0)>
module attributes {stable_mosaic.version = 14 : i64} {
  func.func @_sc_gather_body(%arg0: i32, %arg1: i32, %arg2: memref<4096x1024xf32, #tpu.memory_space<hbm>>, %arg3: memref<512xi32, #tpu.memory_space<hbm>>, %arg4: memref<512x1024xf32, #tpu.memory_space<hbm>>, %arg5: memref<16xi32, #tpu.memory_space<vmem>>, %arg6: memref<16x1024xf32, #tpu.memory_space<vmem>>, %arg7: memref<!tpu.dma_semaphore, #tpu.memory_space<semaphore_mem>>) attributes {dimension_semantics = [#tpu.dimension_semantics<core_parallel>, #tpu.dimension_semantics<subcore_parallel>], iteration_bounds = array<i64: 2, 16>, scalar_prefetch = 0 : i64, scratch_operands = 3 : i64, tpu.core_type = #tpu.core_type<sc_vector_subcore>, window_params = [{transform_indices = #map}, {transform_indices = #map1}, {transform_indices = #map}]} {
    %mul3A = arith.constant 2 : i32
    %mul3A_0 = arith.muli %arg1, %mul3A : i32
    %add3A = arith.addi %mul3A_0, %arg0 : i32
    %mul3A_1 = arith.constant 16 : i32
    %mul3A_2 = arith.muli %add3A, %mul3A_1 : i32
    "tpu.region"() ({
      %run_scoped3A = tpu.sem_alloc : memref<!tpu.dma_semaphore, #tpu.memory_space<semaphore_mem>>
      %dma_start3A_7 = tpu.memref_slice %arg3[%mul3A_2] : memref<512xi32, #tpu.memory_space<hbm>> -> memref<16xi32, #tpu.memory_space<hbm>>
      %dma_start3A_8 = tpu.memref_slice %arg3[%mul3A_2] : memref<512xi32, #tpu.memory_space<hbm>> -> memref<16xi32, #tpu.memory_space<hbm>>
      tpu.enqueue_dma source(%dma_start3A_8 : memref<16xi32, #tpu.memory_space<hbm>>) target(%arg5 : memref<16xi32, #tpu.memory_space<vmem>>) target_semaphore(%run_scoped3A : memref<!tpu.dma_semaphore, #tpu.memory_space<semaphore_mem>>)
      %dma_wait3A_9 = tpu.memref_slice %arg3[%mul3A_2] : memref<512xi32, #tpu.memory_space<hbm>> -> memref<16xi32, #tpu.memory_space<hbm>>
      %dma_wait3A_10 = tpu.memref_slice %arg3[%mul3A_2] : memref<512xi32, #tpu.memory_space<hbm>> -> memref<16xi32, #tpu.memory_space<hbm>>
      tpu.wait_dma2 semaphore(%run_scoped3A : memref<!tpu.dma_semaphore, #tpu.memory_space<semaphore_mem>>) src(%dma_wait3A_10 : memref<16xi32, #tpu.memory_space<hbm>>) dst(%arg5 : memref<16xi32, #tpu.memory_space<vmem>>)
      tpu.yield
    }) : () -> ()
    %dma_start3A = arith.constant 0 : i32
    %dma_start3A_3 = arith.constant 0 : i32
    %dma_start3A_4 = tpu.memref_slice %arg2[%dma_start3A, %dma_start3A_3] : memref<4096x1024xf32, #tpu.memory_space<hbm>> -> memref<4096x1024xf32, #tpu.memory_space<hbm>>
    tpu.enqueue_indirect_dma source(%dma_start3A_4 : memref<4096x1024xf32, #tpu.memory_space<hbm>>) target(%arg6 : memref<16x1024xf32, #tpu.memory_space<vmem>>) offsets(%arg5 : memref<16xi32, #tpu.memory_space<vmem>>) semaphore(%arg7 : memref<!tpu.dma_semaphore, #tpu.memory_space<semaphore_mem>>)
    %dma_wait3A = arith.constant 0 : i32
    %dma_wait3A_5 = arith.constant 0 : i32
    %dma_wait3A_6 = tpu.memref_slice %arg2[%dma_wait3A, %dma_wait3A_5] : memref<4096x1024xf32, #tpu.memory_space<hbm>> -> memref<4096x1024xf32, #tpu.memory_space<hbm>>
    tpu.wait_indirect_dma semaphore(%arg7 : memref<!tpu.dma_semaphore, #tpu.memory_space<semaphore_mem>>) src(%dma_wait3A_6 : memref<4096x1024xf32, #tpu.memory_space<hbm>>) dst(%arg6 : memref<16x1024xf32, #tpu.memory_space<vmem>>)
    "tpu.region"() ({
      %run_scoped3A = tpu.sem_alloc : memref<!tpu.dma_semaphore, #tpu.memory_space<semaphore_mem>>
      %dma_start3A_7 = arith.constant 0 : i32
      %dma_start3A_8 = tpu.memref_slice %arg4[%mul3A_2, %dma_start3A_7] : memref<512x1024xf32, #tpu.memory_space<hbm>> -> memref<16x1024xf32, #tpu.memory_space<hbm>>
      %dma_start3A_9 = arith.constant 0 : i32
      %dma_start3A_10 = tpu.memref_slice %arg4[%mul3A_2, %dma_start3A_9] : memref<512x1024xf32, #tpu.memory_space<hbm>> -> memref<16x1024xf32, #tpu.memory_space<hbm>>
      tpu.enqueue_dma source(%arg6 : memref<16x1024xf32, #tpu.memory_space<vmem>>) target(%dma_start3A_10 : memref<16x1024xf32, #tpu.memory_space<hbm>>) target_semaphore(%run_scoped3A : memref<!tpu.dma_semaphore, #tpu.memory_space<semaphore_mem>>)
      %dma_wait3A_11 = arith.constant 0 : i32
      %dma_wait3A_12 = tpu.memref_slice %arg4[%mul3A_2, %dma_wait3A_11] : memref<512x1024xf32, #tpu.memory_space<hbm>> -> memref<16x1024xf32, #tpu.memory_space<hbm>>
      %dma_wait3A_13 = arith.constant 0 : i32
      %dma_wait3A_14 = tpu.memref_slice %arg4[%mul3A_2, %dma_wait3A_13] : memref<512x1024xf32, #tpu.memory_space<hbm>> -> memref<16x1024xf32, #tpu.memory_space<hbm>>
      tpu.wait_dma2 semaphore(%run_scoped3A : memref<!tpu.dma_semaphore, #tpu.memory_space<semaphore_mem>>) src(%arg6 : memref<16x1024xf32, #tpu.memory_space<vmem>>) dst(%dma_wait3A_14 : memref<16x1024xf32, #tpu.memory_space<hbm>>)
      tpu.yield
    }) : () -> ()
    return
  }
}

module attributes {stable_mosaic.version = 14 : i64} {
  func.func @_surprise_body(%arg0: i32, %arg1: memref<4096x1024xf32, #tpu.memory_space<vmem>>, %arg2: memref<1024x512xf32, #tpu.memory_space<vmem>>, %arg3: memref<4096x1xf32, #tpu.memory_space<vmem>>, %arg4: memref<4096x1xf32, #tpu.memory_space<vmem>>, %arg5: memref<4096x1xf32, #tpu.memory_space<vmem>>) attributes {dimension_semantics = [#tpu.dimension_semantics<arbitrary>], iteration_bounds = array<i64: 16>, scalar_prefetch = 0 : i64, scratch_operands = 2 : i64, tpu.core_type = #tpu.core_type<tc>, window_params = [{pipeline_mode = #tpu.pipeline_mode<synchronous>, transform_indices = @transform_0, window_bounds = array<i64: 4096, 1024>}, {transform_indices = @transform_1, window_bounds = array<i64: 1024, 512>}, {pipeline_mode = #tpu.pipeline_mode<synchronous>, transform_indices = @transform_2, window_bounds = array<i64: 4096, 1>}]} {
    %eq3A = arith.constant 0 : i32
    %eq3A_0 = arith.cmpi eq, %arg0, %eq3A : i32
    %convert_element_type3A = arith.extui %eq3A_0 : i1 to i32
    %cond3A = arith.constant 0 : i32
    %cond3A_1 = arith.cmpi ne, %convert_element_type3A, %cond3A : i32
    scf.if %cond3A_1 {
      %broadcast_in_dim3A_29 = arith.constant 0.000000e+00 : f32
      %broadcast_in_dim3A_30 = vector.broadcast %broadcast_in_dim3A_29 : f32 to vector<4096x1xf32>
      %swap3A_31 = arith.constant 0 : index
      %swap3A_32 = arith.constant 0 : index
      %swap3A_33 = vector.load %arg4[%swap3A_31, %swap3A_32] : memref<4096x1xf32, #tpu.memory_space<vmem>>, vector<4096x1xf32>
      tpu.vector_store %arg4[%swap3A_31, %swap3A_32], %broadcast_in_dim3A_30 {strides = array<i32>} : memref<4096x1xf32, #tpu.memory_space<vmem>>, vector<4096x1xf32>,
      %broadcast_in_dim3A_34 = arith.constant 0.000000e+00 : f32
      %broadcast_in_dim3A_35 = vector.broadcast %broadcast_in_dim3A_34 : f32 to vector<4096x1xf32>
      %swap3A_36 = arith.constant 0 : index
      %swap3A_37 = arith.constant 0 : index
      %swap3A_38 = vector.load %arg5[%swap3A_36, %swap3A_37] : memref<4096x1xf32, #tpu.memory_space<vmem>>, vector<4096x1xf32>
      tpu.vector_store %arg5[%swap3A_36, %swap3A_37], %broadcast_in_dim3A_35 {strides = array<i32>} : memref<4096x1xf32, #tpu.memory_space<vmem>>, vector<4096x1xf32>,
    } else {
    }
    %get3A = arith.constant 0 : index
    %get3A_2 = arith.constant 0 : index
    %get3A_3 = vector.load %arg1[%get3A, %get3A_2] : memref<4096x1024xf32, #tpu.memory_space<vmem>>, vector<4096x1024xf32>
    %get3A_4 = arith.constant 0 : index
    %get3A_5 = arith.constant 0 : index
    %get3A_6 = vector.load %arg2[%get3A_4, %get3A_5] : memref<1024x512xf32, #tpu.memory_space<vmem>>, vector<1024x512xf32>
    %dot_general3A = arith.constant dense<0.000000e+00> : vector<4096x512xf32>
    %dot_general3A_7 = tpu.matmul %get3A_3, %get3A_6, %dot_general3A {dimension_numbers = #tpu.dot_dimension_numbers<[1], [0], [0], [1], [0, 0, 1, 1], [], []>, transpose_lhs_hint = false} : vector<4096x1024xf32>, vector<1024x512xf32>, vector<4096x512xf32> -> vector<4096x512xf32>
    %exp3A = math.exp %dot_general3A_7 : vector<4096x512xf32>
    %get3A_8 = arith.constant 0 : index
    %get3A_9 = arith.constant 0 : index
    %get3A_10 = vector.load %arg4[%get3A_8, %get3A_9] : memref<4096x1xf32, #tpu.memory_space<vmem>>, vector<4096x1xf32>
    %reduce_sum3A = arith.constant dense<0.000000e+00> : vector<4096xf32>
    %reduce_sum3A_11 = vector.multi_reduction <add>, %exp3A, %reduce_sum3A [1] : vector<4096x512xf32> to vector<4096xf32>
    %broadcast_in_dim3A = vector.shape_cast %reduce_sum3A_11 : vector<4096xf32> to vector<4096x1xf32>
    %add3A = arith.addf %get3A_10, %broadcast_in_dim3A : vector<4096x1xf32>
    %get3A_12 = arith.constant 0 : index
    %get3A_13 = arith.constant 0 : index
    %get3A_14 = vector.load %arg5[%get3A_12, %get3A_13] : memref<4096x1xf32, #tpu.memory_space<vmem>>, vector<4096x1xf32>
    %mul3A = arith.mulf %exp3A, %dot_general3A_7 : vector<4096x512xf32>
    %reduce_sum3A_15 = arith.constant dense<0.000000e+00> : vector<4096xf32>
    %reduce_sum3A_16 = vector.multi_reduction <add>, %mul3A, %reduce_sum3A_15 [1] : vector<4096x512xf32> to vector<4096xf32>
    %broadcast_in_dim3A_17 = vector.shape_cast %reduce_sum3A_16 : vector<4096xf32> to vector<4096x1xf32>
    %add3A_18 = arith.addf %get3A_14, %broadcast_in_dim3A_17 : vector<4096x1xf32>
    %swap3A = arith.constant 0 : index
    %swap3A_19 = arith.constant 0 : index
    %swap3A_20 = vector.load %arg4[%swap3A, %swap3A_19] : memref<4096x1xf32, #tpu.memory_space<vmem>>, vector<4096x1xf32>
    tpu.vector_store %arg4[%swap3A, %swap3A_19], %add3A {strides = array<i32>} : memref<4096x1xf32, #tpu.memory_space<vmem>>, vector<4096x1xf32>,
    %swap3A_21 = arith.constant 0 : index
    %swap3A_22 = arith.constant 0 : index
    %swap3A_23 = vector.load %arg5[%swap3A_21, %swap3A_22] : memref<4096x1xf32, #tpu.memory_space<vmem>>, vector<4096x1xf32>
    tpu.vector_store %arg5[%swap3A_21, %swap3A_22], %add3A_18 {strides = array<i32>} : memref<4096x1xf32, #tpu.memory_space<vmem>>, vector<4096x1xf32>,
    %eq3A_24 = arith.constant 15 : i32
    %eq3A_25 = arith.cmpi eq, %arg0, %eq3A_24 : i32
    %convert_element_type3A_26 = arith.extui %eq3A_25 : i1 to i32
    %cond3A_27 = arith.constant 0 : i32
    %cond3A_28 = arith.cmpi ne, %convert_element_type3A_26, %cond3A_27 : i32
    scf.if %cond3A_28 {
      %log3A = math.log %add3A : vector<4096x1xf32>
      %div3A = arith.divf %add3A_18, %add3A : vector<4096x1xf32>
      %sub3A = arith.subf %log3A, %div3A : vector<4096x1xf32>
      %swap3A_29 = arith.constant 0 : index
      %swap3A_30 = arith.constant 0 : index
      %swap3A_31 = vector.load %arg3[%swap3A_29, %swap3A_30] : memref<4096x1xf32, #tpu.memory_space<vmem>>, vector<4096x1xf32>
      tpu.vector_store %arg3[%swap3A_29, %swap3A_30], %sub3A {strides = array<i32>} : memref<4096x1xf32, #tpu.memory_space<vmem>>, vector<4096x1xf32>,
    } else {
    }
    return
  }
  func.func @transform_0(%arg0: i32) -> (i32, i32) {
    %c0_i32 = arith.constant 0 : i32
    %c0_i32_0 = arith.constant 0 : i32
    %c0_i32_1 = arith.constant 0 : i32
    return %c0_i32, %c0_i32_0 : i32, i32
  }
  func.func @transform_1(%arg0: i32) -> (i32, i32) {
    %c0_i32 = arith.constant 0 : i32
    %c0_i32_0 = arith.constant 0 : i32
    return %c0_i32, %arg0 : i32, i32
  }
  func.func @transform_2(%arg0: i32) -> (i32, i32) {
    %c0_i32 = arith.constant 0 : i32
    %c0_i32_0 = arith.constant 0 : i32
    %c0_i32_1 = arith.constant 0 : i32
    return %c0_i32, %c0_i32_0 : i32, i32
  }
}

module attributes {stable_mosaic.version = 14 : i64} {
  func.func @_retrieve_body(%arg0: memref<2x2048xf32, #tpu.memory_space<vmem>>, %arg1: memref<4096x1024xf32, #tpu.memory_space<vmem>>, %arg2: memref<1024x1024xf32, #tpu.memory_space<vmem>>, %arg3: memref<1x1024xf32, #tpu.memory_space<vmem>>, %arg4: memref<512x1xi32, #tpu.memory_space<vmem>>, %arg5: memref<320x1xf32, #tpu.memory_space<vmem>>) attributes {dimension_semantics = [], scalar_prefetch = 0 : i64, scratch_operands = 0 : i64, tpu.core_type = #tpu.core_type<tc>} {
    %get3A = arith.constant 0 : index
    %get3A_0 = arith.constant 0 : index
    %get3A_1 = vector.load %arg0[%get3A, %get3A_0] : memref<2x2048xf32, #tpu.memory_space<vmem>>, vector<2x2048xf32>
    %broadcast_in_dim3A = arith.constant 0.000000e+00 : f32
    %broadcast_in_dim3A_2 = vector.broadcast %broadcast_in_dim3A : f32 to vector<2x2029xf32>
    %slice3A = vector.extract_strided_slice %get3A_1 {offsets = [0, 0], sizes = [2, 2029], strides = [1, 1]} : vector<2x2048xf32> to vector<2x2029xf32>
    %add3A = arith.addf %broadcast_in_dim3A_2, %slice3A : vector<2x2029xf32>
    %slice3A_3 = vector.extract_strided_slice %get3A_1 {offsets = [0, 1], sizes = [2, 2029], strides = [1, 1]} : vector<2x2048xf32> to vector<2x2029xf32>
    %add3A_4 = arith.addf %add3A, %slice3A_3 : vector<2x2029xf32>
    %slice3A_5 = vector.extract_strided_slice %get3A_1 {offsets = [0, 2], sizes = [2, 2029], strides = [1, 1]} : vector<2x2048xf32> to vector<2x2029xf32>
    %add3A_6 = arith.addf %add3A_4, %slice3A_5 : vector<2x2029xf32>
    %slice3A_7 = vector.extract_strided_slice %get3A_1 {offsets = [0, 3], sizes = [2, 2029], strides = [1, 1]} : vector<2x2048xf32> to vector<2x2029xf32>
    %add3A_8 = arith.addf %add3A_6, %slice3A_7 : vector<2x2029xf32>
    %slice3A_9 = vector.extract_strided_slice %get3A_1 {offsets = [0, 4], sizes = [2, 2029], strides = [1, 1]} : vector<2x2048xf32> to vector<2x2029xf32>
    %add3A_10 = arith.addf %add3A_8, %slice3A_9 : vector<2x2029xf32>
    %slice3A_11 = vector.extract_strided_slice %get3A_1 {offsets = [0, 5], sizes = [2, 2029], strides = [1, 1]} : vector<2x2048xf32> to vector<2x2029xf32>
    %add3A_12 = arith.addf %add3A_10, %slice3A_11 : vector<2x2029xf32>
    %slice3A_13 = vector.extract_strided_slice %get3A_1 {offsets = [0, 6], sizes = [2, 2029], strides = [1, 1]} : vector<2x2048xf32> to vector<2x2029xf32>
    %add3A_14 = arith.addf %add3A_12, %slice3A_13 : vector<2x2029xf32>
    %slice3A_15 = vector.extract_strided_slice %get3A_1 {offsets = [0, 7], sizes = [2, 2029], strides = [1, 1]} : vector<2x2048xf32> to vector<2x2029xf32>
    %add3A_16 = arith.addf %add3A_14, %slice3A_15 : vector<2x2029xf32>
    %slice3A_17 = vector.extract_strided_slice %get3A_1 {offsets = [0, 8], sizes = [2, 2029], strides = [1, 1]} : vector<2x2048xf32> to vector<2x2029xf32>
    %add3A_18 = arith.addf %add3A_16, %slice3A_17 : vector<2x2029xf32>
    %slice3A_19 = vector.extract_strided_slice %get3A_1 {offsets = [0, 9], sizes = [2, 2029], strides = [1, 1]} : vector<2x2048xf32> to vector<2x2029xf32>
    %add3A_20 = arith.addf %add3A_18, %slice3A_19 : vector<2x2029xf32>
    %slice3A_21 = vector.extract_strided_slice %get3A_1 {offsets = [0, 10], sizes = [2, 2029], strides = [1, 1]} : vector<2x2048xf32> to vector<2x2029xf32>
    %add3A_22 = arith.addf %add3A_20, %slice3A_21 : vector<2x2029xf32>
    %slice3A_23 = vector.extract_strided_slice %get3A_1 {offsets = [0, 11], sizes = [2, 2029], strides = [1, 1]} : vector<2x2048xf32> to vector<2x2029xf32>
    %add3A_24 = arith.addf %add3A_22, %slice3A_23 : vector<2x2029xf32>
    %slice3A_25 = vector.extract_strided_slice %get3A_1 {offsets = [0, 12], sizes = [2, 2029], strides = [1, 1]} : vector<2x2048xf32> to vector<2x2029xf32>
    %add3A_26 = arith.addf %add3A_24, %slice3A_25 : vector<2x2029xf32>
    %slice3A_27 = vector.extract_strided_slice %get3A_1 {offsets = [0, 13], sizes = [2, 2029], strides = [1, 1]} : vector<2x2048xf32> to vector<2x2029xf32>
    %add3A_28 = arith.addf %add3A_26, %slice3A_27 : vector<2x2029xf32>
    %slice3A_29 = vector.extract_strided_slice %get3A_1 {offsets = [0, 14], sizes = [2, 2029], strides = [1, 1]} : vector<2x2048xf32> to vector<2x2029xf32>
    %add3A_30 = arith.addf %add3A_28, %slice3A_29 : vector<2x2029xf32>
    %slice3A_31 = vector.extract_strided_slice %get3A_1 {offsets = [0, 15], sizes = [2, 2029], strides = [1, 1]} : vector<2x2048xf32> to vector<2x2029xf32>
    %add3A_32 = arith.addf %add3A_30, %slice3A_31 : vector<2x2029xf32>
    %slice3A_33 = vector.extract_strided_slice %get3A_1 {offsets = [0, 16], sizes = [2, 2029], strides = [1, 1]} : vector<2x2048xf32> to vector<2x2029xf32>
    %add3A_34 = arith.addf %add3A_32, %slice3A_33 : vector<2x2029xf32>
    %slice3A_35 = vector.extract_strided_slice %get3A_1 {offsets = [0, 17], sizes = [2, 2029], strides = [1, 1]} : vector<2x2048xf32> to vector<2x2029xf32>
    %add3A_36 = arith.addf %add3A_34, %slice3A_35 : vector<2x2029xf32>
    %slice3A_37 = vector.extract_strided_slice %get3A_1 {offsets = [0, 18], sizes = [2, 2029], strides = [1, 1]} : vector<2x2048xf32> to vector<2x2029xf32>
    %add3A_38 = arith.addf %add3A_36, %slice3A_37 : vector<2x2029xf32>
    %slice3A_39 = vector.extract_strided_slice %get3A_1 {offsets = [0, 19], sizes = [2, 2029], strides = [1, 1]} : vector<2x2048xf32> to vector<2x2029xf32>
    %add3A_40 = arith.addf %add3A_38, %slice3A_39 : vector<2x2029xf32>
    %div3A = arith.constant 2.000000e+01 : f32
    %div3A_41 = vector.broadcast %div3A : f32 to vector<2x2029xf32>
    %div3A_42 = arith.divf %add3A_40, %div3A_41 : vector<2x2029xf32>
    %broadcast_in_dim3A_43 = arith.constant 0.000000e+00 : f32
    %broadcast_in_dim3A_44 = vector.broadcast %broadcast_in_dim3A_43 : f32 to vector<2x2029xf32>
    %slice3A_45 = vector.extract_strided_slice %get3A_1 {offsets = [0, 0], sizes = [2, 2029], strides = [1, 1]} : vector<2x2048xf32> to vector<2x2029xf32>
    %sub3A = arith.subf %slice3A_45, %div3A_42 : vector<2x2029xf32>
    %mul3A = arith.mulf %sub3A, %sub3A : vector<2x2029xf32>
    %add3A_46 = arith.addf %broadcast_in_dim3A_44, %mul3A : vector<2x2029xf32>
    %slice3A_47 = vector.extract_strided_slice %get3A_1 {offsets = [0, 1], sizes = [2, 2029], strides = [1, 1]} : vector<2x2048xf32> to vector<2x2029xf32>
    %sub3A_48 = arith.subf %slice3A_47, %div3A_42 : vector<2x2029xf32>
    %mul3A_49 = arith.mulf %sub3A_48, %sub3A_48 : vector<2x2029xf32>
    %add3A_50 = arith.addf %add3A_46, %mul3A_49 : vector<2x2029xf32>
    %slice3A_51 = vector.extract_strided_slice %get3A_1 {offsets = [0, 2], sizes = [2, 2029], strides = [1, 1]} : vector<2x2048xf32> to vector<2x2029xf32>
    %sub3A_52 = arith.subf %slice3A_51, %div3A_42 : vector<2x2029xf32>
    %mul3A_53 = arith.mulf %sub3A_52, %sub3A_52 : vector<2x2029xf32>
    %add3A_54 = arith.addf %add3A_50, %mul3A_53 : vector<2x2029xf32>
    %slice3A_55 = vector.extract_strided_slice %get3A_1 {offsets = [0, 3], sizes = [2, 2029], strides = [1, 1]} : vector<2x2048xf32> to vector<2x2029xf32>
    %sub3A_56 = arith.subf %slice3A_55, %div3A_42 : vector<2x2029xf32>
    %mul3A_57 = arith.mulf %sub3A_56, %sub3A_56 : vector<2x2029xf32>
    %add3A_58 = arith.addf %add3A_54, %mul3A_57 : vector<2x2029xf32>
    %slice3A_59 = vector.extract_strided_slice %get3A_1 {offsets = [0, 4], sizes = [2, 2029], strides = [1, 1]} : vector<2x2048xf32> to vector<2x2029xf32>
    %sub3A_60 = arith.subf %slice3A_59, %div3A_42 : vector<2x2029xf32>
    %mul3A_61 = arith.mulf %sub3A_60, %sub3A_60 : vector<2x2029xf32>
    %add3A_62 = arith.addf %add3A_58, %mul3A_61 : vector<2x2029xf32>
    %slice3A_63 = vector.extract_strided_slice %get3A_1 {offsets = [0, 5], sizes = [2, 2029], strides = [1, 1]} : vector<2x2048xf32> to vector<2x2029xf32>
    %sub3A_64 = arith.subf %slice3A_63, %div3A_42 : vector<2x2029xf32>
    %mul3A_65 = arith.mulf %sub3A_64, %sub3A_64 : vector<2x2029xf32>
    %add3A_66 = arith.addf %add3A_62, %mul3A_65 : vector<2x2029xf32>
    %slice3A_67 = vector.extract_strided_slice %get3A_1 {offsets = [0, 6], sizes = [2, 2029], strides = [1, 1]} : vector<2x2048xf32> to vector<2x2029xf32>
    %sub3A_68 = arith.subf %slice3A_67, %div3A_42 : vector<2x2029xf32>
    %mul3A_69 = arith.mulf %sub3A_68, %sub3A_68 : vector<2x2029xf32>
    %add3A_70 = arith.addf %add3A_66, %mul3A_69 : vector<2x2029xf32>
    %slice3A_71 = vector.extract_strided_slice %get3A_1 {offsets = [0, 7], sizes = [2, 2029], strides = [1, 1]} : vector<2x2048xf32> to vector<2x2029xf32>
    %sub3A_72 = arith.subf %slice3A_71, %div3A_42 : vector<2x2029xf32>
    %mul3A_73 = arith.mulf %sub3A_72, %sub3A_72 : vector<2x2029xf32>
    %add3A_74 = arith.addf %add3A_70, %mul3A_73 : vector<2x2029xf32>
    %slice3A_75 = vector.extract_strided_slice %get3A_1 {offsets = [0, 8], sizes = [2, 2029], strides = [1, 1]} : vector<2x2048xf32> to vector<2x2029xf32>
    %sub3A_76 = arith.subf %slice3A_75, %div3A_42 : vector<2x2029xf32>
    %mul3A_77 = arith.mulf %sub3A_76, %sub3A_76 : vector<2x2029xf32>
    %add3A_78 = arith.addf %add3A_74, %mul3A_77 : vector<2x2029xf32>
    %slice3A_79 = vector.extract_strided_slice %get3A_1 {offsets = [0, 9], sizes = [2, 2029], strides = [1, 1]} : vector<2x2048xf32> to vector<2x2029xf32>
    %sub3A_80 = arith.subf %slice3A_79, %div3A_42 : vector<2x2029xf32>
    %mul3A_81 = arith.mulf %sub3A_80, %sub3A_80 : vector<2x2029xf32>
    %add3A_82 = arith.addf %add3A_78, %mul3A_81 : vector<2x2029xf32>
    %slice3A_83 = vector.extract_strided_slice %get3A_1 {offsets = [0, 10], sizes = [2, 2029], strides = [1, 1]} : vector<2x2048xf32> to vector<2x2029xf32>
    %sub3A_84 = arith.subf %slice3A_83, %div3A_42 : vector<2x2029xf32>
    %mul3A_85 = arith.mulf %sub3A_84, %sub3A_84 : vector<2x2029xf32>
    %add3A_86 = arith.addf %add3A_82, %mul3A_85 : vector<2x2029xf32>
    %slice3A_87 = vector.extract_strided_slice %get3A_1 {offsets = [0, 11], sizes = [2, 2029], strides = [1, 1]} : vector<2x2048xf32> to vector<2x2029xf32>
    %sub3A_88 = arith.subf %slice3A_87, %div3A_42 : vector<2x2029xf32>
    %mul3A_89 = arith.mulf %sub3A_88, %sub3A_88 : vector<2x2029xf32>
    %add3A_90 = arith.addf %add3A_86, %mul3A_89 : vector<2x2029xf32>
    %slice3A_91 = vector.extract_strided_slice %get3A_1 {offsets = [0, 12], sizes = [2, 2029], strides = [1, 1]} : vector<2x2048xf32> to vector<2x2029xf32>
    %sub3A_92 = arith.subf %slice3A_91, %div3A_42 : vector<2x2029xf32>
    %mul3A_93 = arith.mulf %sub3A_92, %sub3A_92 : vector<2x2029xf32>
    %add3A_94 = arith.addf %add3A_90, %mul3A_93 : vector<2x2029xf32>
    %slice3A_95 = vector.extract_strided_slice %get3A_1 {offsets = [0, 13], sizes = [2, 2029], strides = [1, 1]} : vector<2x2048xf32> to vector<2x2029xf32>
    %sub3A_96 = arith.subf %slice3A_95, %div3A_42 : vector<2x2029xf32>
    %mul3A_97 = arith.mulf %sub3A_96, %sub3A_96 : vector<2x2029xf32>
    %add3A_98 = arith.addf %add3A_94, %mul3A_97 : vector<2x2029xf32>
    %slice3A_99 = vector.extract_strided_slice %get3A_1 {offsets = [0, 14], sizes = [2, 2029], strides = [1, 1]} : vector<2x2048xf32> to vector<2x2029xf32>
    %sub3A_100 = arith.subf %slice3A_99, %div3A_42 : vector<2x2029xf32>
    %mul3A_101 = arith.mulf %sub3A_100, %sub3A_100 : vector<2x2029xf32>
    %add3A_102 = arith.addf %add3A_98, %mul3A_101 : vector<2x2029xf32>
    %slice3A_103 = vector.extract_strided_slice %get3A_1 {offsets = [0, 15], sizes = [2, 2029], strides = [1, 1]} : vector<2x2048xf32> to vector<2x2029xf32>
    %sub3A_104 = arith.subf %slice3A_103, %div3A_42 : vector<2x2029xf32>
    %mul3A_105 = arith.mulf %sub3A_104, %sub3A_104 : vector<2x2029xf32>
    %add3A_106 = arith.addf %add3A_102, %mul3A_105 : vector<2x2029xf32>
    %slice3A_107 = vector.extract_strided_slice %get3A_1 {offsets = [0, 16], sizes = [2, 2029], strides = [1, 1]} : vector<2x2048xf32> to vector<2x2029xf32>
    %sub3A_108 = arith.subf %slice3A_107, %div3A_42 : vector<2x2029xf32>
    %mul3A_109 = arith.mulf %sub3A_108, %sub3A_108 : vector<2x2029xf32>
    %add3A_110 = arith.addf %add3A_106, %mul3A_109 : vector<2x2029xf32>
    %slice3A_111 = vector.extract_strided_slice %get3A_1 {offsets = [0, 17], sizes = [2, 2029], strides = [1, 1]} : vector<2x2048xf32> to vector<2x2029xf32>
    %sub3A_112 = arith.subf %slice3A_111, %div3A_42 : vector<2x2029xf32>
    %mul3A_113 = arith.mulf %sub3A_112, %sub3A_112 : vector<2x2029xf32>
    %add3A_114 = arith.addf %add3A_110, %mul3A_113 : vector<2x2029xf32>
    %slice3A_115 = vector.extract_strided_slice %get3A_1 {offsets = [0, 18], sizes = [2, 2029], strides = [1, 1]} : vector<2x2048xf32> to vector<2x2029xf32>
    %sub3A_116 = arith.subf %slice3A_115, %div3A_42 : vector<2x2029xf32>
    %mul3A_117 = arith.mulf %sub3A_116, %sub3A_116 : vector<2x2029xf32>
    %add3A_118 = arith.addf %add3A_114, %mul3A_117 : vector<2x2029xf32>
    %slice3A_119 = vector.extract_strided_slice %get3A_1 {offsets = [0, 19], sizes = [2, 2029], strides = [1, 1]} : vector<2x2048xf32> to vector<2x2029xf32>
    %sub3A_120 = arith.subf %slice3A_119, %div3A_42 : vector<2x2029xf32>
    %mul3A_121 = arith.mulf %sub3A_120, %sub3A_120 : vector<2x2029xf32>
    %add3A_122 = arith.addf %add3A_118, %mul3A_121 : vector<2x2029xf32>
    %div3A_123 = arith.constant 1.900000e+01 : f32
    %div3A_124 = vector.broadcast %div3A_123 : f32 to vector<2x2029xf32>
    %div3A_125 = arith.divf %add3A_122, %div3A_124 : vector<2x2029xf32>
    %slice3A_126 = vector.extract_strided_slice %div3A_42 {offsets = [0, 0], sizes = [2, 1], strides = [1, 1]} : vector<2x2029xf32> to vector<2x1xf32>
    %broadcast_in_dim3A_127 = vector.shape_cast %slice3A_126 : vector<2x1xf32> to vector<2x1xf32>
    %broadcast_in_dim3A_128 = vector.broadcast %broadcast_in_dim3A_127 : vector<2x1xf32> to vector<2x19xf32>
    %concatenate3A = tpu.concatenate %broadcast_in_dim3A_128, %div3A_42 in 1 : vector<2x19xf32>, vector<2x2029xf32> -> vector<2x2048xf32>
    %slice3A_129 = vector.extract_strided_slice %div3A_125 {offsets = [0, 0], sizes = [2, 1], strides = [1, 1]} : vector<2x2029xf32> to vector<2x1xf32>
    %broadcast_in_dim3A_130 = vector.shape_cast %slice3A_129 : vector<2x1xf32> to vector<2x1xf32>
    %broadcast_in_dim3A_131 = vector.broadcast %broadcast_in_dim3A_130 : vector<2x1xf32> to vector<2x19xf32>
    %concatenate3A_132 = tpu.concatenate %broadcast_in_dim3A_131, %div3A_125 in 1 : vector<2x19xf32>, vector<2x2029xf32> -> vector<2x2048xf32>
    %sub3A_133 = arith.subf %get3A_1, %concatenate3A : vector<2x2048xf32>
    %gt3A = arith.constant 0.000000e+00 : f32
    %gt3A_134 = vector.broadcast %gt3A : f32 to vector<2x2048xf32>
    %gt3A_135 = arith.cmpf ogt, %sub3A_133, %gt3A_134 : vector<2x2048xf32>
    %mul3A_136 = arith.mulf %sub3A_133, %sub3A_133 : vector<2x2048xf32>
    %mul3A_137 = arith.constant 4.000000e+00 : f32
    %mul3A_138 = vector.broadcast %mul3A_137 : f32 to vector<2x2048xf32>
    %mul3A_139 = arith.mulf %mul3A_138, %concatenate3A_132 : vector<2x2048xf32>
    %gt3A_140 = arith.cmpf ogt, %mul3A_136, %mul3A_139 : vector<2x2048xf32>
    %and3A = arith.andi %gt3A_135, %gt3A_140 : vector<2x2048xi1>
    %iota3A = tpu.iota {dimensions = array<i32: 1>} : vector<2x2048xi32>
    %eq3A = arith.constant 0 : i32
    %eq3A_141 = vector.broadcast %eq3A : i32 to vector<2x2048xi32>
    %eq3A_142 = arith.cmpi eq, %iota3A, %eq3A_141 : vector<2x2048xi32>
    %or3A = arith.ori %and3A, %eq3A_142 : vector<2x2048xi1>
    %convert_element_type3A = arith.extui %or3A : vector<2x2048xi1> to vector<2x2048xi32>
    %convert_element_type3A_143 = arith.sitofp %convert_element_type3A : vector<2x2048xi32> to vector<2x2048xf32>
    %broadcast_in_dim3A_144 = arith.constant 0.000000e+00 : f32
    %broadcast_in_dim3A_145 = vector.broadcast %broadcast_in_dim3A_144 : f32 to vector<2x1xf32>
    %slice3A_146 = vector.extract_strided_slice %convert_element_type3A_143 {offsets = [0, 0], sizes = [2, 2047], strides = [1, 1]} : vector<2x2048xf32> to vector<2x2047xf32>
    %concatenate3A_147 = tpu.concatenate %broadcast_in_dim3A_145, %slice3A_146 in 1 : vector<2x1xf32>, vector<2x2047xf32> -> vector<2x2048xf32>
    %add3A_148 = arith.addf %convert_element_type3A_143, %concatenate3A_147 : vector<2x2048xf32>
    %broadcast_in_dim3A_149 = arith.constant 0.000000e+00 : f32
    %broadcast_in_dim3A_150 = vector.broadcast %broadcast_in_dim3A_149 : f32 to vector<2x2xf32>
    %slice3A_151 = vector.extract_strided_slice %add3A_148 {offsets = [0, 0], sizes = [2, 2046], strides = [1, 1]} : vector<2x2048xf32> to vector<2x2046xf32>
    %concatenate3A_152 = tpu.concatenate %broadcast_in_dim3A_150, %slice3A_151 in 1 : vector<2x2xf32>, vector<2x2046xf32> -> vector<2x2048xf32>
    %add3A_153 = arith.addf %add3A_148, %concatenate3A_152 : vector<2x2048xf32>
    %broadcast_in_dim3A_154 = arith.constant 0.000000e+00 : f32
    %broadcast_in_dim3A_155 = vector.broadcast %broadcast_in_dim3A_154 : f32 to vector<2x4xf32>
    %slice3A_156 = vector.extract_strided_slice %add3A_153 {offsets = [0, 0], sizes = [2, 2044], strides = [1, 1]} : vector<2x2048xf32> to vector<2x2044xf32>
    %concatenate3A_157 = tpu.concatenate %broadcast_in_dim3A_155, %slice3A_156 in 1 : vector<2x4xf32>, vector<2x2044xf32> -> vector<2x2048xf32>
    %add3A_158 = arith.addf %add3A_153, %concatenate3A_157 : vector<2x2048xf32>
    %broadcast_in_dim3A_159 = arith.constant 0.000000e+00 : f32
    %broadcast_in_dim3A_160 = vector.broadcast %broadcast_in_dim3A_159 : f32 to vector<2x8xf32>
    %slice3A_161 = vector.extract_strided_slice %add3A_158 {offsets = [0, 0], sizes = [2, 2040], strides = [1, 1]} : vector<2x2048xf32> to vector<2x2040xf32>
    %concatenate3A_162 = tpu.concatenate %broadcast_in_dim3A_160, %slice3A_161 in 1 : vector<2x8xf32>, vector<2x2040xf32> -> vector<2x2048xf32>
    %add3A_163 = arith.addf %add3A_158, %concatenate3A_162 : vector<2x2048xf32>
    %broadcast_in_dim3A_164 = arith.constant 0.000000e+00 : f32
    %broadcast_in_dim3A_165 = vector.broadcast %broadcast_in_dim3A_164 : f32 to vector<2x16xf32>
    %slice3A_166 = vector.extract_strided_slice %add3A_163 {offsets = [0, 0], sizes = [2, 2032], strides = [1, 1]} : vector<2x2048xf32> to vector<2x2032xf32>
    %concatenate3A_167 = tpu.concatenate %broadcast_in_dim3A_165, %slice3A_166 in 1 : vector<2x16xf32>, vector<2x2032xf32> -> vector<2x2048xf32>
    %add3A_168 = arith.addf %add3A_163, %concatenate3A_167 : vector<2x2048xf32>
    %broadcast_in_dim3A_169 = arith.constant 0.000000e+00 : f32
    %broadcast_in_dim3A_170 = vector.broadcast %broadcast_in_dim3A_169 : f32 to vector<2x32xf32>
    %slice3A_171 = vector.extract_strided_slice %add3A_168 {offsets = [0, 0], sizes = [2, 2016], strides = [1, 1]} : vector<2x2048xf32> to vector<2x2016xf32>
    %concatenate3A_172 = tpu.concatenate %broadcast_in_dim3A_170, %slice3A_171 in 1 : vector<2x32xf32>, vector<2x2016xf32> -> vector<2x2048xf32>
    %add3A_173 = arith.addf %add3A_168, %concatenate3A_172 : vector<2x2048xf32>
    %broadcast_in_dim3A_174 = arith.constant 0.000000e+00 : f32
    %broadcast_in_dim3A_175 = vector.broadcast %broadcast_in_dim3A_174 : f32 to vector<2x64xf32>
    %slice3A_176 = vector.extract_strided_slice %add3A_173 {offsets = [0, 0], sizes = [2, 1984], strides = [1, 1]} : vector<2x2048xf32> to vector<2x1984xf32>
    %concatenate3A_177 = tpu.concatenate %broadcast_in_dim3A_175, %slice3A_176 in 1 : vector<2x64xf32>, vector<2x1984xf32> -> vector<2x2048xf32>
    %add3A_178 = arith.addf %add3A_173, %concatenate3A_177 : vector<2x2048xf32>
    %broadcast_in_dim3A_179 = arith.constant 0.000000e+00 : f32
    %broadcast_in_dim3A_180 = vector.broadcast %broadcast_in_dim3A_179 : f32 to vector<2x128xf32>
    %slice3A_181 = vector.extract_strided_slice %add3A_178 {offsets = [0, 0], sizes = [2, 1920], strides = [1, 1]} : vector<2x2048xf32> to vector<2x1920xf32>
    %concatenate3A_182 = tpu.concatenate %broadcast_in_dim3A_180, %slice3A_181 in 1 : vector<2x128xf32>, vector<2x1920xf32> -> vector<2x2048xf32>
    %add3A_183 = arith.addf %add3A_178, %concatenate3A_182 : vector<2x2048xf32>
    %broadcast_in_dim3A_184 = arith.constant 0.000000e+00 : f32
    %broadcast_in_dim3A_185 = vector.broadcast %broadcast_in_dim3A_184 : f32 to vector<2x256xf32>
    %slice3A_186 = vector.extract_strided_slice %add3A_183 {offsets = [0, 0], sizes = [2, 1792], strides = [1, 1]} : vector<2x2048xf32> to vector<2x1792xf32>
    %concatenate3A_187 = tpu.concatenate %broadcast_in_dim3A_185, %slice3A_186 in 1 : vector<2x256xf32>, vector<2x1792xf32> -> vector<2x2048xf32>
    %add3A_188 = arith.addf %add3A_183, %concatenate3A_187 : vector<2x2048xf32>
    %broadcast_in_dim3A_189 = arith.constant 0.000000e+00 : f32
    %broadcast_in_dim3A_190 = vector.broadcast %broadcast_in_dim3A_189 : f32 to vector<2x512xf32>
    %slice3A_191 = vector.extract_strided_slice %add3A_188 {offsets = [0, 0], sizes = [2, 1536], strides = [1, 1]} : vector<2x2048xf32> to vector<2x1536xf32>
    %concatenate3A_192 = tpu.concatenate %broadcast_in_dim3A_190, %slice3A_191 in 1 : vector<2x512xf32>, vector<2x1536xf32> -> vector<2x2048xf32>
    %add3A_193 = arith.addf %add3A_188, %concatenate3A_192 : vector<2x2048xf32>
    %broadcast_in_dim3A_194 = arith.constant 0.000000e+00 : f32
    %broadcast_in_dim3A_195 = vector.broadcast %broadcast_in_dim3A_194 : f32 to vector<2x1024xf32>
    %slice3A_196 = vector.extract_strided_slice %add3A_193 {offsets = [0, 0], sizes = [2, 1024], strides = [1, 1]} : vector<2x2048xf32> to vector<2x1024xf32>
    %concatenate3A_197 = tpu.concatenate %broadcast_in_dim3A_195, %slice3A_196 in 1 : vector<2x1024xf32>, vector<2x1024xf32> -> vector<2x2048xf32>
    %add3A_198 = arith.addf %add3A_193, %concatenate3A_197 : vector<2x2048xf32>
    %slice3A_199 = vector.extract_strided_slice %add3A_198 {offsets = [0, 2047], sizes = [1, 1], strides = [1, 1]} : vector<2x2048xf32> to vector<1x1xf32>
    %slice3A_200 = vector.extract_strided_slice %add3A_198 {offsets = [1, 2047], sizes = [1, 1], strides = [1, 1]} : vector<2x2048xf32> to vector<1x1xf32>
    %iota3A_201 = tpu.iota {dimensions = array<i32: 0>} : vector<2x2048xi32>
    %convert_element_type3A_202 = arith.sitofp %iota3A_201 : vector<2x2048xi32> to vector<2x2048xf32>
    %sub3A_203 = arith.constant 1.000000e+00 : f32
    %sub3A_204 = vector.broadcast %sub3A_203 : f32 to vector<2x2048xf32>
    %sub3A_205 = arith.subf %add3A_198, %sub3A_204 : vector<2x2048xf32>
    %mul3A_206 = vector.broadcast %slice3A_199 : vector<1x1xf32> to vector<2x2048xf32>
    %mul3A_207 = arith.mulf %convert_element_type3A_202, %mul3A_206 : vector<2x2048xf32>
    %add3A_208 = arith.addf %sub3A_205, %mul3A_207 : vector<2x2048xf32>
    %add3A_209 = arith.addf %slice3A_199, %slice3A_200 : vector<1x1xf32>
    %sub3A_210 = arith.constant 2.560000e+02 : f32
    %sub3A_211 = vector.broadcast %sub3A_210 : f32 to vector<1x1xf32>
    %sub3A_212 = arith.subf %add3A_209, %sub3A_211 : vector<1x1xf32>
    %max3A = arith.constant 0.000000e+00 : f32
    %max3A_213 = vector.broadcast %max3A : f32 to vector<1x1xf32>
    %max3A_214 = arith.maximumf %sub3A_212, %max3A_213 : vector<1x1xf32>
    %sub3A_215 = vector.broadcast %max3A_214 : vector<1x1xf32> to vector<2x2048xf32>
    %sub3A_216 = arith.subf %add3A_208, %sub3A_215 : vector<2x2048xf32>
    %iota3A_217 = tpu.iota {dimensions = array<i32: 0>} : vector<256x2048xi32>
    %convert_element_type3A_218 = arith.sitofp %iota3A_217 : vector<256x2048xi32> to vector<256x2048xf32>
    %slice3A_219 = vector.extract_strided_slice %sub3A_216 {offsets = [0, 0], sizes = [1, 2048], strides = [1, 1]} : vector<2x2048xf32> to vector<1x2048xf32>
    %eq3A_220 = vector.broadcast %slice3A_219 : vector<1x2048xf32> to vector<256x2048xf32>
    %eq3A_221 = arith.cmpf oeq, %eq3A_220, %convert_element_type3A_218 : vector<256x2048xf32>
    %slice3A_222 = vector.extract_strided_slice %or3A {offsets = [0, 0], sizes = [1, 2048], strides = [1, 1]} : vector<2x2048xi1> to vector<1x2048xi1>
    %and3A_223 = vector.broadcast %slice3A_222 : vector<1x2048xi1> to vector<256x2048xi1>
    %and3A_224 = arith.andi %eq3A_221, %and3A_223 : vector<256x2048xi1>
    %jit3A = arith.constant 1.000000e+00 : f32
    %jit3A_225 = arith.constant 0.000000e+00 : f32
    %broadcast_in_dim3A_226 = vector.broadcast %jit3A : f32 to vector<256x2048xf32>
    %broadcast_in_dim3A_227 = vector.broadcast %jit3A_225 : f32 to vector<256x2048xf32>
    %select_n3A = arith.select %and3A_224, %broadcast_in_dim3A_226, %broadcast_in_dim3A_227 : vector<256x2048xi1>, vector<256x2048xf32>
    %slice3A_228 = vector.extract_strided_slice %sub3A_216 {offsets = [1, 0], sizes = [1, 2048], strides = [1, 1]} : vector<2x2048xf32> to vector<1x2048xf32>
    %eq3A_229 = vector.broadcast %slice3A_228 : vector<1x2048xf32> to vector<256x2048xf32>
    %eq3A_230 = arith.cmpf oeq, %eq3A_229, %convert_element_type3A_218 : vector<256x2048xf32>
    %slice3A_231 = vector.extract_strided_slice %or3A {offsets = [1, 0], sizes = [1, 2048], strides = [1, 1]} : vector<2x2048xi1> to vector<1x2048xi1>
    %and3A_232 = vector.broadcast %slice3A_231 : vector<1x2048xi1> to vector<256x2048xi1>
    %and3A_233 = arith.andi %eq3A_230, %and3A_232 : vector<256x2048xi1>
    %jit3A_234 = arith.constant 1.000000e+00 : f32
    %jit3A_235 = arith.constant 0.000000e+00 : f32
    %broadcast_in_dim3A_236 = vector.broadcast %jit3A_234 : f32 to vector<256x2048xf32>
    %broadcast_in_dim3A_237 = vector.broadcast %jit3A_235 : f32 to vector<256x2048xf32>
    %select_n3A_238 = arith.select %and3A_233, %broadcast_in_dim3A_236, %broadcast_in_dim3A_237 : vector<256x2048xi1>, vector<256x2048xf32>
    %get3A_239 = arith.constant 0 : index
    %get3A_240 = arith.constant 0 : index
    %get3A_241 = vector.load %arg1[%get3A_239, %get3A_240] : memref<4096x1024xf32, #tpu.memory_space<vmem>>, vector<2048x1024xf32>
    %get3A_242 = arith.constant 2048 : index
    %get3A_243 = arith.constant 0 : index
    %get3A_244 = vector.load %arg1[%get3A_242, %get3A_243] : memref<4096x1024xf32, #tpu.memory_space<vmem>>, vector<2048x1024xf32>
    %dot_general3A = arith.constant dense<0.000000e+00> : vector<256x1024xf32>
    %dot_general3A_245 = tpu.matmul %select_n3A, %get3A_241, %dot_general3A {dimension_numbers = #tpu.dot_dimension_numbers<[1], [0], [0], [1], [0, 0, 1, 1], [], []>, transpose_lhs_hint = false} : vector<256x2048xf32>, vector<2048x1024xf32>, vector<256x1024xf32> -> vector<256x1024xf32>
    %dot_general3A_246 = arith.constant dense<0.000000e+00> : vector<256x1024xf32>
    %dot_general3A_247 = tpu.matmul %select_n3A_238, %get3A_244, %dot_general3A_246 {dimension_numbers = #tpu.dot_dimension_numbers<[1], [0], [0], [1], [0, 0, 1, 1], [], []>, transpose_lhs_hint = false} : vector<256x2048xf32>, vector<2048x1024xf32>, vector<256x1024xf32> -> vector<256x1024xf32>
    %add3A_248 = arith.addf %dot_general3A_245, %dot_general3A_247 : vector<256x1024xf32>
    %iota3A_249 = tpu.iota {dimensions = array<i32: 1>} : vector<1x2048xi32>
    %convert_element_type3A_250 = arith.sitofp %iota3A_249 : vector<1x2048xi32> to vector<1x2048xf32>
    %mul3A_251 = vector.broadcast %convert_element_type3A_250 : vector<1x2048xf32> to vector<256x2048xf32>
    %mul3A_252 = arith.mulf %select_n3A, %mul3A_251 : vector<256x2048xf32>
    %reduce_sum3A = arith.constant dense<0.000000e+00> : vector<256xf32>
    %reduce_sum3A_253 = vector.multi_reduction <add>, %mul3A_252, %reduce_sum3A [1] : vector<256x2048xf32> to vector<256xf32>
    %broadcast_in_dim3A_254 = vector.shape_cast %reduce_sum3A_253 : vector<256xf32> to vector<256x1xf32>
    %add3A_255 = arith.constant 2.048000e+03 : f32
    %add3A_256 = vector.broadcast %add3A_255 : f32 to vector<1x2048xf32>
    %add3A_257 = arith.addf %convert_element_type3A_250, %add3A_256 : vector<1x2048xf32>
    %mul3A_258 = vector.broadcast %add3A_257 : vector<1x2048xf32> to vector<256x2048xf32>
    %mul3A_259 = arith.mulf %select_n3A_238, %mul3A_258 : vector<256x2048xf32>
    %reduce_sum3A_260 = arith.constant dense<0.000000e+00> : vector<256xf32>
    %reduce_sum3A_261 = vector.multi_reduction <add>, %mul3A_259, %reduce_sum3A_260 [1] : vector<256x2048xf32> to vector<256xf32>
    %broadcast_in_dim3A_262 = vector.shape_cast %reduce_sum3A_261 : vector<256xf32> to vector<256x1xf32>
    %add3A_263 = arith.addf %broadcast_in_dim3A_254, %broadcast_in_dim3A_262 : vector<256x1xf32>
    %reduce_sum3A_264 = arith.constant dense<0.000000e+00> : vector<256xf32>
    %reduce_sum3A_265 = vector.multi_reduction <add>, %select_n3A, %reduce_sum3A_264 [1] : vector<256x2048xf32> to vector<256xf32>
    %broadcast_in_dim3A_266 = vector.shape_cast %reduce_sum3A_265 : vector<256xf32> to vector<256x1xf32>
    %reduce_sum3A_267 = arith.constant dense<0.000000e+00> : vector<256xf32>
    %reduce_sum3A_268 = vector.multi_reduction <add>, %select_n3A_238, %reduce_sum3A_267 [1] : vector<256x2048xf32> to vector<256xf32>
    %broadcast_in_dim3A_269 = vector.shape_cast %reduce_sum3A_268 : vector<256xf32> to vector<256x1xf32>
    %add3A_270 = arith.addf %broadcast_in_dim3A_266, %broadcast_in_dim3A_269 : vector<256x1xf32>
    %gt3A_271 = arith.constant 5.000000e-01 : f32
    %gt3A_272 = vector.broadcast %gt3A_271 : f32 to vector<256x1xf32>
    %gt3A_273 = arith.cmpf ogt, %add3A_270, %gt3A_272 : vector<256x1xf32>
    %slice3A_274 = vector.extract_strided_slice %add3A_263 {offsets = [1, 0], sizes = [255, 1], strides = [1, 1]} : vector<256x1xf32> to vector<255x1xf32>
    %broadcast_in_dim3A_275 = arith.constant 4.096000e+03 : f32
    %broadcast_in_dim3A_276 = vector.broadcast %broadcast_in_dim3A_275 : f32 to vector<1x1xf32>
    %concatenate3A_277 = tpu.concatenate %slice3A_274, %broadcast_in_dim3A_276 in 0 : vector<255x1xf32>, vector<1x1xf32> -> vector<256x1xf32>
    %slice3A_278 = vector.extract_strided_slice %add3A_270 {offsets = [1, 0], sizes = [255, 1], strides = [1, 1]} : vector<256x1xf32> to vector<255x1xf32>
    %broadcast_in_dim3A_279 = arith.constant 0.000000e+00 : f32
    %broadcast_in_dim3A_280 = vector.broadcast %broadcast_in_dim3A_279 : f32 to vector<1x1xf32>
    %concatenate3A_281 = tpu.concatenate %slice3A_278, %broadcast_in_dim3A_280 in 0 : vector<255x1xf32>, vector<1x1xf32> -> vector<256x1xf32>
    %gt3A_282 = arith.constant 5.000000e-01 : f32
    %gt3A_283 = vector.broadcast %gt3A_282 : f32 to vector<256x1xf32>
    %gt3A_284 = arith.cmpf ogt, %concatenate3A_281, %gt3A_283 : vector<256x1xf32>
    %jit3A_285 = arith.constant 4.096000e+03 : f32
    %broadcast_in_dim3A_286 = vector.broadcast %jit3A_285 : f32 to vector<256x1xf32>
    %select_n3A_287 = arith.select %gt3A_284, %concatenate3A_277, %broadcast_in_dim3A_286 : vector<256x1xi1>, vector<256x1xf32>
    %sub3A_288 = arith.subf %select_n3A_287, %add3A_263 : vector<256x1xf32>
    %jit3A_289 = arith.constant 0.000000e+00 : f32
    %jit3A_290 = arith.constant 1.600000e+01 : f32
    %max3A_291 = vector.broadcast %jit3A_289 : f32 to vector<256x1xf32>
    %max3A_292 = arith.maximumf %max3A_291, %sub3A_288 : vector<256x1xf32>
    %min3A = vector.broadcast %jit3A_290 : f32 to vector<256x1xf32>
    %min3A_293 = arith.minimumf %min3A, %max3A_292 : vector<256x1xf32>
    %jit3A_294 = arith.constant 0.000000e+00 : f32
    %broadcast_in_dim3A_295 = vector.broadcast %jit3A_294 : f32 to vector<256x1xf32>
    %select_n3A_296 = arith.select %gt3A_273, %min3A_293, %broadcast_in_dim3A_295 : vector<256x1xi1>, vector<256x1xf32>
    %reduce_sum3A_297 = arith.constant dense<0.000000e+00> : vector<1024xf32>
    %reduce_sum3A_298 = vector.multi_reduction <add>, %get3A_241, %reduce_sum3A_297 [0] : vector<2048x1024xf32> to vector<1024xf32>
    %broadcast_in_dim3A_299 = vector.shape_cast %reduce_sum3A_298 : vector<1024xf32> to vector<1x1024xf32>
    %div3A_300 = arith.constant 2.048000e+03 : f32
    %div3A_301 = vector.broadcast %div3A_300 : f32 to vector<1x1024xf32>
    %div3A_302 = arith.divf %broadcast_in_dim3A_299, %div3A_301 : vector<1x1024xf32>
    %reduce_sum3A_303 = arith.constant dense<0.000000e+00> : vector<1024xf32>
    %reduce_sum3A_304 = vector.multi_reduction <add>, %get3A_244, %reduce_sum3A_303 [0] : vector<2048x1024xf32> to vector<1024xf32>
    %broadcast_in_dim3A_305 = vector.shape_cast %reduce_sum3A_304 : vector<1024xf32> to vector<1x1024xf32>
    %div3A_306 = arith.constant 2.048000e+03 : f32
    %div3A_307 = vector.broadcast %div3A_306 : f32 to vector<1x1024xf32>
    %div3A_308 = arith.divf %broadcast_in_dim3A_305, %div3A_307 : vector<1x1024xf32>
    %get3A_309 = arith.constant 0 : index
    %get3A_310 = arith.constant 0 : index
    %get3A_311 = vector.load %arg3[%get3A_309, %get3A_310] : memref<1x1024xf32, #tpu.memory_space<vmem>>, vector<1x1024xf32>
    %get3A_312 = arith.constant 0 : index
    %get3A_313 = arith.constant 0 : index
    %get3A_314 = vector.load %arg2[%get3A_312, %get3A_313] : memref<1024x1024xf32, #tpu.memory_space<vmem>>, vector<1024x1024xf32>
    %dot_general3A_315 = arith.constant dense<0.000000e+00> : vector<1x1024xf32>
    %dot_general3A_316 = tpu.matmul %div3A_302, %get3A_314, %dot_general3A_315 {dimension_numbers = #tpu.dot_dimension_numbers<[1], [0], [0], [1], [0, 0, 1, 1], [], []>, transpose_lhs_hint = false} : vector<1x1024xf32>, vector<1024x1024xf32>, vector<1x1024xf32> -> vector<1x1024xf32>
    %add3A_317 = arith.addf %dot_general3A_316, %get3A_311 : vector<1x1024xf32>
    %get3A_318 = arith.constant 0 : index
    %get3A_319 = arith.constant 0 : index
    %get3A_320 = vector.load %arg2[%get3A_318, %get3A_319] : memref<1024x1024xf32, #tpu.memory_space<vmem>>, vector<1024x1024xf32>
    %dot_general3A_321 = arith.constant dense<0.000000e+00> : vector<1x1024xf32>
    %dot_general3A_322 = tpu.matmul %div3A_308, %get3A_320, %dot_general3A_321 {dimension_numbers = #tpu.dot_dimension_numbers<[1], [0], [0], [1], [0, 0, 1, 1], [], []>, transpose_lhs_hint = false} : vector<1x1024xf32>, vector<1024x1024xf32>, vector<1x1024xf32> -> vector<1x1024xf32>
    %add3A_323 = arith.addf %dot_general3A_322, %get3A_311 : vector<1x1024xf32>
    %iota3A_324 = tpu.iota {dimensions = array<i32: 0>} : vector<256x1xi32>
    %convert_element_type3A_325 = arith.sitofp %iota3A_324 : vector<256x1xi32> to vector<256x1xf32>
    %min3A_326 = arith.constant 2.560000e+02 : f32
    %min3A_327 = vector.broadcast %min3A_326 : f32 to vector<1x1xf32>
    %min3A_328 = arith.minimumf %add3A_209, %min3A_327 : vector<1x1xf32>
    %iota3A_329 = tpu.iota {dimensions = array<i32: 0>} : vector<128x1xi32>
    %mul3A_330 = vector.broadcast %add3A_317 : vector<1x1024xf32> to vector<256x1024xf32>
    %mul3A_331 = arith.mulf %add3A_248, %mul3A_330 : vector<256x1024xf32>
    %reduce_sum3A_332 = arith.constant dense<0.000000e+00> : vector<256xf32>
    %reduce_sum3A_333 = vector.multi_reduction <add>, %mul3A_331, %reduce_sum3A_332 [1] : vector<256x1024xf32> to vector<256xf32>
    %broadcast_in_dim3A_334 = vector.shape_cast %reduce_sum3A_333 : vector<256xf32> to vector<256x1xf32>
    %broadcast_in_dim3A_335 = arith.constant 0.000000e+00 : f32
    %broadcast_in_dim3A_336 = vector.broadcast %broadcast_in_dim3A_335 : f32 to vector<128x1xf32>
    %broadcast_in_dim3A_337 = arith.constant 0.000000e+00 : f32
    %broadcast_in_dim3A_338 = vector.broadcast %broadcast_in_dim3A_337 : f32 to vector<128x1xf32>
    %reduce_max3A = arith.constant dense<0xFF800000> : vector<1xf32>
    %reduce_max3A_339 = vector.multi_reduction <maximumf>, %broadcast_in_dim3A_334, %reduce_max3A [0] : vector<256x1xf32> to vector<1xf32>
    %broadcast_in_dim3A_340 = vector.shape_cast %reduce_max3A_339 : vector<1xf32> to vector<1x1xf32>
    %eq3A_341 = vector.broadcast %broadcast_in_dim3A_340 : vector<1x1xf32> to vector<256x1xf32>
    %eq3A_342 = arith.cmpf oeq, %broadcast_in_dim3A_334, %eq3A_341 : vector<256x1xf32>
    %jit3A_343 = arith.constant 2.560000e+02 : f32
    %broadcast_in_dim3A_344 = vector.broadcast %jit3A_343 : f32 to vector<256x1xf32>
    %select_n3A_345 = arith.select %eq3A_342, %convert_element_type3A_325, %broadcast_in_dim3A_344 : vector<256x1xi1>, vector<256x1xf32>
    %reduce_min3A = arith.constant dense<0x7F800000> : vector<1xf32>
    %reduce_min3A_346 = vector.multi_reduction <minimumf>, %select_n3A_345, %reduce_min3A [0] : vector<256x1xf32> to vector<1xf32>
    %broadcast_in_dim3A_347 = vector.shape_cast %reduce_min3A_346 : vector<1xf32> to vector<1x1xf32>
    %eq3A_348 = vector.broadcast %broadcast_in_dim3A_347 : vector<1x1xf32> to vector<256x1xf32>
    %eq3A_349 = arith.cmpf oeq, %convert_element_type3A_325, %eq3A_348 : vector<256x1xf32>
    %jit3A_350 = arith.constant 0xFF800000 : f32
    %broadcast_in_dim3A_351 = vector.broadcast %jit3A_350 : f32 to vector<256x1xf32>
    %select_n3A_352 = arith.select %eq3A_349, %broadcast_in_dim3A_351, %broadcast_in_dim3A_334 : vector<256x1xi1>, vector<256x1xf32>
    %reduce_max3A_353 = arith.constant dense<0xFF800000> : vector<1xf32>
    %reduce_max3A_354 = vector.multi_reduction <maximumf>, %select_n3A_352, %reduce_max3A_353 [0] : vector<256x1xf32> to vector<1xf32>
    %broadcast_in_dim3A_355 = vector.shape_cast %reduce_max3A_354 : vector<1xf32> to vector<1x1xf32>
    %eq3A_356 = vector.broadcast %broadcast_in_dim3A_355 : vector<1x1xf32> to vector<256x1xf32>
    %eq3A_357 = arith.cmpf oeq, %select_n3A_352, %eq3A_356 : vector<256x1xf32>
    %jit3A_358 = arith.constant 2.560000e+02 : f32
    %broadcast_in_dim3A_359 = vector.broadcast %jit3A_358 : f32 to vector<256x1xf32>
    %select_n3A_360 = arith.select %eq3A_357, %convert_element_type3A_325, %broadcast_in_dim3A_359 : vector<256x1xi1>, vector<256x1xf32>
    %reduce_min3A_361 = arith.constant dense<0x7F800000> : vector<1xf32>
    %reduce_min3A_362 = vector.multi_reduction <minimumf>, %select_n3A_360, %reduce_min3A_361 [0] : vector<256x1xf32> to vector<1xf32>
    %broadcast_in_dim3A_363 = vector.shape_cast %reduce_min3A_362 : vector<1xf32> to vector<1x1xf32>
    %eq3A_364 = vector.broadcast %broadcast_in_dim3A_363 : vector<1x1xf32> to vector<256x1xf32>
    %eq3A_365 = arith.cmpf oeq, %convert_element_type3A_325, %eq3A_364 : vector<256x1xf32>
    %jit3A_366 = arith.constant 0xFF800000 : f32
    %broadcast_in_dim3A_367 = vector.broadcast %jit3A_366 : f32 to vector<256x1xf32>
    %select_n3A_368 = arith.select %eq3A_365, %broadcast_in_dim3A_367, %select_n3A_352 : vector<256x1xi1>, vector<256x1xf32>
    %reduce_max3A_369 = arith.constant dense<0xFF800000> : vector<1xf32>
    %reduce_max3A_370 = vector.multi_reduction <maximumf>, %select_n3A_368, %reduce_max3A_369 [0] : vector<256x1xf32> to vector<1xf32>
    %broadcast_in_dim3A_371 = vector.shape_cast %reduce_max3A_370 : vector<1xf32> to vector<1x1xf32>
    %eq3A_372 = vector.broadcast %broadcast_in_dim3A_371 : vector<1x1xf32> to vector<256x1xf32>
    %eq3A_373 = arith.cmpf oeq, %select_n3A_368, %eq3A_372 : vector<256x1xf32>
    %jit3A_374 = arith.constant 2.560000e+02 : f32
    %broadcast_in_dim3A_375 = vector.broadcast %jit3A_374 : f32 to vector<256x1xf32>
    %select_n3A_376 = arith.select %eq3A_373, %convert_element_type3A_325, %broadcast_in_dim3A_375 : vector<256x1xi1>, vector<256x1xf32>
    %reduce_min3A_377 = arith.constant dense<0x7F800000> : vector<1xf32>
    %reduce_min3A_378 = vector.multi_reduction <minimumf>, %select_n3A_376, %reduce_min3A_377 [0] : vector<256x1xf32> to vector<1xf32>
    %broadcast_in_dim3A_379 = vector.shape_cast %reduce_min3A_378 : vector<1xf32> to vector<1x1xf32>
    %eq3A_380 = vector.broadcast %broadcast_in_dim3A_379 : vector<1x1xf32> to vector<256x1xf32>
    %eq3A_381 = arith.cmpf oeq, %convert_element_type3A_325, %eq3A_380 : vector<256x1xf32>
    %jit3A_382 = arith.constant 0xFF800000 : f32
    %broadcast_in_dim3A_383 = vector.broadcast %jit3A_382 : f32 to vector<256x1xf32>
    %select_n3A_384 = arith.select %eq3A_381, %broadcast_in_dim3A_383, %select_n3A_368 : vector<256x1xi1>, vector<256x1xf32>
    %reduce_max3A_385 = arith.constant dense<0xFF800000> : vector<1xf32>
    %reduce_max3A_386 = vector.multi_reduction <maximumf>, %select_n3A_384, %reduce_max3A_385 [0] : vector<256x1xf32> to vector<1xf32>
    %broadcast_in_dim3A_387 = vector.shape_cast %reduce_max3A_386 : vector<1xf32> to vector<1x1xf32>
    %eq3A_388 = vector.broadcast %broadcast_in_dim3A_387 : vector<1x1xf32> to vector<256x1xf32>
    %eq3A_389 = arith.cmpf oeq, %select_n3A_384, %eq3A_388 : vector<256x1xf32>
    %jit3A_390 = arith.constant 2.560000e+02 : f32
    %broadcast_in_dim3A_391 = vector.broadcast %jit3A_390 : f32 to vector<256x1xf32>
    %select_n3A_392 = arith.select %eq3A_389, %convert_element_type3A_325, %broadcast_in_dim3A_391 : vector<256x1xi1>, vector<256x1xf32>
    %reduce_min3A_393 = arith.constant dense<0x7F800000> : vector<1xf32>
    %reduce_min3A_394 = vector.multi_reduction <minimumf>, %select_n3A_392, %reduce_min3A_393 [0] : vector<256x1xf32> to vector<1xf32>
    %broadcast_in_dim3A_395 = vector.shape_cast %reduce_min3A_394 : vector<1xf32> to vector<1x1xf32>
    %eq3A_396 = vector.broadcast %broadcast_in_dim3A_395 : vector<1x1xf32> to vector<256x1xf32>
    %eq3A_397 = arith.cmpf oeq, %convert_element_type3A_325, %eq3A_396 : vector<256x1xf32>
    %jit3A_398 = arith.constant 0xFF800000 : f32
    %broadcast_in_dim3A_399 = vector.broadcast %jit3A_398 : f32 to vector<256x1xf32>
    %select_n3A_400 = arith.select %eq3A_397, %broadcast_in_dim3A_399, %select_n3A_384 : vector<256x1xi1>, vector<256x1xf32>
    %reduce_max3A_401 = arith.constant dense<0xFF800000> : vector<1xf32>
    %reduce_max3A_402 = vector.multi_reduction <maximumf>, %select_n3A_400, %reduce_max3A_401 [0] : vector<256x1xf32> to vector<1xf32>
    %broadcast_in_dim3A_403 = vector.shape_cast %reduce_max3A_402 : vector<1xf32> to vector<1x1xf32>
    %eq3A_404 = vector.broadcast %broadcast_in_dim3A_403 : vector<1x1xf32> to vector<256x1xf32>
    %eq3A_405 = arith.cmpf oeq, %select_n3A_400, %eq3A_404 : vector<256x1xf32>
    %jit3A_406 = arith.constant 2.560000e+02 : f32
    %broadcast_in_dim3A_407 = vector.broadcast %jit3A_406 : f32 to vector<256x1xf32>
    %select_n3A_408 = arith.select %eq3A_405, %convert_element_type3A_325, %broadcast_in_dim3A_407 : vector<256x1xi1>, vector<256x1xf32>
    %reduce_min3A_409 = arith.constant dense<0x7F800000> : vector<1xf32>
    %reduce_min3A_410 = vector.multi_reduction <minimumf>, %select_n3A_408, %reduce_min3A_409 [0] : vector<256x1xf32> to vector<1xf32>
    %broadcast_in_dim3A_411 = vector.shape_cast %reduce_min3A_410 : vector<1xf32> to vector<1x1xf32>
    %eq3A_412 = vector.broadcast %broadcast_in_dim3A_411 : vector<1x1xf32> to vector<256x1xf32>
    %eq3A_413 = arith.cmpf oeq, %convert_element_type3A_325, %eq3A_412 : vector<256x1xf32>
    %jit3A_414 = arith.constant 0xFF800000 : f32
    %broadcast_in_dim3A_415 = vector.broadcast %jit3A_414 : f32 to vector<256x1xf32>
    %select_n3A_416 = arith.select %eq3A_413, %broadcast_in_dim3A_415, %select_n3A_400 : vector<256x1xi1>, vector<256x1xf32>
    %reduce_max3A_417 = arith.constant dense<0xFF800000> : vector<1xf32>
    %reduce_max3A_418 = vector.multi_reduction <maximumf>, %select_n3A_416, %reduce_max3A_417 [0] : vector<256x1xf32> to vector<1xf32>
    %broadcast_in_dim3A_419 = vector.shape_cast %reduce_max3A_418 : vector<1xf32> to vector<1x1xf32>
    %eq3A_420 = vector.broadcast %broadcast_in_dim3A_419 : vector<1x1xf32> to vector<256x1xf32>
    %eq3A_421 = arith.cmpf oeq, %select_n3A_416, %eq3A_420 : vector<256x1xf32>
    %jit3A_422 = arith.constant 2.560000e+02 : f32
    %broadcast_in_dim3A_423 = vector.broadcast %jit3A_422 : f32 to vector<256x1xf32>
    %select_n3A_424 = arith.select %eq3A_421, %convert_element_type3A_325, %broadcast_in_dim3A_423 : vector<256x1xi1>, vector<256x1xf32>
    %reduce_min3A_425 = arith.constant dense<0x7F800000> : vector<1xf32>
    %reduce_min3A_426 = vector.multi_reduction <minimumf>, %select_n3A_424, %reduce_min3A_425 [0] : vector<256x1xf32> to vector<1xf32>
    %broadcast_in_dim3A_427 = vector.shape_cast %reduce_min3A_426 : vector<1xf32> to vector<1x1xf32>
    %eq3A_428 = vector.broadcast %broadcast_in_dim3A_427 : vector<1x1xf32> to vector<256x1xf32>
    %eq3A_429 = arith.cmpf oeq, %convert_element_type3A_325, %eq3A_428 : vector<256x1xf32>
    %jit3A_430 = arith.constant 0xFF800000 : f32
    %broadcast_in_dim3A_431 = vector.broadcast %jit3A_430 : f32 to vector<256x1xf32>
    %select_n3A_432 = arith.select %eq3A_429, %broadcast_in_dim3A_431, %select_n3A_416 : vector<256x1xi1>, vector<256x1xf32>
    %reduce_max3A_433 = arith.constant dense<0xFF800000> : vector<1xf32>
    %reduce_max3A_434 = vector.multi_reduction <maximumf>, %select_n3A_432, %reduce_max3A_433 [0] : vector<256x1xf32> to vector<1xf32>
    %broadcast_in_dim3A_435 = vector.shape_cast %reduce_max3A_434 : vector<1xf32> to vector<1x1xf32>
    %eq3A_436 = vector.broadcast %broadcast_in_dim3A_435 : vector<1x1xf32> to vector<256x1xf32>
    %eq3A_437 = arith.cmpf oeq, %select_n3A_432, %eq3A_436 : vector<256x1xf32>
    %jit3A_438 = arith.constant 2.560000e+02 : f32
    %broadcast_in_dim3A_439 = vector.broadcast %jit3A_438 : f32 to vector<256x1xf32>
    %select_n3A_440 = arith.select %eq3A_437, %convert_element_type3A_325, %broadcast_in_dim3A_439 : vector<256x1xi1>, vector<256x1xf32>
    %reduce_min3A_441 = arith.constant dense<0x7F800000> : vector<1xf32>
    %reduce_min3A_442 = vector.multi_reduction <minimumf>, %select_n3A_440, %reduce_min3A_441 [0] : vector<256x1xf32> to vector<1xf32>
    %broadcast_in_dim3A_443 = vector.shape_cast %reduce_min3A_442 : vector<1xf32> to vector<1x1xf32>
    %eq3A_444 = vector.broadcast %broadcast_in_dim3A_443 : vector<1x1xf32> to vector<256x1xf32>
    %eq3A_445 = arith.cmpf oeq, %convert_element_type3A_325, %eq3A_444 : vector<256x1xf32>
    %jit3A_446 = arith.constant 0xFF800000 : f32
    %broadcast_in_dim3A_447 = vector.broadcast %jit3A_446 : f32 to vector<256x1xf32>
    %select_n3A_448 = arith.select %eq3A_445, %broadcast_in_dim3A_447, %select_n3A_432 : vector<256x1xi1>, vector<256x1xf32>
    %reduce_max3A_449 = arith.constant dense<0xFF800000> : vector<1xf32>
    %reduce_max3A_450 = vector.multi_reduction <maximumf>, %select_n3A_448, %reduce_max3A_449 [0] : vector<256x1xf32> to vector<1xf32>
    %broadcast_in_dim3A_451 = vector.shape_cast %reduce_max3A_450 : vector<1xf32> to vector<1x1xf32>
    %eq3A_452 = vector.broadcast %broadcast_in_dim3A_451 : vector<1x1xf32> to vector<256x1xf32>
    %eq3A_453 = arith.cmpf oeq, %select_n3A_448, %eq3A_452 : vector<256x1xf32>
    %jit3A_454 = arith.constant 2.560000e+02 : f32
    %broadcast_in_dim3A_455 = vector.broadcast %jit3A_454 : f32 to vector<256x1xf32>
    %select_n3A_456 = arith.select %eq3A_453, %convert_element_type3A_325, %broadcast_in_dim3A_455 : vector<256x1xi1>, vector<256x1xf32>
    %reduce_min3A_457 = arith.constant dense<0x7F800000> : vector<1xf32>
    %reduce_min3A_458 = vector.multi_reduction <minimumf>, %select_n3A_456, %reduce_min3A_457 [0] : vector<256x1xf32> to vector<1xf32>
    %broadcast_in_dim3A_459 = vector.shape_cast %reduce_min3A_458 : vector<1xf32> to vector<1x1xf32>
    %sub3A_460 = arith.subf %broadcast_in_dim3A_340, %broadcast_in_dim3A_340 : vector<1x1xf32>
    %exp3A = math.exp %sub3A_460 : vector<1x1xf32>
    %sub3A_461 = arith.subf %broadcast_in_dim3A_355, %broadcast_in_dim3A_340 : vector<1x1xf32>
    %exp3A_462 = math.exp %sub3A_461 : vector<1x1xf32>
    %sub3A_463 = arith.subf %broadcast_in_dim3A_371, %broadcast_in_dim3A_340 : vector<1x1xf32>
    %exp3A_464 = math.exp %sub3A_463 : vector<1x1xf32>
    %sub3A_465 = arith.subf %broadcast_in_dim3A_387, %broadcast_in_dim3A_340 : vector<1x1xf32>
    %exp3A_466 = math.exp %sub3A_465 : vector<1x1xf32>
    %sub3A_467 = arith.subf %broadcast_in_dim3A_403, %broadcast_in_dim3A_340 : vector<1x1xf32>
    %exp3A_468 = math.exp %sub3A_467 : vector<1x1xf32>
    %sub3A_469 = arith.subf %broadcast_in_dim3A_419, %broadcast_in_dim3A_340 : vector<1x1xf32>
    %exp3A_470 = math.exp %sub3A_469 : vector<1x1xf32>
    %sub3A_471 = arith.subf %broadcast_in_dim3A_435, %broadcast_in_dim3A_340 : vector<1x1xf32>
    %exp3A_472 = math.exp %sub3A_471 : vector<1x1xf32>
    %sub3A_473 = arith.subf %broadcast_in_dim3A_451, %broadcast_in_dim3A_340 : vector<1x1xf32>
    %exp3A_474 = math.exp %sub3A_473 : vector<1x1xf32>
    %add3A_475 = arith.addf %exp3A, %exp3A_462 : vector<1x1xf32>
    %add3A_476 = arith.addf %add3A_475, %exp3A_464 : vector<1x1xf32>
    %add3A_477 = arith.addf %add3A_476, %exp3A_466 : vector<1x1xf32>
    %add3A_478 = arith.addf %add3A_477, %exp3A_468 : vector<1x1xf32>
    %add3A_479 = arith.addf %add3A_478, %exp3A_470 : vector<1x1xf32>
    %add3A_480 = arith.addf %add3A_479, %exp3A_472 : vector<1x1xf32>
    %add3A_481 = arith.addf %add3A_480, %exp3A_474 : vector<1x1xf32>
    %div3A_482 = arith.divf %exp3A, %add3A_481 : vector<1x1xf32>
    %eq3A_483 = vector.broadcast %broadcast_in_dim3A_347 : vector<1x1xf32> to vector<256x1xf32>
    %eq3A_484 = arith.cmpf oeq, %convert_element_type3A_325, %eq3A_483 : vector<256x1xf32>
    %jit3A_485 = arith.constant 1.000000e+00 : f32
    %jit3A_486 = arith.constant 0.000000e+00 : f32
    %broadcast_in_dim3A_487 = vector.broadcast %jit3A_485 : f32 to vector<256x1xf32>
    %broadcast_in_dim3A_488 = vector.broadcast %jit3A_486 : f32 to vector<256x1xf32>
    %select_n3A_489 = arith.select %eq3A_484, %broadcast_in_dim3A_487, %broadcast_in_dim3A_488 : vector<256x1xi1>, vector<256x1xf32>
    %mul3A_490 = arith.mulf %select_n3A_489, %add3A_263 : vector<256x1xf32>
    %reduce_sum3A_491 = arith.constant dense<0.000000e+00> : vector<1xf32>
    %reduce_sum3A_492 = vector.multi_reduction <add>, %mul3A_490, %reduce_sum3A_491 [0] : vector<256x1xf32> to vector<1xf32>
    %broadcast_in_dim3A_493 = vector.shape_cast %reduce_sum3A_492 : vector<1xf32> to vector<1x1xf32>
    %mul3A_494 = arith.mulf %select_n3A_489, %select_n3A_296 : vector<256x1xf32>
    %reduce_sum3A_495 = arith.constant dense<0.000000e+00> : vector<1xf32>
    %reduce_sum3A_496 = vector.multi_reduction <add>, %mul3A_494, %reduce_sum3A_495 [0] : vector<256x1xf32> to vector<1xf32>
    %broadcast_in_dim3A_497 = vector.shape_cast %reduce_sum3A_496 : vector<1xf32> to vector<1x1xf32>
    %jit3A_498 = arith.constant 16 : i32
    %div3A_499 = vector.broadcast %jit3A_498 : i32 to vector<128x1xi32>
    %div3A_500 = arith.divsi %iota3A_329, %div3A_499 : vector<128x1xi32>
    %sign3A = arith.constant 0 : i32
    %sign3A_501 = vector.broadcast %sign3A : i32 to vector<128x1xi32>
    %sign3A_502 = arith.cmpi sgt, %iota3A_329, %sign3A_501 : vector<128x1xi32>
    %sign3A_503 = arith.extui %sign3A_502 : vector<128x1xi1> to vector<128x1xi32>
    %sign3A_504 = arith.constant 0 : i32
    %sign3A_505 = vector.broadcast %sign3A_504 : i32 to vector<128x1xi32>
    %sign3A_506 = arith.cmpi slt, %iota3A_329, %sign3A_505 : vector<128x1xi32>
    %sign3A_507 = arith.extui %sign3A_506 : vector<128x1xi1> to vector<128x1xi32>
    %sign3A_508 = arith.subi %sign3A_503, %sign3A_507 : vector<128x1xi32>
    %sign3A_509 = arith.constant 0 : i32
    %sign3A_510 = arith.cmpi sgt, %jit3A_498, %sign3A_509 : i32
    %sign3A_511 = arith.extui %sign3A_510 : i1 to i32
    %sign3A_512 = arith.constant 0 : i32
    %sign3A_513 = arith.cmpi slt, %jit3A_498, %sign3A_512 : i32
    %sign3A_514 = arith.extui %sign3A_513 : i1 to i32
    %sign3A_515 = arith.subi %sign3A_511, %sign3A_514 : i32
    %ne3A = vector.broadcast %sign3A_515 : i32 to vector<128x1xi32>
    %ne3A_516 = arith.cmpi ne, %sign3A_508, %ne3A : vector<128x1xi32>
    %rem3A = vector.broadcast %jit3A_498 : i32 to vector<128x1xi32>
    %rem3A_517 = arith.remsi %iota3A_329, %rem3A : vector<128x1xi32>
    %ne3A_518 = arith.constant 0 : i32
    %ne3A_519 = vector.broadcast %ne3A_518 : i32 to vector<128x1xi32>
    %ne3A_520 = arith.cmpi ne, %rem3A_517, %ne3A_519 : vector<128x1xi32>
    %and3A_521 = arith.andi %ne3A_516, %ne3A_520 : vector<128x1xi1>
    %sub3A_522 = arith.constant 1 : i32
    %sub3A_523 = vector.broadcast %sub3A_522 : i32 to vector<128x1xi32>
    %sub3A_524 = arith.subi %div3A_500, %sub3A_523 : vector<128x1xi32>
    %select_n3A_525 = arith.select %and3A_521, %sub3A_524, %div3A_500 : vector<128x1xi1>, vector<128x1xi32>
    %eq3A_526 = arith.constant 0 : i32
    %eq3A_527 = vector.broadcast %eq3A_526 : i32 to vector<128x1xi32>
    %eq3A_528 = arith.cmpi eq, %select_n3A_525, %eq3A_527 : vector<128x1xi32>
    %jit3A_529 = arith.constant 16 : i32
    %eq3A_530 = arith.constant 0 : i32
    %eq3A_531 = arith.cmpi eq, %jit3A_529, %eq3A_530 : i32
    %jit3A_532 = arith.constant 1 : i32
    %select_n3A_533 = arith.select %eq3A_531, %jit3A_532, %jit3A_529 : i32
    %rem3A_534 = vector.broadcast %select_n3A_533 : i32 to vector<128x1xi32>
    %rem3A_535 = arith.remsi %iota3A_329, %rem3A_534 : vector<128x1xi32>
    %ne3A_536 = arith.constant 0 : i32
    %ne3A_537 = vector.broadcast %ne3A_536 : i32 to vector<128x1xi32>
    %ne3A_538 = arith.cmpi ne, %rem3A_535, %ne3A_537 : vector<128x1xi32>
    %lt3A = arith.constant 0 : i32
    %lt3A_539 = vector.broadcast %lt3A : i32 to vector<128x1xi32>
    %lt3A_540 = arith.cmpi slt, %rem3A_535, %lt3A_539 : vector<128x1xi32>
    %lt3A_541 = arith.constant 0 : i32
    %lt3A_542 = arith.cmpi slt, %select_n3A_533, %lt3A_541 : i32
    %ne3A_543 = vector.broadcast %lt3A_542 : i1 to vector<128x1xi1>
    %ne3A_544 = vector.broadcast %ne3A_543 : vector<128x1xi1> to vector<128x1xi1>
    %ne3A_545 = arith.xori %lt3A_540, %ne3A_544 : vector<128x1xi1>
    %and3A_546 = arith.andi %ne3A_545, %ne3A_538 : vector<128x1xi1>
    %add3A_547 = vector.broadcast %select_n3A_533 : i32 to vector<128x1xi32>
    %add3A_548 = arith.addi %rem3A_535, %add3A_547 : vector<128x1xi32>
    %select_n3A_549 = arith.select %and3A_546, %add3A_548, %rem3A_535 : vector<128x1xi1>, vector<128x1xi32>
    %convert_element_type3A_550 = arith.sitofp %select_n3A_549 : vector<128x1xi32> to vector<128x1xf32>
    %add3A_551 = vector.broadcast %broadcast_in_dim3A_493 : vector<1x1xf32> to vector<128x1xf32>
    %add3A_552 = arith.addf %add3A_551, %convert_element_type3A_550 : vector<128x1xf32>
    %select_n3A_553 = arith.select %eq3A_528, %add3A_552, %broadcast_in_dim3A_336 : vector<128x1xi1>, vector<128x1xf32>
    %lt3A_554 = vector.broadcast %broadcast_in_dim3A_497 : vector<1x1xf32> to vector<128x1xf32>
    %lt3A_555 = arith.cmpf olt, %convert_element_type3A_550, %lt3A_554 : vector<128x1xf32>
    %and3A_556 = arith.andi %eq3A_528, %lt3A_555 : vector<128x1xi1>
    %broadcast_in_dim3A_557 = vector.shape_cast %div3A_482 : vector<1x1xf32> to vector<1x1xf32>
    %broadcast_in_dim3A_558 = vector.broadcast %broadcast_in_dim3A_557 : vector<1x1xf32> to vector<128x1xf32>
    %select_n3A_559 = arith.select %and3A_556, %broadcast_in_dim3A_558, %broadcast_in_dim3A_338 : vector<128x1xi1>, vector<128x1xf32>
    %div3A_560 = arith.divf %exp3A_462, %add3A_481 : vector<1x1xf32>
    %eq3A_561 = vector.broadcast %broadcast_in_dim3A_363 : vector<1x1xf32> to vector<256x1xf32>
    %eq3A_562 = arith.cmpf oeq, %convert_element_type3A_325, %eq3A_561 : vector<256x1xf32>
    %jit3A_563 = arith.constant 1.000000e+00 : f32
    %jit3A_564 = arith.constant 0.000000e+00 : f32
    %broadcast_in_dim3A_565 = vector.broadcast %jit3A_563 : f32 to vector<256x1xf32>
    %broadcast_in_dim3A_566 = vector.broadcast %jit3A_564 : f32 to vector<256x1xf32>
    %select_n3A_567 = arith.select %eq3A_562, %broadcast_in_dim3A_565, %broadcast_in_dim3A_566 : vector<256x1xi1>, vector<256x1xf32>
    %mul3A_568 = arith.mulf %select_n3A_567, %add3A_263 : vector<256x1xf32>
    %reduce_sum3A_569 = arith.constant dense<0.000000e+00> : vector<1xf32>
    %reduce_sum3A_570 = vector.multi_reduction <add>, %mul3A_568, %reduce_sum3A_569 [0] : vector<256x1xf32> to vector<1xf32>
    %broadcast_in_dim3A_571 = vector.shape_cast %reduce_sum3A_570 : vector<1xf32> to vector<1x1xf32>
    %mul3A_572 = arith.mulf %select_n3A_567, %select_n3A_296 : vector<256x1xf32>
    %reduce_sum3A_573 = arith.constant dense<0.000000e+00> : vector<1xf32>
    %reduce_sum3A_574 = vector.multi_reduction <add>, %mul3A_572, %reduce_sum3A_573 [0] : vector<256x1xf32> to vector<1xf32>
    %broadcast_in_dim3A_575 = vector.shape_cast %reduce_sum3A_574 : vector<1xf32> to vector<1x1xf32>
    %jit3A_576 = arith.constant 16 : i32
    %div3A_577 = vector.broadcast %jit3A_576 : i32 to vector<128x1xi32>
    %div3A_578 = arith.divsi %iota3A_329, %div3A_577 : vector<128x1xi32>
    %sign3A_579 = arith.constant 0 : i32
    %sign3A_580 = vector.broadcast %sign3A_579 : i32 to vector<128x1xi32>
    %sign3A_581 = arith.cmpi sgt, %iota3A_329, %sign3A_580 : vector<128x1xi32>
    %sign3A_582 = arith.extui %sign3A_581 : vector<128x1xi1> to vector<128x1xi32>
    %sign3A_583 = arith.constant 0 : i32
    %sign3A_584 = vector.broadcast %sign3A_583 : i32 to vector<128x1xi32>
    %sign3A_585 = arith.cmpi slt, %iota3A_329, %sign3A_584 : vector<128x1xi32>
    %sign3A_586 = arith.extui %sign3A_585 : vector<128x1xi1> to vector<128x1xi32>
    %sign3A_587 = arith.subi %sign3A_582, %sign3A_586 : vector<128x1xi32>
    %sign3A_588 = arith.constant 0 : i32
    %sign3A_589 = arith.cmpi sgt, %jit3A_576, %sign3A_588 : i32
    %sign3A_590 = arith.extui %sign3A_589 : i1 to i32
    %sign3A_591 = arith.constant 0 : i32
    %sign3A_592 = arith.cmpi slt, %jit3A_576, %sign3A_591 : i32
    %sign3A_593 = arith.extui %sign3A_592 : i1 to i32
    %sign3A_594 = arith.subi %sign3A_590, %sign3A_593 : i32
    %ne3A_595 = vector.broadcast %sign3A_594 : i32 to vector<128x1xi32>
    %ne3A_596 = arith.cmpi ne, %sign3A_587, %ne3A_595 : vector<128x1xi32>
    %rem3A_597 = vector.broadcast %jit3A_576 : i32 to vector<128x1xi32>
    %rem3A_598 = arith.remsi %iota3A_329, %rem3A_597 : vector<128x1xi32>
    %ne3A_599 = arith.constant 0 : i32
    %ne3A_600 = vector.broadcast %ne3A_599 : i32 to vector<128x1xi32>
    %ne3A_601 = arith.cmpi ne, %rem3A_598, %ne3A_600 : vector<128x1xi32>
    %and3A_602 = arith.andi %ne3A_596, %ne3A_601 : vector<128x1xi1>
    %sub3A_603 = arith.constant 1 : i32
    %sub3A_604 = vector.broadcast %sub3A_603 : i32 to vector<128x1xi32>
    %sub3A_605 = arith.subi %div3A_578, %sub3A_604 : vector<128x1xi32>
    %select_n3A_606 = arith.select %and3A_602, %sub3A_605, %div3A_578 : vector<128x1xi1>, vector<128x1xi32>
    %eq3A_607 = arith.constant 1 : i32
    %eq3A_608 = vector.broadcast %eq3A_607 : i32 to vector<128x1xi32>
    %eq3A_609 = arith.cmpi eq, %select_n3A_606, %eq3A_608 : vector<128x1xi32>
    %jit3A_610 = arith.constant 16 : i32
    %eq3A_611 = arith.constant 0 : i32
    %eq3A_612 = arith.cmpi eq, %jit3A_610, %eq3A_611 : i32
    %jit3A_613 = arith.constant 1 : i32
    %select_n3A_614 = arith.select %eq3A_612, %jit3A_613, %jit3A_610 : i32
    %rem3A_615 = vector.broadcast %select_n3A_614 : i32 to vector<128x1xi32>
    %rem3A_616 = arith.remsi %iota3A_329, %rem3A_615 : vector<128x1xi32>
    %ne3A_617 = arith.constant 0 : i32
    %ne3A_618 = vector.broadcast %ne3A_617 : i32 to vector<128x1xi32>
    %ne3A_619 = arith.cmpi ne, %rem3A_616, %ne3A_618 : vector<128x1xi32>
    %lt3A_620 = arith.constant 0 : i32
    %lt3A_621 = vector.broadcast %lt3A_620 : i32 to vector<128x1xi32>
    %lt3A_622 = arith.cmpi slt, %rem3A_616, %lt3A_621 : vector<128x1xi32>
    %lt3A_623 = arith.constant 0 : i32
    %lt3A_624 = arith.cmpi slt, %select_n3A_614, %lt3A_623 : i32
    %ne3A_625 = vector.broadcast %lt3A_624 : i1 to vector<128x1xi1>
    %ne3A_626 = vector.broadcast %ne3A_625 : vector<128x1xi1> to vector<128x1xi1>
    %ne3A_627 = arith.xori %lt3A_622, %ne3A_626 : vector<128x1xi1>
    %and3A_628 = arith.andi %ne3A_627, %ne3A_619 : vector<128x1xi1>
    %add3A_629 = vector.broadcast %select_n3A_614 : i32 to vector<128x1xi32>
    %add3A_630 = arith.addi %rem3A_616, %add3A_629 : vector<128x1xi32>
    %select_n3A_631 = arith.select %and3A_628, %add3A_630, %rem3A_616 : vector<128x1xi1>, vector<128x1xi32>
    %convert_element_type3A_632 = arith.sitofp %select_n3A_631 : vector<128x1xi32> to vector<128x1xf32>
    %add3A_633 = vector.broadcast %broadcast_in_dim3A_571 : vector<1x1xf32> to vector<128x1xf32>
    %add3A_634 = arith.addf %add3A_633, %convert_element_type3A_632 : vector<128x1xf32>
    %select_n3A_635 = arith.select %eq3A_609, %add3A_634, %select_n3A_553 : vector<128x1xi1>, vector<128x1xf32>
    %lt3A_636 = vector.broadcast %broadcast_in_dim3A_575 : vector<1x1xf32> to vector<128x1xf32>
    %lt3A_637 = arith.cmpf olt, %convert_element_type3A_632, %lt3A_636 : vector<128x1xf32>
    %and3A_638 = arith.andi %eq3A_609, %lt3A_637 : vector<128x1xi1>
    %broadcast_in_dim3A_639 = vector.shape_cast %div3A_560 : vector<1x1xf32> to vector<1x1xf32>
    %broadcast_in_dim3A_640 = vector.broadcast %broadcast_in_dim3A_639 : vector<1x1xf32> to vector<128x1xf32>
    %select_n3A_641 = arith.select %and3A_638, %broadcast_in_dim3A_640, %select_n3A_559 : vector<128x1xi1>, vector<128x1xf32>
    %div3A_642 = arith.divf %exp3A_464, %add3A_481 : vector<1x1xf32>
    %eq3A_643 = vector.broadcast %broadcast_in_dim3A_379 : vector<1x1xf32> to vector<256x1xf32>
    %eq3A_644 = arith.cmpf oeq, %convert_element_type3A_325, %eq3A_643 : vector<256x1xf32>
    %jit3A_645 = arith.constant 1.000000e+00 : f32
    %jit3A_646 = arith.constant 0.000000e+00 : f32
    %broadcast_in_dim3A_647 = vector.broadcast %jit3A_645 : f32 to vector<256x1xf32>
    %broadcast_in_dim3A_648 = vector.broadcast %jit3A_646 : f32 to vector<256x1xf32>
    %select_n3A_649 = arith.select %eq3A_644, %broadcast_in_dim3A_647, %broadcast_in_dim3A_648 : vector<256x1xi1>, vector<256x1xf32>
    %mul3A_650 = arith.mulf %select_n3A_649, %add3A_263 : vector<256x1xf32>
    %reduce_sum3A_651 = arith.constant dense<0.000000e+00> : vector<1xf32>
    %reduce_sum3A_652 = vector.multi_reduction <add>, %mul3A_650, %reduce_sum3A_651 [0] : vector<256x1xf32> to vector<1xf32>
    %broadcast_in_dim3A_653 = vector.shape_cast %reduce_sum3A_652 : vector<1xf32> to vector<1x1xf32>
    %mul3A_654 = arith.mulf %select_n3A_649, %select_n3A_296 : vector<256x1xf32>
    %reduce_sum3A_655 = arith.constant dense<0.000000e+00> : vector<1xf32>
    %reduce_sum3A_656 = vector.multi_reduction <add>, %mul3A_654, %reduce_sum3A_655 [0] : vector<256x1xf32> to vector<1xf32>
    %broadcast_in_dim3A_657 = vector.shape_cast %reduce_sum3A_656 : vector<1xf32> to vector<1x1xf32>
    %jit3A_658 = arith.constant 16 : i32
    %div3A_659 = vector.broadcast %jit3A_658 : i32 to vector<128x1xi32>
    %div3A_660 = arith.divsi %iota3A_329, %div3A_659 : vector<128x1xi32>
    %sign3A_661 = arith.constant 0 : i32
    %sign3A_662 = vector.broadcast %sign3A_661 : i32 to vector<128x1xi32>
    %sign3A_663 = arith.cmpi sgt, %iota3A_329, %sign3A_662 : vector<128x1xi32>
    %sign3A_664 = arith.extui %sign3A_663 : vector<128x1xi1> to vector<128x1xi32>
    %sign3A_665 = arith.constant 0 : i32
    %sign3A_666 = vector.broadcast %sign3A_665 : i32 to vector<128x1xi32>
    %sign3A_667 = arith.cmpi slt, %iota3A_329, %sign3A_666 : vector<128x1xi32>
    %sign3A_668 = arith.extui %sign3A_667 : vector<128x1xi1> to vector<128x1xi32>
    %sign3A_669 = arith.subi %sign3A_664, %sign3A_668 : vector<128x1xi32>
    %sign3A_670 = arith.constant 0 : i32
    %sign3A_671 = arith.cmpi sgt, %jit3A_658, %sign3A_670 : i32
    %sign3A_672 = arith.extui %sign3A_671 : i1 to i32
    %sign3A_673 = arith.constant 0 : i32
    %sign3A_674 = arith.cmpi slt, %jit3A_658, %sign3A_673 : i32
    %sign3A_675 = arith.extui %sign3A_674 : i1 to i32
    %sign3A_676 = arith.subi %sign3A_672, %sign3A_675 : i32
    %ne3A_677 = vector.broadcast %sign3A_676 : i32 to vector<128x1xi32>
    %ne3A_678 = arith.cmpi ne, %sign3A_669, %ne3A_677 : vector<128x1xi32>
    %rem3A_679 = vector.broadcast %jit3A_658 : i32 to vector<128x1xi32>
    %rem3A_680 = arith.remsi %iota3A_329, %rem3A_679 : vector<128x1xi32>
    %ne3A_681 = arith.constant 0 : i32
    %ne3A_682 = vector.broadcast %ne3A_681 : i32 to vector<128x1xi32>
    %ne3A_683 = arith.cmpi ne, %rem3A_680, %ne3A_682 : vector<128x1xi32>
    %and3A_684 = arith.andi %ne3A_678, %ne3A_683 : vector<128x1xi1>
    %sub3A_685 = arith.constant 1 : i32
    %sub3A_686 = vector.broadcast %sub3A_685 : i32 to vector<128x1xi32>
    %sub3A_687 = arith.subi %div3A_660, %sub3A_686 : vector<128x1xi32>
    %select_n3A_688 = arith.select %and3A_684, %sub3A_687, %div3A_660 : vector<128x1xi1>, vector<128x1xi32>
    %eq3A_689 = arith.constant 2 : i32
    %eq3A_690 = vector.broadcast %eq3A_689 : i32 to vector<128x1xi32>
    %eq3A_691 = arith.cmpi eq, %select_n3A_688, %eq3A_690 : vector<128x1xi32>
    %jit3A_692 = arith.constant 16 : i32
    %eq3A_693 = arith.constant 0 : i32
    %eq3A_694 = arith.cmpi eq, %jit3A_692, %eq3A_693 : i32
    %jit3A_695 = arith.constant 1 : i32
    %select_n3A_696 = arith.select %eq3A_694, %jit3A_695, %jit3A_692 : i32
    %rem3A_697 = vector.broadcast %select_n3A_696 : i32 to vector<128x1xi32>
    %rem3A_698 = arith.remsi %iota3A_329, %rem3A_697 : vector<128x1xi32>
    %ne3A_699 = arith.constant 0 : i32
    %ne3A_700 = vector.broadcast %ne3A_699 : i32 to vector<128x1xi32>
    %ne3A_701 = arith.cmpi ne, %rem3A_698, %ne3A_700 : vector<128x1xi32>
    %lt3A_702 = arith.constant 0 : i32
    %lt3A_703 = vector.broadcast %lt3A_702 : i32 to vector<128x1xi32>
    %lt3A_704 = arith.cmpi slt, %rem3A_698, %lt3A_703 : vector<128x1xi32>
    %lt3A_705 = arith.constant 0 : i32
    %lt3A_706 = arith.cmpi slt, %select_n3A_696, %lt3A_705 : i32
    %ne3A_707 = vector.broadcast %lt3A_706 : i1 to vector<128x1xi1>
    %ne3A_708 = vector.broadcast %ne3A_707 : vector<128x1xi1> to vector<128x1xi1>
    %ne3A_709 = arith.xori %lt3A_704, %ne3A_708 : vector<128x1xi1>
    %and3A_710 = arith.andi %ne3A_709, %ne3A_701 : vector<128x1xi1>
    %add3A_711 = vector.broadcast %select_n3A_696 : i32 to vector<128x1xi32>
    %add3A_712 = arith.addi %rem3A_698, %add3A_711 : vector<128x1xi32>
    %select_n3A_713 = arith.select %and3A_710, %add3A_712, %rem3A_698 : vector<128x1xi1>, vector<128x1xi32>
    %convert_element_type3A_714 = arith.sitofp %select_n3A_713 : vector<128x1xi32> to vector<128x1xf32>
    %add3A_715 = vector.broadcast %broadcast_in_dim3A_653 : vector<1x1xf32> to vector<128x1xf32>
    %add3A_716 = arith.addf %add3A_715, %convert_element_type3A_714 : vector<128x1xf32>
    %select_n3A_717 = arith.select %eq3A_691, %add3A_716, %select_n3A_635 : vector<128x1xi1>, vector<128x1xf32>
    %lt3A_718 = vector.broadcast %broadcast_in_dim3A_657 : vector<1x1xf32> to vector<128x1xf32>
    %lt3A_719 = arith.cmpf olt, %convert_element_type3A_714, %lt3A_718 : vector<128x1xf32>
    %and3A_720 = arith.andi %eq3A_691, %lt3A_719 : vector<128x1xi1>
    %broadcast_in_dim3A_721 = vector.shape_cast %div3A_642 : vector<1x1xf32> to vector<1x1xf32>
    %broadcast_in_dim3A_722 = vector.broadcast %broadcast_in_dim3A_721 : vector<1x1xf32> to vector<128x1xf32>
    %select_n3A_723 = arith.select %and3A_720, %broadcast_in_dim3A_722, %select_n3A_641 : vector<128x1xi1>, vector<128x1xf32>
    %div3A_724 = arith.divf %exp3A_466, %add3A_481 : vector<1x1xf32>
    %eq3A_725 = vector.broadcast %broadcast_in_dim3A_395 : vector<1x1xf32> to vector<256x1xf32>
    %eq3A_726 = arith.cmpf oeq, %convert_element_type3A_325, %eq3A_725 : vector<256x1xf32>
    %jit3A_727 = arith.constant 1.000000e+00 : f32
    %jit3A_728 = arith.constant 0.000000e+00 : f32
    %broadcast_in_dim3A_729 = vector.broadcast %jit3A_727 : f32 to vector<256x1xf32>
    %broadcast_in_dim3A_730 = vector.broadcast %jit3A_728 : f32 to vector<256x1xf32>
    %select_n3A_731 = arith.select %eq3A_726, %broadcast_in_dim3A_729, %broadcast_in_dim3A_730 : vector<256x1xi1>, vector<256x1xf32>
    %mul3A_732 = arith.mulf %select_n3A_731, %add3A_263 : vector<256x1xf32>
    %reduce_sum3A_733 = arith.constant dense<0.000000e+00> : vector<1xf32>
    %reduce_sum3A_734 = vector.multi_reduction <add>, %mul3A_732, %reduce_sum3A_733 [0] : vector<256x1xf32> to vector<1xf32>
    %broadcast_in_dim3A_735 = vector.shape_cast %reduce_sum3A_734 : vector<1xf32> to vector<1x1xf32>
    %mul3A_736 = arith.mulf %select_n3A_731, %select_n3A_296 : vector<256x1xf32>
    %reduce_sum3A_737 = arith.constant dense<0.000000e+00> : vector<1xf32>
    %reduce_sum3A_738 = vector.multi_reduction <add>, %mul3A_736, %reduce_sum3A_737 [0] : vector<256x1xf32> to vector<1xf32>
    %broadcast_in_dim3A_739 = vector.shape_cast %reduce_sum3A_738 : vector<1xf32> to vector<1x1xf32>
    %jit3A_740 = arith.constant 16 : i32
    %div3A_741 = vector.broadcast %jit3A_740 : i32 to vector<128x1xi32>
    %div3A_742 = arith.divsi %iota3A_329, %div3A_741 : vector<128x1xi32>
    %sign3A_743 = arith.constant 0 : i32
    %sign3A_744 = vector.broadcast %sign3A_743 : i32 to vector<128x1xi32>
    %sign3A_745 = arith.cmpi sgt, %iota3A_329, %sign3A_744 : vector<128x1xi32>
    %sign3A_746 = arith.extui %sign3A_745 : vector<128x1xi1> to vector<128x1xi32>
    %sign3A_747 = arith.constant 0 : i32
    %sign3A_748 = vector.broadcast %sign3A_747 : i32 to vector<128x1xi32>
    %sign3A_749 = arith.cmpi slt, %iota3A_329, %sign3A_748 : vector<128x1xi32>
    %sign3A_750 = arith.extui %sign3A_749 : vector<128x1xi1> to vector<128x1xi32>
    %sign3A_751 = arith.subi %sign3A_746, %sign3A_750 : vector<128x1xi32>
    %sign3A_752 = arith.constant 0 : i32
    %sign3A_753 = arith.cmpi sgt, %jit3A_740, %sign3A_752 : i32
    %sign3A_754 = arith.extui %sign3A_753 : i1 to i32
    %sign3A_755 = arith.constant 0 : i32
    %sign3A_756 = arith.cmpi slt, %jit3A_740, %sign3A_755 : i32
    %sign3A_757 = arith.extui %sign3A_756 : i1 to i32
    %sign3A_758 = arith.subi %sign3A_754, %sign3A_757 : i32
    %ne3A_759 = vector.broadcast %sign3A_758 : i32 to vector<128x1xi32>
    %ne3A_760 = arith.cmpi ne, %sign3A_751, %ne3A_759 : vector<128x1xi32>
    %rem3A_761 = vector.broadcast %jit3A_740 : i32 to vector<128x1xi32>
    %rem3A_762 = arith.remsi %iota3A_329, %rem3A_761 : vector<128x1xi32>
    %ne3A_763 = arith.constant 0 : i32
    %ne3A_764 = vector.broadcast %ne3A_763 : i32 to vector<128x1xi32>
    %ne3A_765 = arith.cmpi ne, %rem3A_762, %ne3A_764 : vector<128x1xi32>
    %and3A_766 = arith.andi %ne3A_760, %ne3A_765 : vector<128x1xi1>
    %sub3A_767 = arith.constant 1 : i32
    %sub3A_768 = vector.broadcast %sub3A_767 : i32 to vector<128x1xi32>
    %sub3A_769 = arith.subi %div3A_742, %sub3A_768 : vector<128x1xi32>
    %select_n3A_770 = arith.select %and3A_766, %sub3A_769, %div3A_742 : vector<128x1xi1>, vector<128x1xi32>
    %eq3A_771 = arith.constant 3 : i32
    %eq3A_772 = vector.broadcast %eq3A_771 : i32 to vector<128x1xi32>
    %eq3A_773 = arith.cmpi eq, %select_n3A_770, %eq3A_772 : vector<128x1xi32>
    %jit3A_774 = arith.constant 16 : i32
    %eq3A_775 = arith.constant 0 : i32
    %eq3A_776 = arith.cmpi eq, %jit3A_774, %eq3A_775 : i32
    %jit3A_777 = arith.constant 1 : i32
    %select_n3A_778 = arith.select %eq3A_776, %jit3A_777, %jit3A_774 : i32
    %rem3A_779 = vector.broadcast %select_n3A_778 : i32 to vector<128x1xi32>
    %rem3A_780 = arith.remsi %iota3A_329, %rem3A_779 : vector<128x1xi32>
    %ne3A_781 = arith.constant 0 : i32
    %ne3A_782 = vector.broadcast %ne3A_781 : i32 to vector<128x1xi32>
    %ne3A_783 = arith.cmpi ne, %rem3A_780, %ne3A_782 : vector<128x1xi32>
    %lt3A_784 = arith.constant 0 : i32
    %lt3A_785 = vector.broadcast %lt3A_784 : i32 to vector<128x1xi32>
    %lt3A_786 = arith.cmpi slt, %rem3A_780, %lt3A_785 : vector<128x1xi32>
    %lt3A_787 = arith.constant 0 : i32
    %lt3A_788 = arith.cmpi slt, %select_n3A_778, %lt3A_787 : i32
    %ne3A_789 = vector.broadcast %lt3A_788 : i1 to vector<128x1xi1>
    %ne3A_790 = vector.broadcast %ne3A_789 : vector<128x1xi1> to vector<128x1xi1>
    %ne3A_791 = arith.xori %lt3A_786, %ne3A_790 : vector<128x1xi1>
    %and3A_792 = arith.andi %ne3A_791, %ne3A_783 : vector<128x1xi1>
    %add3A_793 = vector.broadcast %select_n3A_778 : i32 to vector<128x1xi32>
    %add3A_794 = arith.addi %rem3A_780, %add3A_793 : vector<128x1xi32>
    %select_n3A_795 = arith.select %and3A_792, %add3A_794, %rem3A_780 : vector<128x1xi1>, vector<128x1xi32>
    %convert_element_type3A_796 = arith.sitofp %select_n3A_795 : vector<128x1xi32> to vector<128x1xf32>
    %add3A_797 = vector.broadcast %broadcast_in_dim3A_735 : vector<1x1xf32> to vector<128x1xf32>
    %add3A_798 = arith.addf %add3A_797, %convert_element_type3A_796 : vector<128x1xf32>
    %select_n3A_799 = arith.select %eq3A_773, %add3A_798, %select_n3A_717 : vector<128x1xi1>, vector<128x1xf32>
    %lt3A_800 = vector.broadcast %broadcast_in_dim3A_739 : vector<1x1xf32> to vector<128x1xf32>
    %lt3A_801 = arith.cmpf olt, %convert_element_type3A_796, %lt3A_800 : vector<128x1xf32>
    %and3A_802 = arith.andi %eq3A_773, %lt3A_801 : vector<128x1xi1>
    %broadcast_in_dim3A_803 = vector.shape_cast %div3A_724 : vector<1x1xf32> to vector<1x1xf32>
    %broadcast_in_dim3A_804 = vector.broadcast %broadcast_in_dim3A_803 : vector<1x1xf32> to vector<128x1xf32>
    %select_n3A_805 = arith.select %and3A_802, %broadcast_in_dim3A_804, %select_n3A_723 : vector<128x1xi1>, vector<128x1xf32>
    %div3A_806 = arith.divf %exp3A_468, %add3A_481 : vector<1x1xf32>
    %eq3A_807 = vector.broadcast %broadcast_in_dim3A_411 : vector<1x1xf32> to vector<256x1xf32>
    %eq3A_808 = arith.cmpf oeq, %convert_element_type3A_325, %eq3A_807 : vector<256x1xf32>
    %jit3A_809 = arith.constant 1.000000e+00 : f32
    %jit3A_810 = arith.constant 0.000000e+00 : f32
    %broadcast_in_dim3A_811 = vector.broadcast %jit3A_809 : f32 to vector<256x1xf32>
    %broadcast_in_dim3A_812 = vector.broadcast %jit3A_810 : f32 to vector<256x1xf32>
    %select_n3A_813 = arith.select %eq3A_808, %broadcast_in_dim3A_811, %broadcast_in_dim3A_812 : vector<256x1xi1>, vector<256x1xf32>
    %mul3A_814 = arith.mulf %select_n3A_813, %add3A_263 : vector<256x1xf32>
    %reduce_sum3A_815 = arith.constant dense<0.000000e+00> : vector<1xf32>
    %reduce_sum3A_816 = vector.multi_reduction <add>, %mul3A_814, %reduce_sum3A_815 [0] : vector<256x1xf32> to vector<1xf32>
    %broadcast_in_dim3A_817 = vector.shape_cast %reduce_sum3A_816 : vector<1xf32> to vector<1x1xf32>
    %mul3A_818 = arith.mulf %select_n3A_813, %select_n3A_296 : vector<256x1xf32>
    %reduce_sum3A_819 = arith.constant dense<0.000000e+00> : vector<1xf32>
    %reduce_sum3A_820 = vector.multi_reduction <add>, %mul3A_818, %reduce_sum3A_819 [0] : vector<256x1xf32> to vector<1xf32>
    %broadcast_in_dim3A_821 = vector.shape_cast %reduce_sum3A_820 : vector<1xf32> to vector<1x1xf32>
    %jit3A_822 = arith.constant 16 : i32
    %div3A_823 = vector.broadcast %jit3A_822 : i32 to vector<128x1xi32>
    %div3A_824 = arith.divsi %iota3A_329, %div3A_823 : vector<128x1xi32>
    %sign3A_825 = arith.constant 0 : i32
    %sign3A_826 = vector.broadcast %sign3A_825 : i32 to vector<128x1xi32>
    %sign3A_827 = arith.cmpi sgt, %iota3A_329, %sign3A_826 : vector<128x1xi32>
    %sign3A_828 = arith.extui %sign3A_827 : vector<128x1xi1> to vector<128x1xi32>
    %sign3A_829 = arith.constant 0 : i32
    %sign3A_830 = vector.broadcast %sign3A_829 : i32 to vector<128x1xi32>
    %sign3A_831 = arith.cmpi slt, %iota3A_329, %sign3A_830 : vector<128x1xi32>
    %sign3A_832 = arith.extui %sign3A_831 : vector<128x1xi1> to vector<128x1xi32>
    %sign3A_833 = arith.subi %sign3A_828, %sign3A_832 : vector<128x1xi32>
    %sign3A_834 = arith.constant 0 : i32
    %sign3A_835 = arith.cmpi sgt, %jit3A_822, %sign3A_834 : i32
    %sign3A_836 = arith.extui %sign3A_835 : i1 to i32
    %sign3A_837 = arith.constant 0 : i32
    %sign3A_838 = arith.cmpi slt, %jit3A_822, %sign3A_837 : i32
    %sign3A_839 = arith.extui %sign3A_838 : i1 to i32
    %sign3A_840 = arith.subi %sign3A_836, %sign3A_839 : i32
    %ne3A_841 = vector.broadcast %sign3A_840 : i32 to vector<128x1xi32>
    %ne3A_842 = arith.cmpi ne, %sign3A_833, %ne3A_841 : vector<128x1xi32>
    %rem3A_843 = vector.broadcast %jit3A_822 : i32 to vector<128x1xi32>
    %rem3A_844 = arith.remsi %iota3A_329, %rem3A_843 : vector<128x1xi32>
    %ne3A_845 = arith.constant 0 : i32
    %ne3A_846 = vector.broadcast %ne3A_845 : i32 to vector<128x1xi32>
    %ne3A_847 = arith.cmpi ne, %rem3A_844, %ne3A_846 : vector<128x1xi32>
    %and3A_848 = arith.andi %ne3A_842, %ne3A_847 : vector<128x1xi1>
    %sub3A_849 = arith.constant 1 : i32
    %sub3A_850 = vector.broadcast %sub3A_849 : i32 to vector<128x1xi32>
    %sub3A_851 = arith.subi %div3A_824, %sub3A_850 : vector<128x1xi32>
    %select_n3A_852 = arith.select %and3A_848, %sub3A_851, %div3A_824 : vector<128x1xi1>, vector<128x1xi32>
    %eq3A_853 = arith.constant 4 : i32
    %eq3A_854 = vector.broadcast %eq3A_853 : i32 to vector<128x1xi32>
    %eq3A_855 = arith.cmpi eq, %select_n3A_852, %eq3A_854 : vector<128x1xi32>
    %jit3A_856 = arith.constant 16 : i32
    %eq3A_857 = arith.constant 0 : i32
    %eq3A_858 = arith.cmpi eq, %jit3A_856, %eq3A_857 : i32
    %jit3A_859 = arith.constant 1 : i32
    %select_n3A_860 = arith.select %eq3A_858, %jit3A_859, %jit3A_856 : i32
    %rem3A_861 = vector.broadcast %select_n3A_860 : i32 to vector<128x1xi32>
    %rem3A_862 = arith.remsi %iota3A_329, %rem3A_861 : vector<128x1xi32>
    %ne3A_863 = arith.constant 0 : i32
    %ne3A_864 = vector.broadcast %ne3A_863 : i32 to vector<128x1xi32>
    %ne3A_865 = arith.cmpi ne, %rem3A_862, %ne3A_864 : vector<128x1xi32>
    %lt3A_866 = arith.constant 0 : i32
    %lt3A_867 = vector.broadcast %lt3A_866 : i32 to vector<128x1xi32>
    %lt3A_868 = arith.cmpi slt, %rem3A_862, %lt3A_867 : vector<128x1xi32>
    %lt3A_869 = arith.constant 0 : i32
    %lt3A_870 = arith.cmpi slt, %select_n3A_860, %lt3A_869 : i32
    %ne3A_871 = vector.broadcast %lt3A_870 : i1 to vector<128x1xi1>
    %ne3A_872 = vector.broadcast %ne3A_871 : vector<128x1xi1> to vector<128x1xi1>
    %ne3A_873 = arith.xori %lt3A_868, %ne3A_872 : vector<128x1xi1>
    %and3A_874 = arith.andi %ne3A_873, %ne3A_865 : vector<128x1xi1>
    %add3A_875 = vector.broadcast %select_n3A_860 : i32 to vector<128x1xi32>
    %add3A_876 = arith.addi %rem3A_862, %add3A_875 : vector<128x1xi32>
    %select_n3A_877 = arith.select %and3A_874, %add3A_876, %rem3A_862 : vector<128x1xi1>, vector<128x1xi32>
    %convert_element_type3A_878 = arith.sitofp %select_n3A_877 : vector<128x1xi32> to vector<128x1xf32>
    %add3A_879 = vector.broadcast %broadcast_in_dim3A_817 : vector<1x1xf32> to vector<128x1xf32>
    %add3A_880 = arith.addf %add3A_879, %convert_element_type3A_878 : vector<128x1xf32>
    %select_n3A_881 = arith.select %eq3A_855, %add3A_880, %select_n3A_799 : vector<128x1xi1>, vector<128x1xf32>
    %lt3A_882 = vector.broadcast %broadcast_in_dim3A_821 : vector<1x1xf32> to vector<128x1xf32>
    %lt3A_883 = arith.cmpf olt, %convert_element_type3A_878, %lt3A_882 : vector<128x1xf32>
    %and3A_884 = arith.andi %eq3A_855, %lt3A_883 : vector<128x1xi1>
    %broadcast_in_dim3A_885 = vector.shape_cast %div3A_806 : vector<1x1xf32> to vector<1x1xf32>
    %broadcast_in_dim3A_886 = vector.broadcast %broadcast_in_dim3A_885 : vector<1x1xf32> to vector<128x1xf32>
    %select_n3A_887 = arith.select %and3A_884, %broadcast_in_dim3A_886, %select_n3A_805 : vector<128x1xi1>, vector<128x1xf32>
    %div3A_888 = arith.divf %exp3A_470, %add3A_481 : vector<1x1xf32>
    %eq3A_889 = vector.broadcast %broadcast_in_dim3A_427 : vector<1x1xf32> to vector<256x1xf32>
    %eq3A_890 = arith.cmpf oeq, %convert_element_type3A_325, %eq3A_889 : vector<256x1xf32>
    %jit3A_891 = arith.constant 1.000000e+00 : f32
    %jit3A_892 = arith.constant 0.000000e+00 : f32
    %broadcast_in_dim3A_893 = vector.broadcast %jit3A_891 : f32 to vector<256x1xf32>
    %broadcast_in_dim3A_894 = vector.broadcast %jit3A_892 : f32 to vector<256x1xf32>
    %select_n3A_895 = arith.select %eq3A_890, %broadcast_in_dim3A_893, %broadcast_in_dim3A_894 : vector<256x1xi1>, vector<256x1xf32>
    %mul3A_896 = arith.mulf %select_n3A_895, %add3A_263 : vector<256x1xf32>
    %reduce_sum3A_897 = arith.constant dense<0.000000e+00> : vector<1xf32>
    %reduce_sum3A_898 = vector.multi_reduction <add>, %mul3A_896, %reduce_sum3A_897 [0] : vector<256x1xf32> to vector<1xf32>
    %broadcast_in_dim3A_899 = vector.shape_cast %reduce_sum3A_898 : vector<1xf32> to vector<1x1xf32>
    %mul3A_900 = arith.mulf %select_n3A_895, %select_n3A_296 : vector<256x1xf32>
    %reduce_sum3A_901 = arith.constant dense<0.000000e+00> : vector<1xf32>
    %reduce_sum3A_902 = vector.multi_reduction <add>, %mul3A_900, %reduce_sum3A_901 [0] : vector<256x1xf32> to vector<1xf32>
    %broadcast_in_dim3A_903 = vector.shape_cast %reduce_sum3A_902 : vector<1xf32> to vector<1x1xf32>
    %jit3A_904 = arith.constant 16 : i32
    %div3A_905 = vector.broadcast %jit3A_904 : i32 to vector<128x1xi32>
    %div3A_906 = arith.divsi %iota3A_329, %div3A_905 : vector<128x1xi32>
    %sign3A_907 = arith.constant 0 : i32
    %sign3A_908 = vector.broadcast %sign3A_907 : i32 to vector<128x1xi32>
    %sign3A_909 = arith.cmpi sgt, %iota3A_329, %sign3A_908 : vector<128x1xi32>
    %sign3A_910 = arith.extui %sign3A_909 : vector<128x1xi1> to vector<128x1xi32>
    %sign3A_911 = arith.constant 0 : i32
    %sign3A_912 = vector.broadcast %sign3A_911 : i32 to vector<128x1xi32>
    %sign3A_913 = arith.cmpi slt, %iota3A_329, %sign3A_912 : vector<128x1xi32>
    %sign3A_914 = arith.extui %sign3A_913 : vector<128x1xi1> to vector<128x1xi32>
    %sign3A_915 = arith.subi %sign3A_910, %sign3A_914 : vector<128x1xi32>
    %sign3A_916 = arith.constant 0 : i32
    %sign3A_917 = arith.cmpi sgt, %jit3A_904, %sign3A_916 : i32
    %sign3A_918 = arith.extui %sign3A_917 : i1 to i32
    %sign3A_919 = arith.constant 0 : i32
    %sign3A_920 = arith.cmpi slt, %jit3A_904, %sign3A_919 : i32
    %sign3A_921 = arith.extui %sign3A_920 : i1 to i32
    %sign3A_922 = arith.subi %sign3A_918, %sign3A_921 : i32
    %ne3A_923 = vector.broadcast %sign3A_922 : i32 to vector<128x1xi32>
    %ne3A_924 = arith.cmpi ne, %sign3A_915, %ne3A_923 : vector<128x1xi32>
    %rem3A_925 = vector.broadcast %jit3A_904 : i32 to vector<128x1xi32>
    %rem3A_926 = arith.remsi %iota3A_329, %rem3A_925 : vector<128x1xi32>
    %ne3A_927 = arith.constant 0 : i32
    %ne3A_928 = vector.broadcast %ne3A_927 : i32 to vector<128x1xi32>
    %ne3A_929 = arith.cmpi ne, %rem3A_926, %ne3A_928 : vector<128x1xi32>
    %and3A_930 = arith.andi %ne3A_924, %ne3A_929 : vector<128x1xi1>
    %sub3A_931 = arith.constant 1 : i32
    %sub3A_932 = vector.broadcast %sub3A_931 : i32 to vector<128x1xi32>
    %sub3A_933 = arith.subi %div3A_906, %sub3A_932 : vector<128x1xi32>
    %select_n3A_934 = arith.select %and3A_930, %sub3A_933, %div3A_906 : vector<128x1xi1>, vector<128x1xi32>
    %eq3A_935 = arith.constant 5 : i32
    %eq3A_936 = vector.broadcast %eq3A_935 : i32 to vector<128x1xi32>
    %eq3A_937 = arith.cmpi eq, %select_n3A_934, %eq3A_936 : vector<128x1xi32>
    %jit3A_938 = arith.constant 16 : i32
    %eq3A_939 = arith.constant 0 : i32
    %eq3A_940 = arith.cmpi eq, %jit3A_938, %eq3A_939 : i32
    %jit3A_941 = arith.constant 1 : i32
    %select_n3A_942 = arith.select %eq3A_940, %jit3A_941, %jit3A_938 : i32
    %rem3A_943 = vector.broadcast %select_n3A_942 : i32 to vector<128x1xi32>
    %rem3A_944 = arith.remsi %iota3A_329, %rem3A_943 : vector<128x1xi32>
    %ne3A_945 = arith.constant 0 : i32
    %ne3A_946 = vector.broadcast %ne3A_945 : i32 to vector<128x1xi32>
    %ne3A_947 = arith.cmpi ne, %rem3A_944, %ne3A_946 : vector<128x1xi32>
    %lt3A_948 = arith.constant 0 : i32
    %lt3A_949 = vector.broadcast %lt3A_948 : i32 to vector<128x1xi32>
    %lt3A_950 = arith.cmpi slt, %rem3A_944, %lt3A_949 : vector<128x1xi32>
    %lt3A_951 = arith.constant 0 : i32
    %lt3A_952 = arith.cmpi slt, %select_n3A_942, %lt3A_951 : i32
    %ne3A_953 = vector.broadcast %lt3A_952 : i1 to vector<128x1xi1>
    %ne3A_954 = vector.broadcast %ne3A_953 : vector<128x1xi1> to vector<128x1xi1>
    %ne3A_955 = arith.xori %lt3A_950, %ne3A_954 : vector<128x1xi1>
    %and3A_956 = arith.andi %ne3A_955, %ne3A_947 : vector<128x1xi1>
    %add3A_957 = vector.broadcast %select_n3A_942 : i32 to vector<128x1xi32>
    %add3A_958 = arith.addi %rem3A_944, %add3A_957 : vector<128x1xi32>
    %select_n3A_959 = arith.select %and3A_956, %add3A_958, %rem3A_944 : vector<128x1xi1>, vector<128x1xi32>
    %convert_element_type3A_960 = arith.sitofp %select_n3A_959 : vector<128x1xi32> to vector<128x1xf32>
    %add3A_961 = vector.broadcast %broadcast_in_dim3A_899 : vector<1x1xf32> to vector<128x1xf32>
    %add3A_962 = arith.addf %add3A_961, %convert_element_type3A_960 : vector<128x1xf32>
    %select_n3A_963 = arith.select %eq3A_937, %add3A_962, %select_n3A_881 : vector<128x1xi1>, vector<128x1xf32>
    %lt3A_964 = vector.broadcast %broadcast_in_dim3A_903 : vector<1x1xf32> to vector<128x1xf32>
    %lt3A_965 = arith.cmpf olt, %convert_element_type3A_960, %lt3A_964 : vector<128x1xf32>
    %and3A_966 = arith.andi %eq3A_937, %lt3A_965 : vector<128x1xi1>
    %broadcast_in_dim3A_967 = vector.shape_cast %div3A_888 : vector<1x1xf32> to vector<1x1xf32>
    %broadcast_in_dim3A_968 = vector.broadcast %broadcast_in_dim3A_967 : vector<1x1xf32> to vector<128x1xf32>
    %select_n3A_969 = arith.select %and3A_966, %broadcast_in_dim3A_968, %select_n3A_887 : vector<128x1xi1>, vector<128x1xf32>
    %div3A_970 = arith.divf %exp3A_472, %add3A_481 : vector<1x1xf32>
    %eq3A_971 = vector.broadcast %broadcast_in_dim3A_443 : vector<1x1xf32> to vector<256x1xf32>
    %eq3A_972 = arith.cmpf oeq, %convert_element_type3A_325, %eq3A_971 : vector<256x1xf32>
    %jit3A_973 = arith.constant 1.000000e+00 : f32
    %jit3A_974 = arith.constant 0.000000e+00 : f32
    %broadcast_in_dim3A_975 = vector.broadcast %jit3A_973 : f32 to vector<256x1xf32>
    %broadcast_in_dim3A_976 = vector.broadcast %jit3A_974 : f32 to vector<256x1xf32>
    %select_n3A_977 = arith.select %eq3A_972, %broadcast_in_dim3A_975, %broadcast_in_dim3A_976 : vector<256x1xi1>, vector<256x1xf32>
    %mul3A_978 = arith.mulf %select_n3A_977, %add3A_263 : vector<256x1xf32>
    %reduce_sum3A_979 = arith.constant dense<0.000000e+00> : vector<1xf32>
    %reduce_sum3A_980 = vector.multi_reduction <add>, %mul3A_978, %reduce_sum3A_979 [0] : vector<256x1xf32> to vector<1xf32>
    %broadcast_in_dim3A_981 = vector.shape_cast %reduce_sum3A_980 : vector<1xf32> to vector<1x1xf32>
    %mul3A_982 = arith.mulf %select_n3A_977, %select_n3A_296 : vector<256x1xf32>
    %reduce_sum3A_983 = arith.constant dense<0.000000e+00> : vector<1xf32>
    %reduce_sum3A_984 = vector.multi_reduction <add>, %mul3A_982, %reduce_sum3A_983 [0] : vector<256x1xf32> to vector<1xf32>
    %broadcast_in_dim3A_985 = vector.shape_cast %reduce_sum3A_984 : vector<1xf32> to vector<1x1xf32>
    %jit3A_986 = arith.constant 16 : i32
    %div3A_987 = vector.broadcast %jit3A_986 : i32 to vector<128x1xi32>
    %div3A_988 = arith.divsi %iota3A_329, %div3A_987 : vector<128x1xi32>
    %sign3A_989 = arith.constant 0 : i32
    %sign3A_990 = vector.broadcast %sign3A_989 : i32 to vector<128x1xi32>
    %sign3A_991 = arith.cmpi sgt, %iota3A_329, %sign3A_990 : vector<128x1xi32>
    %sign3A_992 = arith.extui %sign3A_991 : vector<128x1xi1> to vector<128x1xi32>
    %sign3A_993 = arith.constant 0 : i32
    %sign3A_994 = vector.broadcast %sign3A_993 : i32 to vector<128x1xi32>
    %sign3A_995 = arith.cmpi slt, %iota3A_329, %sign3A_994 : vector<128x1xi32>
    %sign3A_996 = arith.extui %sign3A_995 : vector<128x1xi1> to vector<128x1xi32>
    %sign3A_997 = arith.subi %sign3A_992, %sign3A_996 : vector<128x1xi32>
    %sign3A_998 = arith.constant 0 : i32
    %sign3A_999 = arith.cmpi sgt, %jit3A_986, %sign3A_998 : i32
    %sign3A_1000 = arith.extui %sign3A_999 : i1 to i32
    %sign3A_1001 = arith.constant 0 : i32
    %sign3A_1002 = arith.cmpi slt, %jit3A_986, %sign3A_1001 : i32
    %sign3A_1003 = arith.extui %sign3A_1002 : i1 to i32
    %sign3A_1004 = arith.subi %sign3A_1000, %sign3A_1003 : i32
    %ne3A_1005 = vector.broadcast %sign3A_1004 : i32 to vector<128x1xi32>
    %ne3A_1006 = arith.cmpi ne, %sign3A_997, %ne3A_1005 : vector<128x1xi32>
    %rem3A_1007 = vector.broadcast %jit3A_986 : i32 to vector<128x1xi32>
    %rem3A_1008 = arith.remsi %iota3A_329, %rem3A_1007 : vector<128x1xi32>
    %ne3A_1009 = arith.constant 0 : i32
    %ne3A_1010 = vector.broadcast %ne3A_1009 : i32 to vector<128x1xi32>
    %ne3A_1011 = arith.cmpi ne, %rem3A_1008, %ne3A_1010 : vector<128x1xi32>
    %and3A_1012 = arith.andi %ne3A_1006, %ne3A_1011 : vector<128x1xi1>
    %sub3A_1013 = arith.constant 1 : i32
    %sub3A_1014 = vector.broadcast %sub3A_1013 : i32 to vector<128x1xi32>
    %sub3A_1015 = arith.subi %div3A_988, %sub3A_1014 : vector<128x1xi32>
    %select_n3A_1016 = arith.select %and3A_1012, %sub3A_1015, %div3A_988 : vector<128x1xi1>, vector<128x1xi32>
    %eq3A_1017 = arith.constant 6 : i32
    %eq3A_1018 = vector.broadcast %eq3A_1017 : i32 to vector<128x1xi32>
    %eq3A_1019 = arith.cmpi eq, %select_n3A_1016, %eq3A_1018 : vector<128x1xi32>
    %jit3A_1020 = arith.constant 16 : i32
    %eq3A_1021 = arith.constant 0 : i32
    %eq3A_1022 = arith.cmpi eq, %jit3A_1020, %eq3A_1021 : i32
    %jit3A_1023 = arith.constant 1 : i32
    %select_n3A_1024 = arith.select %eq3A_1022, %jit3A_1023, %jit3A_1020 : i32
    %rem3A_1025 = vector.broadcast %select_n3A_1024 : i32 to vector<128x1xi32>
    %rem3A_1026 = arith.remsi %iota3A_329, %rem3A_1025 : vector<128x1xi32>
    %ne3A_1027 = arith.constant 0 : i32
    %ne3A_1028 = vector.broadcast %ne3A_1027 : i32 to vector<128x1xi32>
    %ne3A_1029 = arith.cmpi ne, %rem3A_1026, %ne3A_1028 : vector<128x1xi32>
    %lt3A_1030 = arith.constant 0 : i32
    %lt3A_1031 = vector.broadcast %lt3A_1030 : i32 to vector<128x1xi32>
    %lt3A_1032 = arith.cmpi slt, %rem3A_1026, %lt3A_1031 : vector<128x1xi32>
    %lt3A_1033 = arith.constant 0 : i32
    %lt3A_1034 = arith.cmpi slt, %select_n3A_1024, %lt3A_1033 : i32
    %ne3A_1035 = vector.broadcast %lt3A_1034 : i1 to vector<128x1xi1>
    %ne3A_1036 = vector.broadcast %ne3A_1035 : vector<128x1xi1> to vector<128x1xi1>
    %ne3A_1037 = arith.xori %lt3A_1032, %ne3A_1036 : vector<128x1xi1>
    %and3A_1038 = arith.andi %ne3A_1037, %ne3A_1029 : vector<128x1xi1>
    %add3A_1039 = vector.broadcast %select_n3A_1024 : i32 to vector<128x1xi32>
    %add3A_1040 = arith.addi %rem3A_1026, %add3A_1039 : vector<128x1xi32>
    %select_n3A_1041 = arith.select %and3A_1038, %add3A_1040, %rem3A_1026 : vector<128x1xi1>, vector<128x1xi32>
    %convert_element_type3A_1042 = arith.sitofp %select_n3A_1041 : vector<128x1xi32> to vector<128x1xf32>
    %add3A_1043 = vector.broadcast %broadcast_in_dim3A_981 : vector<1x1xf32> to vector<128x1xf32>
    %add3A_1044 = arith.addf %add3A_1043, %convert_element_type3A_1042 : vector<128x1xf32>
    %select_n3A_1045 = arith.select %eq3A_1019, %add3A_1044, %select_n3A_963 : vector<128x1xi1>, vector<128x1xf32>
    %lt3A_1046 = vector.broadcast %broadcast_in_dim3A_985 : vector<1x1xf32> to vector<128x1xf32>
    %lt3A_1047 = arith.cmpf olt, %convert_element_type3A_1042, %lt3A_1046 : vector<128x1xf32>
    %and3A_1048 = arith.andi %eq3A_1019, %lt3A_1047 : vector<128x1xi1>
    %broadcast_in_dim3A_1049 = vector.shape_cast %div3A_970 : vector<1x1xf32> to vector<1x1xf32>
    %broadcast_in_dim3A_1050 = vector.broadcast %broadcast_in_dim3A_1049 : vector<1x1xf32> to vector<128x1xf32>
    %select_n3A_1051 = arith.select %and3A_1048, %broadcast_in_dim3A_1050, %select_n3A_969 : vector<128x1xi1>, vector<128x1xf32>
    %div3A_1052 = arith.divf %exp3A_474, %add3A_481 : vector<1x1xf32>
    %eq3A_1053 = vector.broadcast %broadcast_in_dim3A_459 : vector<1x1xf32> to vector<256x1xf32>
    %eq3A_1054 = arith.cmpf oeq, %convert_element_type3A_325, %eq3A_1053 : vector<256x1xf32>
    %jit3A_1055 = arith.constant 1.000000e+00 : f32
    %jit3A_1056 = arith.constant 0.000000e+00 : f32
    %broadcast_in_dim3A_1057 = vector.broadcast %jit3A_1055 : f32 to vector<256x1xf32>
    %broadcast_in_dim3A_1058 = vector.broadcast %jit3A_1056 : f32 to vector<256x1xf32>
    %select_n3A_1059 = arith.select %eq3A_1054, %broadcast_in_dim3A_1057, %broadcast_in_dim3A_1058 : vector<256x1xi1>, vector<256x1xf32>
    %mul3A_1060 = arith.mulf %select_n3A_1059, %add3A_263 : vector<256x1xf32>
    %reduce_sum3A_1061 = arith.constant dense<0.000000e+00> : vector<1xf32>
    %reduce_sum3A_1062 = vector.multi_reduction <add>, %mul3A_1060, %reduce_sum3A_1061 [0] : vector<256x1xf32> to vector<1xf32>
    %broadcast_in_dim3A_1063 = vector.shape_cast %reduce_sum3A_1062 : vector<1xf32> to vector<1x1xf32>
    %mul3A_1064 = arith.mulf %select_n3A_1059, %select_n3A_296 : vector<256x1xf32>
    %reduce_sum3A_1065 = arith.constant dense<0.000000e+00> : vector<1xf32>
    %reduce_sum3A_1066 = vector.multi_reduction <add>, %mul3A_1064, %reduce_sum3A_1065 [0] : vector<256x1xf32> to vector<1xf32>
    %broadcast_in_dim3A_1067 = vector.shape_cast %reduce_sum3A_1066 : vector<1xf32> to vector<1x1xf32>
    %jit3A_1068 = arith.constant 16 : i32
    %div3A_1069 = vector.broadcast %jit3A_1068 : i32 to vector<128x1xi32>
    %div3A_1070 = arith.divsi %iota3A_329, %div3A_1069 : vector<128x1xi32>
    %sign3A_1071 = arith.constant 0 : i32
    %sign3A_1072 = vector.broadcast %sign3A_1071 : i32 to vector<128x1xi32>
    %sign3A_1073 = arith.cmpi sgt, %iota3A_329, %sign3A_1072 : vector<128x1xi32>
    %sign3A_1074 = arith.extui %sign3A_1073 : vector<128x1xi1> to vector<128x1xi32>
    %sign3A_1075 = arith.constant 0 : i32
    %sign3A_1076 = vector.broadcast %sign3A_1075 : i32 to vector<128x1xi32>
    %sign3A_1077 = arith.cmpi slt, %iota3A_329, %sign3A_1076 : vector<128x1xi32>
    %sign3A_1078 = arith.extui %sign3A_1077 : vector<128x1xi1> to vector<128x1xi32>
    %sign3A_1079 = arith.subi %sign3A_1074, %sign3A_1078 : vector<128x1xi32>
    %sign3A_1080 = arith.constant 0 : i32
    %sign3A_1081 = arith.cmpi sgt, %jit3A_1068, %sign3A_1080 : i32
    %sign3A_1082 = arith.extui %sign3A_1081 : i1 to i32
    %sign3A_1083 = arith.constant 0 : i32
    %sign3A_1084 = arith.cmpi slt, %jit3A_1068, %sign3A_1083 : i32
    %sign3A_1085 = arith.extui %sign3A_1084 : i1 to i32
    %sign3A_1086 = arith.subi %sign3A_1082, %sign3A_1085 : i32
    %ne3A_1087 = vector.broadcast %sign3A_1086 : i32 to vector<128x1xi32>
    %ne3A_1088 = arith.cmpi ne, %sign3A_1079, %ne3A_1087 : vector<128x1xi32>
    %rem3A_1089 = vector.broadcast %jit3A_1068 : i32 to vector<128x1xi32>
    %rem3A_1090 = arith.remsi %iota3A_329, %rem3A_1089 : vector<128x1xi32>
    %ne3A_1091 = arith.constant 0 : i32
    %ne3A_1092 = vector.broadcast %ne3A_1091 : i32 to vector<128x1xi32>
    %ne3A_1093 = arith.cmpi ne, %rem3A_1090, %ne3A_1092 : vector<128x1xi32>
    %and3A_1094 = arith.andi %ne3A_1088, %ne3A_1093 : vector<128x1xi1>
    %sub3A_1095 = arith.constant 1 : i32
    %sub3A_1096 = vector.broadcast %sub3A_1095 : i32 to vector<128x1xi32>
    %sub3A_1097 = arith.subi %div3A_1070, %sub3A_1096 : vector<128x1xi32>
    %select_n3A_1098 = arith.select %and3A_1094, %sub3A_1097, %div3A_1070 : vector<128x1xi1>, vector<128x1xi32>
    %eq3A_1099 = arith.constant 7 : i32
    %eq3A_1100 = vector.broadcast %eq3A_1099 : i32 to vector<128x1xi32>
    %eq3A_1101 = arith.cmpi eq, %select_n3A_1098, %eq3A_1100 : vector<128x1xi32>
    %jit3A_1102 = arith.constant 16 : i32
    %eq3A_1103 = arith.constant 0 : i32
    %eq3A_1104 = arith.cmpi eq, %jit3A_1102, %eq3A_1103 : i32
    %jit3A_1105 = arith.constant 1 : i32
    %select_n3A_1106 = arith.select %eq3A_1104, %jit3A_1105, %jit3A_1102 : i32
    %rem3A_1107 = vector.broadcast %select_n3A_1106 : i32 to vector<128x1xi32>
    %rem3A_1108 = arith.remsi %iota3A_329, %rem3A_1107 : vector<128x1xi32>
    %ne3A_1109 = arith.constant 0 : i32
    %ne3A_1110 = vector.broadcast %ne3A_1109 : i32 to vector<128x1xi32>
    %ne3A_1111 = arith.cmpi ne, %rem3A_1108, %ne3A_1110 : vector<128x1xi32>
    %lt3A_1112 = arith.constant 0 : i32
    %lt3A_1113 = vector.broadcast %lt3A_1112 : i32 to vector<128x1xi32>
    %lt3A_1114 = arith.cmpi slt, %rem3A_1108, %lt3A_1113 : vector<128x1xi32>
    %lt3A_1115 = arith.constant 0 : i32
    %lt3A_1116 = arith.cmpi slt, %select_n3A_1106, %lt3A_1115 : i32
    %ne3A_1117 = vector.broadcast %lt3A_1116 : i1 to vector<128x1xi1>
    %ne3A_1118 = vector.broadcast %ne3A_1117 : vector<128x1xi1> to vector<128x1xi1>
    %ne3A_1119 = arith.xori %lt3A_1114, %ne3A_1118 : vector<128x1xi1>
    %and3A_1120 = arith.andi %ne3A_1119, %ne3A_1111 : vector<128x1xi1>
    %add3A_1121 = vector.broadcast %select_n3A_1106 : i32 to vector<128x1xi32>
    %add3A_1122 = arith.addi %rem3A_1108, %add3A_1121 : vector<128x1xi32>
    %select_n3A_1123 = arith.select %and3A_1120, %add3A_1122, %rem3A_1108 : vector<128x1xi1>, vector<128x1xi32>
    %convert_element_type3A_1124 = arith.sitofp %select_n3A_1123 : vector<128x1xi32> to vector<128x1xf32>
    %add3A_1125 = vector.broadcast %broadcast_in_dim3A_1063 : vector<1x1xf32> to vector<128x1xf32>
    %add3A_1126 = arith.addf %add3A_1125, %convert_element_type3A_1124 : vector<128x1xf32>
    %select_n3A_1127 = arith.select %eq3A_1101, %add3A_1126, %select_n3A_1045 : vector<128x1xi1>, vector<128x1xf32>
    %lt3A_1128 = vector.broadcast %broadcast_in_dim3A_1067 : vector<1x1xf32> to vector<128x1xf32>
    %lt3A_1129 = arith.cmpf olt, %convert_element_type3A_1124, %lt3A_1128 : vector<128x1xf32>
    %and3A_1130 = arith.andi %eq3A_1101, %lt3A_1129 : vector<128x1xi1>
    %broadcast_in_dim3A_1131 = vector.shape_cast %div3A_1052 : vector<1x1xf32> to vector<1x1xf32>
    %broadcast_in_dim3A_1132 = vector.broadcast %broadcast_in_dim3A_1131 : vector<1x1xf32> to vector<128x1xf32>
    %select_n3A_1133 = arith.select %and3A_1130, %broadcast_in_dim3A_1132, %select_n3A_1051 : vector<128x1xi1>, vector<128x1xf32>
    %mul3A_1134 = vector.broadcast %add3A_323 : vector<1x1024xf32> to vector<256x1024xf32>
    %mul3A_1135 = arith.mulf %add3A_248, %mul3A_1134 : vector<256x1024xf32>
    %reduce_sum3A_1136 = arith.constant dense<0.000000e+00> : vector<256xf32>
    %reduce_sum3A_1137 = vector.multi_reduction <add>, %mul3A_1135, %reduce_sum3A_1136 [1] : vector<256x1024xf32> to vector<256xf32>
    %broadcast_in_dim3A_1138 = vector.shape_cast %reduce_sum3A_1137 : vector<256xf32> to vector<256x1xf32>
    %broadcast_in_dim3A_1139 = arith.constant 0.000000e+00 : f32
    %broadcast_in_dim3A_1140 = vector.broadcast %broadcast_in_dim3A_1139 : f32 to vector<128x1xf32>
    %broadcast_in_dim3A_1141 = arith.constant 0.000000e+00 : f32
    %broadcast_in_dim3A_1142 = vector.broadcast %broadcast_in_dim3A_1141 : f32 to vector<128x1xf32>
    %reduce_max3A_1143 = arith.constant dense<0xFF800000> : vector<1xf32>
    %reduce_max3A_1144 = vector.multi_reduction <maximumf>, %broadcast_in_dim3A_1138, %reduce_max3A_1143 [0] : vector<256x1xf32> to vector<1xf32>
    %broadcast_in_dim3A_1145 = vector.shape_cast %reduce_max3A_1144 : vector<1xf32> to vector<1x1xf32>
    %eq3A_1146 = vector.broadcast %broadcast_in_dim3A_1145 : vector<1x1xf32> to vector<256x1xf32>
    %eq3A_1147 = arith.cmpf oeq, %broadcast_in_dim3A_1138, %eq3A_1146 : vector<256x1xf32>
    %jit3A_1148 = arith.constant 2.560000e+02 : f32
    %broadcast_in_dim3A_1149 = vector.broadcast %jit3A_1148 : f32 to vector<256x1xf32>
    %select_n3A_1150 = arith.select %eq3A_1147, %convert_element_type3A_325, %broadcast_in_dim3A_1149 : vector<256x1xi1>, vector<256x1xf32>
    %reduce_min3A_1151 = arith.constant dense<0x7F800000> : vector<1xf32>
    %reduce_min3A_1152 = vector.multi_reduction <minimumf>, %select_n3A_1150, %reduce_min3A_1151 [0] : vector<256x1xf32> to vector<1xf32>
    %broadcast_in_dim3A_1153 = vector.shape_cast %reduce_min3A_1152 : vector<1xf32> to vector<1x1xf32>
    %eq3A_1154 = vector.broadcast %broadcast_in_dim3A_1153 : vector<1x1xf32> to vector<256x1xf32>
    %eq3A_1155 = arith.cmpf oeq, %convert_element_type3A_325, %eq3A_1154 : vector<256x1xf32>
    %jit3A_1156 = arith.constant 0xFF800000 : f32
    %broadcast_in_dim3A_1157 = vector.broadcast %jit3A_1156 : f32 to vector<256x1xf32>
    %select_n3A_1158 = arith.select %eq3A_1155, %broadcast_in_dim3A_1157, %broadcast_in_dim3A_1138 : vector<256x1xi1>, vector<256x1xf32>
    %reduce_max3A_1159 = arith.constant dense<0xFF800000> : vector<1xf32>
    %reduce_max3A_1160 = vector.multi_reduction <maximumf>, %select_n3A_1158, %reduce_max3A_1159 [0] : vector<256x1xf32> to vector<1xf32>
    %broadcast_in_dim3A_1161 = vector.shape_cast %reduce_max3A_1160 : vector<1xf32> to vector<1x1xf32>
    %eq3A_1162 = vector.broadcast %broadcast_in_dim3A_1161 : vector<1x1xf32> to vector<256x1xf32>
    %eq3A_1163 = arith.cmpf oeq, %select_n3A_1158, %eq3A_1162 : vector<256x1xf32>
    %jit3A_1164 = arith.constant 2.560000e+02 : f32
    %broadcast_in_dim3A_1165 = vector.broadcast %jit3A_1164 : f32 to vector<256x1xf32>
    %select_n3A_1166 = arith.select %eq3A_1163, %convert_element_type3A_325, %broadcast_in_dim3A_1165 : vector<256x1xi1>, vector<256x1xf32>
    %reduce_min3A_1167 = arith.constant dense<0x7F800000> : vector<1xf32>
    %reduce_min3A_1168 = vector.multi_reduction <minimumf>, %select_n3A_1166, %reduce_min3A_1167 [0] : vector<256x1xf32> to vector<1xf32>
    %broadcast_in_dim3A_1169 = vector.shape_cast %reduce_min3A_1168 : vector<1xf32> to vector<1x1xf32>
    %eq3A_1170 = vector.broadcast %broadcast_in_dim3A_1169 : vector<1x1xf32> to vector<256x1xf32>
    %eq3A_1171 = arith.cmpf oeq, %convert_element_type3A_325, %eq3A_1170 : vector<256x1xf32>
    %jit3A_1172 = arith.constant 0xFF800000 : f32
    %broadcast_in_dim3A_1173 = vector.broadcast %jit3A_1172 : f32 to vector<256x1xf32>
    %select_n3A_1174 = arith.select %eq3A_1171, %broadcast_in_dim3A_1173, %select_n3A_1158 : vector<256x1xi1>, vector<256x1xf32>
    %reduce_max3A_1175 = arith.constant dense<0xFF800000> : vector<1xf32>
    %reduce_max3A_1176 = vector.multi_reduction <maximumf>, %select_n3A_1174, %reduce_max3A_1175 [0] : vector<256x1xf32> to vector<1xf32>
    %broadcast_in_dim3A_1177 = vector.shape_cast %reduce_max3A_1176 : vector<1xf32> to vector<1x1xf32>
    %eq3A_1178 = vector.broadcast %broadcast_in_dim3A_1177 : vector<1x1xf32> to vector<256x1xf32>
    %eq3A_1179 = arith.cmpf oeq, %select_n3A_1174, %eq3A_1178 : vector<256x1xf32>
    %jit3A_1180 = arith.constant 2.560000e+02 : f32
    %broadcast_in_dim3A_1181 = vector.broadcast %jit3A_1180 : f32 to vector<256x1xf32>
    %select_n3A_1182 = arith.select %eq3A_1179, %convert_element_type3A_325, %broadcast_in_dim3A_1181 : vector<256x1xi1>, vector<256x1xf32>
    %reduce_min3A_1183 = arith.constant dense<0x7F800000> : vector<1xf32>
    %reduce_min3A_1184 = vector.multi_reduction <minimumf>, %select_n3A_1182, %reduce_min3A_1183 [0] : vector<256x1xf32> to vector<1xf32>
    %broadcast_in_dim3A_1185 = vector.shape_cast %reduce_min3A_1184 : vector<1xf32> to vector<1x1xf32>
    %eq3A_1186 = vector.broadcast %broadcast_in_dim3A_1185 : vector<1x1xf32> to vector<256x1xf32>
    %eq3A_1187 = arith.cmpf oeq, %convert_element_type3A_325, %eq3A_1186 : vector<256x1xf32>
    %jit3A_1188 = arith.constant 0xFF800000 : f32
    %broadcast_in_dim3A_1189 = vector.broadcast %jit3A_1188 : f32 to vector<256x1xf32>
    %select_n3A_1190 = arith.select %eq3A_1187, %broadcast_in_dim3A_1189, %select_n3A_1174 : vector<256x1xi1>, vector<256x1xf32>
    %reduce_max3A_1191 = arith.constant dense<0xFF800000> : vector<1xf32>
    %reduce_max3A_1192 = vector.multi_reduction <maximumf>, %select_n3A_1190, %reduce_max3A_1191 [0] : vector<256x1xf32> to vector<1xf32>
    %broadcast_in_dim3A_1193 = vector.shape_cast %reduce_max3A_1192 : vector<1xf32> to vector<1x1xf32>
    %eq3A_1194 = vector.broadcast %broadcast_in_dim3A_1193 : vector<1x1xf32> to vector<256x1xf32>
    %eq3A_1195 = arith.cmpf oeq, %select_n3A_1190, %eq3A_1194 : vector<256x1xf32>
    %jit3A_1196 = arith.constant 2.560000e+02 : f32
    %broadcast_in_dim3A_1197 = vector.broadcast %jit3A_1196 : f32 to vector<256x1xf32>
    %select_n3A_1198 = arith.select %eq3A_1195, %convert_element_type3A_325, %broadcast_in_dim3A_1197 : vector<256x1xi1>, vector<256x1xf32>
    %reduce_min3A_1199 = arith.constant dense<0x7F800000> : vector<1xf32>
    %reduce_min3A_1200 = vector.multi_reduction <minimumf>, %select_n3A_1198, %reduce_min3A_1199 [0] : vector<256x1xf32> to vector<1xf32>
    %broadcast_in_dim3A_1201 = vector.shape_cast %reduce_min3A_1200 : vector<1xf32> to vector<1x1xf32>
    %eq3A_1202 = vector.broadcast %broadcast_in_dim3A_1201 : vector<1x1xf32> to vector<256x1xf32>
    %eq3A_1203 = arith.cmpf oeq, %convert_element_type3A_325, %eq3A_1202 : vector<256x1xf32>
    %jit3A_1204 = arith.constant 0xFF800000 : f32
    %broadcast_in_dim3A_1205 = vector.broadcast %jit3A_1204 : f32 to vector<256x1xf32>
    %select_n3A_1206 = arith.select %eq3A_1203, %broadcast_in_dim3A_1205, %select_n3A_1190 : vector<256x1xi1>, vector<256x1xf32>
    %reduce_max3A_1207 = arith.constant dense<0xFF800000> : vector<1xf32>
    %reduce_max3A_1208 = vector.multi_reduction <maximumf>, %select_n3A_1206, %reduce_max3A_1207 [0] : vector<256x1xf32> to vector<1xf32>
    %broadcast_in_dim3A_1209 = vector.shape_cast %reduce_max3A_1208 : vector<1xf32> to vector<1x1xf32>
    %eq3A_1210 = vector.broadcast %broadcast_in_dim3A_1209 : vector<1x1xf32> to vector<256x1xf32>
    %eq3A_1211 = arith.cmpf oeq, %select_n3A_1206, %eq3A_1210 : vector<256x1xf32>
    %jit3A_1212 = arith.constant 2.560000e+02 : f32
    %broadcast_in_dim3A_1213 = vector.broadcast %jit3A_1212 : f32 to vector<256x1xf32>
    %select_n3A_1214 = arith.select %eq3A_1211, %convert_element_type3A_325, %broadcast_in_dim3A_1213 : vector<256x1xi1>, vector<256x1xf32>
    %reduce_min3A_1215 = arith.constant dense<0x7F800000> : vector<1xf32>
    %reduce_min3A_1216 = vector.multi_reduction <minimumf>, %select_n3A_1214, %reduce_min3A_1215 [0] : vector<256x1xf32> to vector<1xf32>
    %broadcast_in_dim3A_1217 = vector.shape_cast %reduce_min3A_1216 : vector<1xf32> to vector<1x1xf32>
    %eq3A_1218 = vector.broadcast %broadcast_in_dim3A_1217 : vector<1x1xf32> to vector<256x1xf32>
    %eq3A_1219 = arith.cmpf oeq, %convert_element_type3A_325, %eq3A_1218 : vector<256x1xf32>
    %jit3A_1220 = arith.constant 0xFF800000 : f32
    %broadcast_in_dim3A_1221 = vector.broadcast %jit3A_1220 : f32 to vector<256x1xf32>
    %select_n3A_1222 = arith.select %eq3A_1219, %broadcast_in_dim3A_1221, %select_n3A_1206 : vector<256x1xi1>, vector<256x1xf32>
    %reduce_max3A_1223 = arith.constant dense<0xFF800000> : vector<1xf32>
    %reduce_max3A_1224 = vector.multi_reduction <maximumf>, %select_n3A_1222, %reduce_max3A_1223 [0] : vector<256x1xf32> to vector<1xf32>
    %broadcast_in_dim3A_1225 = vector.shape_cast %reduce_max3A_1224 : vector<1xf32> to vector<1x1xf32>
    %eq3A_1226 = vector.broadcast %broadcast_in_dim3A_1225 : vector<1x1xf32> to vector<256x1xf32>
    %eq3A_1227 = arith.cmpf oeq, %select_n3A_1222, %eq3A_1226 : vector<256x1xf32>
    %jit3A_1228 = arith.constant 2.560000e+02 : f32
    %broadcast_in_dim3A_1229 = vector.broadcast %jit3A_1228 : f32 to vector<256x1xf32>
    %select_n3A_1230 = arith.select %eq3A_1227, %convert_element_type3A_325, %broadcast_in_dim3A_1229 : vector<256x1xi1>, vector<256x1xf32>
    %reduce_min3A_1231 = arith.constant dense<0x7F800000> : vector<1xf32>
    %reduce_min3A_1232 = vector.multi_reduction <minimumf>, %select_n3A_1230, %reduce_min3A_1231 [0] : vector<256x1xf32> to vector<1xf32>
    %broadcast_in_dim3A_1233 = vector.shape_cast %reduce_min3A_1232 : vector<1xf32> to vector<1x1xf32>
    %eq3A_1234 = vector.broadcast %broadcast_in_dim3A_1233 : vector<1x1xf32> to vector<256x1xf32>
    %eq3A_1235 = arith.cmpf oeq, %convert_element_type3A_325, %eq3A_1234 : vector<256x1xf32>
    %jit3A_1236 = arith.constant 0xFF800000 : f32
    %broadcast_in_dim3A_1237 = vector.broadcast %jit3A_1236 : f32 to vector<256x1xf32>
    %select_n3A_1238 = arith.select %eq3A_1235, %broadcast_in_dim3A_1237, %select_n3A_1222 : vector<256x1xi1>, vector<256x1xf32>
    %reduce_max3A_1239 = arith.constant dense<0xFF800000> : vector<1xf32>
    %reduce_max3A_1240 = vector.multi_reduction <maximumf>, %select_n3A_1238, %reduce_max3A_1239 [0] : vector<256x1xf32> to vector<1xf32>
    %broadcast_in_dim3A_1241 = vector.shape_cast %reduce_max3A_1240 : vector<1xf32> to vector<1x1xf32>
    %eq3A_1242 = vector.broadcast %broadcast_in_dim3A_1241 : vector<1x1xf32> to vector<256x1xf32>
    %eq3A_1243 = arith.cmpf oeq, %select_n3A_1238, %eq3A_1242 : vector<256x1xf32>
    %jit3A_1244 = arith.constant 2.560000e+02 : f32
    %broadcast_in_dim3A_1245 = vector.broadcast %jit3A_1244 : f32 to vector<256x1xf32>
    %select_n3A_1246 = arith.select %eq3A_1243, %convert_element_type3A_325, %broadcast_in_dim3A_1245 : vector<256x1xi1>, vector<256x1xf32>
    %reduce_min3A_1247 = arith.constant dense<0x7F800000> : vector<1xf32>
    %reduce_min3A_1248 = vector.multi_reduction <minimumf>, %select_n3A_1246, %reduce_min3A_1247 [0] : vector<256x1xf32> to vector<1xf32>
    %broadcast_in_dim3A_1249 = vector.shape_cast %reduce_min3A_1248 : vector<1xf32> to vector<1x1xf32>
    %eq3A_1250 = vector.broadcast %broadcast_in_dim3A_1249 : vector<1x1xf32> to vector<256x1xf32>
    %eq3A_1251 = arith.cmpf oeq, %convert_element_type3A_325, %eq3A_1250 : vector<256x1xf32>
    %jit3A_1252 = arith.constant 0xFF800000 : f32
    %broadcast_in_dim3A_1253 = vector.broadcast %jit3A_1252 : f32 to vector<256x1xf32>
    %select_n3A_1254 = arith.select %eq3A_1251, %broadcast_in_dim3A_1253, %select_n3A_1238 : vector<256x1xi1>, vector<256x1xf32>
    %reduce_max3A_1255 = arith.constant dense<0xFF800000> : vector<1xf32>
    %reduce_max3A_1256 = vector.multi_reduction <maximumf>, %select_n3A_1254, %reduce_max3A_1255 [0] : vector<256x1xf32> to vector<1xf32>
    %broadcast_in_dim3A_1257 = vector.shape_cast %reduce_max3A_1256 : vector<1xf32> to vector<1x1xf32>
    %eq3A_1258 = vector.broadcast %broadcast_in_dim3A_1257 : vector<1x1xf32> to vector<256x1xf32>
    %eq3A_1259 = arith.cmpf oeq, %select_n3A_1254, %eq3A_1258 : vector<256x1xf32>
    %jit3A_1260 = arith.constant 2.560000e+02 : f32
    %broadcast_in_dim3A_1261 = vector.broadcast %jit3A_1260 : f32 to vector<256x1xf32>
    %select_n3A_1262 = arith.select %eq3A_1259, %convert_element_type3A_325, %broadcast_in_dim3A_1261 : vector<256x1xi1>, vector<256x1xf32>
    %reduce_min3A_1263 = arith.constant dense<0x7F800000> : vector<1xf32>
    %reduce_min3A_1264 = vector.multi_reduction <minimumf>, %select_n3A_1262, %reduce_min3A_1263 [0] : vector<256x1xf32> to vector<1xf32>
    %broadcast_in_dim3A_1265 = vector.shape_cast %reduce_min3A_1264 : vector<1xf32> to vector<1x1xf32>
    %sub3A_1266 = arith.subf %broadcast_in_dim3A_1145, %broadcast_in_dim3A_1145 : vector<1x1xf32>
    %exp3A_1267 = math.exp %sub3A_1266 : vector<1x1xf32>
    %sub3A_1268 = arith.subf %broadcast_in_dim3A_1161, %broadcast_in_dim3A_1145 : vector<1x1xf32>
    %exp3A_1269 = math.exp %sub3A_1268 : vector<1x1xf32>
    %sub3A_1270 = arith.subf %broadcast_in_dim3A_1177, %broadcast_in_dim3A_1145 : vector<1x1xf32>
    %exp3A_1271 = math.exp %sub3A_1270 : vector<1x1xf32>
    %sub3A_1272 = arith.subf %broadcast_in_dim3A_1193, %broadcast_in_dim3A_1145 : vector<1x1xf32>
    %exp3A_1273 = math.exp %sub3A_1272 : vector<1x1xf32>
    %sub3A_1274 = arith.subf %broadcast_in_dim3A_1209, %broadcast_in_dim3A_1145 : vector<1x1xf32>
    %exp3A_1275 = math.exp %sub3A_1274 : vector<1x1xf32>
    %sub3A_1276 = arith.subf %broadcast_in_dim3A_1225, %broadcast_in_dim3A_1145 : vector<1x1xf32>
    %exp3A_1277 = math.exp %sub3A_1276 : vector<1x1xf32>
    %sub3A_1278 = arith.subf %broadcast_in_dim3A_1241, %broadcast_in_dim3A_1145 : vector<1x1xf32>
    %exp3A_1279 = math.exp %sub3A_1278 : vector<1x1xf32>
    %sub3A_1280 = arith.subf %broadcast_in_dim3A_1257, %broadcast_in_dim3A_1145 : vector<1x1xf32>
    %exp3A_1281 = math.exp %sub3A_1280 : vector<1x1xf32>
    %add3A_1282 = arith.addf %exp3A_1267, %exp3A_1269 : vector<1x1xf32>
    %add3A_1283 = arith.addf %add3A_1282, %exp3A_1271 : vector<1x1xf32>
    %add3A_1284 = arith.addf %add3A_1283, %exp3A_1273 : vector<1x1xf32>
    %add3A_1285 = arith.addf %add3A_1284, %exp3A_1275 : vector<1x1xf32>
    %add3A_1286 = arith.addf %add3A_1285, %exp3A_1277 : vector<1x1xf32>
    %add3A_1287 = arith.addf %add3A_1286, %exp3A_1279 : vector<1x1xf32>
    %add3A_1288 = arith.addf %add3A_1287, %exp3A_1281 : vector<1x1xf32>
    %div3A_1289 = arith.divf %exp3A_1267, %add3A_1288 : vector<1x1xf32>
    %eq3A_1290 = vector.broadcast %broadcast_in_dim3A_1153 : vector<1x1xf32> to vector<256x1xf32>
    %eq3A_1291 = arith.cmpf oeq, %convert_element_type3A_325, %eq3A_1290 : vector<256x1xf32>
    %jit3A_1292 = arith.constant 1.000000e+00 : f32
    %jit3A_1293 = arith.constant 0.000000e+00 : f32
    %broadcast_in_dim3A_1294 = vector.broadcast %jit3A_1292 : f32 to vector<256x1xf32>
    %broadcast_in_dim3A_1295 = vector.broadcast %jit3A_1293 : f32 to vector<256x1xf32>
    %select_n3A_1296 = arith.select %eq3A_1291, %broadcast_in_dim3A_1294, %broadcast_in_dim3A_1295 : vector<256x1xi1>, vector<256x1xf32>
    %mul3A_1297 = arith.mulf %select_n3A_1296, %add3A_263 : vector<256x1xf32>
    %reduce_sum3A_1298 = arith.constant dense<0.000000e+00> : vector<1xf32>
    %reduce_sum3A_1299 = vector.multi_reduction <add>, %mul3A_1297, %reduce_sum3A_1298 [0] : vector<256x1xf32> to vector<1xf32>
    %broadcast_in_dim3A_1300 = vector.shape_cast %reduce_sum3A_1299 : vector<1xf32> to vector<1x1xf32>
    %mul3A_1301 = arith.mulf %select_n3A_1296, %select_n3A_296 : vector<256x1xf32>
    %reduce_sum3A_1302 = arith.constant dense<0.000000e+00> : vector<1xf32>
    %reduce_sum3A_1303 = vector.multi_reduction <add>, %mul3A_1301, %reduce_sum3A_1302 [0] : vector<256x1xf32> to vector<1xf32>
    %broadcast_in_dim3A_1304 = vector.shape_cast %reduce_sum3A_1303 : vector<1xf32> to vector<1x1xf32>
    %jit3A_1305 = arith.constant 16 : i32
    %div3A_1306 = vector.broadcast %jit3A_1305 : i32 to vector<128x1xi32>
    %div3A_1307 = arith.divsi %iota3A_329, %div3A_1306 : vector<128x1xi32>
    %sign3A_1308 = arith.constant 0 : i32
    %sign3A_1309 = vector.broadcast %sign3A_1308 : i32 to vector<128x1xi32>
    %sign3A_1310 = arith.cmpi sgt, %iota3A_329, %sign3A_1309 : vector<128x1xi32>
    %sign3A_1311 = arith.extui %sign3A_1310 : vector<128x1xi1> to vector<128x1xi32>
    %sign3A_1312 = arith.constant 0 : i32
    %sign3A_1313 = vector.broadcast %sign3A_1312 : i32 to vector<128x1xi32>
    %sign3A_1314 = arith.cmpi slt, %iota3A_329, %sign3A_1313 : vector<128x1xi32>
    %sign3A_1315 = arith.extui %sign3A_1314 : vector<128x1xi1> to vector<128x1xi32>
    %sign3A_1316 = arith.subi %sign3A_1311, %sign3A_1315 : vector<128x1xi32>
    %sign3A_1317 = arith.constant 0 : i32
    %sign3A_1318 = arith.cmpi sgt, %jit3A_1305, %sign3A_1317 : i32
    %sign3A_1319 = arith.extui %sign3A_1318 : i1 to i32
    %sign3A_1320 = arith.constant 0 : i32
    %sign3A_1321 = arith.cmpi slt, %jit3A_1305, %sign3A_1320 : i32
    %sign3A_1322 = arith.extui %sign3A_1321 : i1 to i32
    %sign3A_1323 = arith.subi %sign3A_1319, %sign3A_1322 : i32
    %ne3A_1324 = vector.broadcast %sign3A_1323 : i32 to vector<128x1xi32>
    %ne3A_1325 = arith.cmpi ne, %sign3A_1316, %ne3A_1324 : vector<128x1xi32>
    %rem3A_1326 = vector.broadcast %jit3A_1305 : i32 to vector<128x1xi32>
    %rem3A_1327 = arith.remsi %iota3A_329, %rem3A_1326 : vector<128x1xi32>
    %ne3A_1328 = arith.constant 0 : i32
    %ne3A_1329 = vector.broadcast %ne3A_1328 : i32 to vector<128x1xi32>
    %ne3A_1330 = arith.cmpi ne, %rem3A_1327, %ne3A_1329 : vector<128x1xi32>
    %and3A_1331 = arith.andi %ne3A_1325, %ne3A_1330 : vector<128x1xi1>
    %sub3A_1332 = arith.constant 1 : i32
    %sub3A_1333 = vector.broadcast %sub3A_1332 : i32 to vector<128x1xi32>
    %sub3A_1334 = arith.subi %div3A_1307, %sub3A_1333 : vector<128x1xi32>
    %select_n3A_1335 = arith.select %and3A_1331, %sub3A_1334, %div3A_1307 : vector<128x1xi1>, vector<128x1xi32>
    %eq3A_1336 = arith.constant 0 : i32
    %eq3A_1337 = vector.broadcast %eq3A_1336 : i32 to vector<128x1xi32>
    %eq3A_1338 = arith.cmpi eq, %select_n3A_1335, %eq3A_1337 : vector<128x1xi32>
    %jit3A_1339 = arith.constant 16 : i32
    %eq3A_1340 = arith.constant 0 : i32
    %eq3A_1341 = arith.cmpi eq, %jit3A_1339, %eq3A_1340 : i32
    %jit3A_1342 = arith.constant 1 : i32
    %select_n3A_1343 = arith.select %eq3A_1341, %jit3A_1342, %jit3A_1339 : i32
    %rem3A_1344 = vector.broadcast %select_n3A_1343 : i32 to vector<128x1xi32>
    %rem3A_1345 = arith.remsi %iota3A_329, %rem3A_1344 : vector<128x1xi32>
    %ne3A_1346 = arith.constant 0 : i32
    %ne3A_1347 = vector.broadcast %ne3A_1346 : i32 to vector<128x1xi32>
    %ne3A_1348 = arith.cmpi ne, %rem3A_1345, %ne3A_1347 : vector<128x1xi32>
    %lt3A_1349 = arith.constant 0 : i32
    %lt3A_1350 = vector.broadcast %lt3A_1349 : i32 to vector<128x1xi32>
    %lt3A_1351 = arith.cmpi slt, %rem3A_1345, %lt3A_1350 : vector<128x1xi32>
    %lt3A_1352 = arith.constant 0 : i32
    %lt3A_1353 = arith.cmpi slt, %select_n3A_1343, %lt3A_1352 : i32
    %ne3A_1354 = vector.broadcast %lt3A_1353 : i1 to vector<128x1xi1>
    %ne3A_1355 = vector.broadcast %ne3A_1354 : vector<128x1xi1> to vector<128x1xi1>
    %ne3A_1356 = arith.xori %lt3A_1351, %ne3A_1355 : vector<128x1xi1>
    %and3A_1357 = arith.andi %ne3A_1356, %ne3A_1348 : vector<128x1xi1>
    %add3A_1358 = vector.broadcast %select_n3A_1343 : i32 to vector<128x1xi32>
    %add3A_1359 = arith.addi %rem3A_1345, %add3A_1358 : vector<128x1xi32>
    %select_n3A_1360 = arith.select %and3A_1357, %add3A_1359, %rem3A_1345 : vector<128x1xi1>, vector<128x1xi32>
    %convert_element_type3A_1361 = arith.sitofp %select_n3A_1360 : vector<128x1xi32> to vector<128x1xf32>
    %add3A_1362 = vector.broadcast %broadcast_in_dim3A_1300 : vector<1x1xf32> to vector<128x1xf32>
    %add3A_1363 = arith.addf %add3A_1362, %convert_element_type3A_1361 : vector<128x1xf32>
    %select_n3A_1364 = arith.select %eq3A_1338, %add3A_1363, %broadcast_in_dim3A_1140 : vector<128x1xi1>, vector<128x1xf32>
    %lt3A_1365 = vector.broadcast %broadcast_in_dim3A_1304 : vector<1x1xf32> to vector<128x1xf32>
    %lt3A_1366 = arith.cmpf olt, %convert_element_type3A_1361, %lt3A_1365 : vector<128x1xf32>
    %and3A_1367 = arith.andi %eq3A_1338, %lt3A_1366 : vector<128x1xi1>
    %broadcast_in_dim3A_1368 = vector.shape_cast %div3A_1289 : vector<1x1xf32> to vector<1x1xf32>
    %broadcast_in_dim3A_1369 = vector.broadcast %broadcast_in_dim3A_1368 : vector<1x1xf32> to vector<128x1xf32>
    %select_n3A_1370 = arith.select %and3A_1367, %broadcast_in_dim3A_1369, %broadcast_in_dim3A_1142 : vector<128x1xi1>, vector<128x1xf32>
    %div3A_1371 = arith.divf %exp3A_1269, %add3A_1288 : vector<1x1xf32>
    %eq3A_1372 = vector.broadcast %broadcast_in_dim3A_1169 : vector<1x1xf32> to vector<256x1xf32>
    %eq3A_1373 = arith.cmpf oeq, %convert_element_type3A_325, %eq3A_1372 : vector<256x1xf32>
    %jit3A_1374 = arith.constant 1.000000e+00 : f32
    %jit3A_1375 = arith.constant 0.000000e+00 : f32
    %broadcast_in_dim3A_1376 = vector.broadcast %jit3A_1374 : f32 to vector<256x1xf32>
    %broadcast_in_dim3A_1377 = vector.broadcast %jit3A_1375 : f32 to vector<256x1xf32>
    %select_n3A_1378 = arith.select %eq3A_1373, %broadcast_in_dim3A_1376, %broadcast_in_dim3A_1377 : vector<256x1xi1>, vector<256x1xf32>
    %mul3A_1379 = arith.mulf %select_n3A_1378, %add3A_263 : vector<256x1xf32>
    %reduce_sum3A_1380 = arith.constant dense<0.000000e+00> : vector<1xf32>
    %reduce_sum3A_1381 = vector.multi_reduction <add>, %mul3A_1379, %reduce_sum3A_1380 [0] : vector<256x1xf32> to vector<1xf32>
    %broadcast_in_dim3A_1382 = vector.shape_cast %reduce_sum3A_1381 : vector<1xf32> to vector<1x1xf32>
    %mul3A_1383 = arith.mulf %select_n3A_1378, %select_n3A_296 : vector<256x1xf32>
    %reduce_sum3A_1384 = arith.constant dense<0.000000e+00> : vector<1xf32>
    %reduce_sum3A_1385 = vector.multi_reduction <add>, %mul3A_1383, %reduce_sum3A_1384 [0] : vector<256x1xf32> to vector<1xf32>
    %broadcast_in_dim3A_1386 = vector.shape_cast %reduce_sum3A_1385 : vector<1xf32> to vector<1x1xf32>
    %jit3A_1387 = arith.constant 16 : i32
    %div3A_1388 = vector.broadcast %jit3A_1387 : i32 to vector<128x1xi32>
    %div3A_1389 = arith.divsi %iota3A_329, %div3A_1388 : vector<128x1xi32>
    %sign3A_1390 = arith.constant 0 : i32
    %sign3A_1391 = vector.broadcast %sign3A_1390 : i32 to vector<128x1xi32>
    %sign3A_1392 = arith.cmpi sgt, %iota3A_329, %sign3A_1391 : vector<128x1xi32>
    %sign3A_1393 = arith.extui %sign3A_1392 : vector<128x1xi1> to vector<128x1xi32>
    %sign3A_1394 = arith.constant 0 : i32
    %sign3A_1395 = vector.broadcast %sign3A_1394 : i32 to vector<128x1xi32>
    %sign3A_1396 = arith.cmpi slt, %iota3A_329, %sign3A_1395 : vector<128x1xi32>
    %sign3A_1397 = arith.extui %sign3A_1396 : vector<128x1xi1> to vector<128x1xi32>
    %sign3A_1398 = arith.subi %sign3A_1393, %sign3A_1397 : vector<128x1xi32>
    %sign3A_1399 = arith.constant 0 : i32
    %sign3A_1400 = arith.cmpi sgt, %jit3A_1387, %sign3A_1399 : i32
    %sign3A_1401 = arith.extui %sign3A_1400 : i1 to i32
    %sign3A_1402 = arith.constant 0 : i32
    %sign3A_1403 = arith.cmpi slt, %jit3A_1387, %sign3A_1402 : i32
    %sign3A_1404 = arith.extui %sign3A_1403 : i1 to i32
    %sign3A_1405 = arith.subi %sign3A_1401, %sign3A_1404 : i32
    %ne3A_1406 = vector.broadcast %sign3A_1405 : i32 to vector<128x1xi32>
    %ne3A_1407 = arith.cmpi ne, %sign3A_1398, %ne3A_1406 : vector<128x1xi32>
    %rem3A_1408 = vector.broadcast %jit3A_1387 : i32 to vector<128x1xi32>
    %rem3A_1409 = arith.remsi %iota3A_329, %rem3A_1408 : vector<128x1xi32>
    %ne3A_1410 = arith.constant 0 : i32
    %ne3A_1411 = vector.broadcast %ne3A_1410 : i32 to vector<128x1xi32>
    %ne3A_1412 = arith.cmpi ne, %rem3A_1409, %ne3A_1411 : vector<128x1xi32>
    %and3A_1413 = arith.andi %ne3A_1407, %ne3A_1412 : vector<128x1xi1>
    %sub3A_1414 = arith.constant 1 : i32
    %sub3A_1415 = vector.broadcast %sub3A_1414 : i32 to vector<128x1xi32>
    %sub3A_1416 = arith.subi %div3A_1389, %sub3A_1415 : vector<128x1xi32>
    %select_n3A_1417 = arith.select %and3A_1413, %sub3A_1416, %div3A_1389 : vector<128x1xi1>, vector<128x1xi32>
    %eq3A_1418 = arith.constant 1 : i32
    %eq3A_1419 = vector.broadcast %eq3A_1418 : i32 to vector<128x1xi32>
    %eq3A_1420 = arith.cmpi eq, %select_n3A_1417, %eq3A_1419 : vector<128x1xi32>
    %jit3A_1421 = arith.constant 16 : i32
    %eq3A_1422 = arith.constant 0 : i32
    %eq3A_1423 = arith.cmpi eq, %jit3A_1421, %eq3A_1422 : i32
    %jit3A_1424 = arith.constant 1 : i32
    %select_n3A_1425 = arith.select %eq3A_1423, %jit3A_1424, %jit3A_1421 : i32
    %rem3A_1426 = vector.broadcast %select_n3A_1425 : i32 to vector<128x1xi32>
    %rem3A_1427 = arith.remsi %iota3A_329, %rem3A_1426 : vector<128x1xi32>
    %ne3A_1428 = arith.constant 0 : i32
    %ne3A_1429 = vector.broadcast %ne3A_1428 : i32 to vector<128x1xi32>
    %ne3A_1430 = arith.cmpi ne, %rem3A_1427, %ne3A_1429 : vector<128x1xi32>
    %lt3A_1431 = arith.constant 0 : i32
    %lt3A_1432 = vector.broadcast %lt3A_1431 : i32 to vector<128x1xi32>
    %lt3A_1433 = arith.cmpi slt, %rem3A_1427, %lt3A_1432 : vector<128x1xi32>
    %lt3A_1434 = arith.constant 0 : i32
    %lt3A_1435 = arith.cmpi slt, %select_n3A_1425, %lt3A_1434 : i32
    %ne3A_1436 = vector.broadcast %lt3A_1435 : i1 to vector<128x1xi1>
    %ne3A_1437 = vector.broadcast %ne3A_1436 : vector<128x1xi1> to vector<128x1xi1>
    %ne3A_1438 = arith.xori %lt3A_1433, %ne3A_1437 : vector<128x1xi1>
    %and3A_1439 = arith.andi %ne3A_1438, %ne3A_1430 : vector<128x1xi1>
    %add3A_1440 = vector.broadcast %select_n3A_1425 : i32 to vector<128x1xi32>
    %add3A_1441 = arith.addi %rem3A_1427, %add3A_1440 : vector<128x1xi32>
    %select_n3A_1442 = arith.select %and3A_1439, %add3A_1441, %rem3A_1427 : vector<128x1xi1>, vector<128x1xi32>
    %convert_element_type3A_1443 = arith.sitofp %select_n3A_1442 : vector<128x1xi32> to vector<128x1xf32>
    %add3A_1444 = vector.broadcast %broadcast_in_dim3A_1382 : vector<1x1xf32> to vector<128x1xf32>
    %add3A_1445 = arith.addf %add3A_1444, %convert_element_type3A_1443 : vector<128x1xf32>
    %select_n3A_1446 = arith.select %eq3A_1420, %add3A_1445, %select_n3A_1364 : vector<128x1xi1>, vector<128x1xf32>
    %lt3A_1447 = vector.broadcast %broadcast_in_dim3A_1386 : vector<1x1xf32> to vector<128x1xf32>
    %lt3A_1448 = arith.cmpf olt, %convert_element_type3A_1443, %lt3A_1447 : vector<128x1xf32>
    %and3A_1449 = arith.andi %eq3A_1420, %lt3A_1448 : vector<128x1xi1>
    %broadcast_in_dim3A_1450 = vector.shape_cast %div3A_1371 : vector<1x1xf32> to vector<1x1xf32>
    %broadcast_in_dim3A_1451 = vector.broadcast %broadcast_in_dim3A_1450 : vector<1x1xf32> to vector<128x1xf32>
    %select_n3A_1452 = arith.select %and3A_1449, %broadcast_in_dim3A_1451, %select_n3A_1370 : vector<128x1xi1>, vector<128x1xf32>
    %div3A_1453 = arith.divf %exp3A_1271, %add3A_1288 : vector<1x1xf32>
    %eq3A_1454 = vector.broadcast %broadcast_in_dim3A_1185 : vector<1x1xf32> to vector<256x1xf32>
    %eq3A_1455 = arith.cmpf oeq, %convert_element_type3A_325, %eq3A_1454 : vector<256x1xf32>
    %jit3A_1456 = arith.constant 1.000000e+00 : f32
    %jit3A_1457 = arith.constant 0.000000e+00 : f32
    %broadcast_in_dim3A_1458 = vector.broadcast %jit3A_1456 : f32 to vector<256x1xf32>
    %broadcast_in_dim3A_1459 = vector.broadcast %jit3A_1457 : f32 to vector<256x1xf32>
    %select_n3A_1460 = arith.select %eq3A_1455, %broadcast_in_dim3A_1458, %broadcast_in_dim3A_1459 : vector<256x1xi1>, vector<256x1xf32>
    %mul3A_1461 = arith.mulf %select_n3A_1460, %add3A_263 : vector<256x1xf32>
    %reduce_sum3A_1462 = arith.constant dense<0.000000e+00> : vector<1xf32>
    %reduce_sum3A_1463 = vector.multi_reduction <add>, %mul3A_1461, %reduce_sum3A_1462 [0] : vector<256x1xf32> to vector<1xf32>
    %broadcast_in_dim3A_1464 = vector.shape_cast %reduce_sum3A_1463 : vector<1xf32> to vector<1x1xf32>
    %mul3A_1465 = arith.mulf %select_n3A_1460, %select_n3A_296 : vector<256x1xf32>
    %reduce_sum3A_1466 = arith.constant dense<0.000000e+00> : vector<1xf32>
    %reduce_sum3A_1467 = vector.multi_reduction <add>, %mul3A_1465, %reduce_sum3A_1466 [0] : vector<256x1xf32> to vector<1xf32>
    %broadcast_in_dim3A_1468 = vector.shape_cast %reduce_sum3A_1467 : vector<1xf32> to vector<1x1xf32>
    %jit3A_1469 = arith.constant 16 : i32
    %div3A_1470 = vector.broadcast %jit3A_1469 : i32 to vector<128x1xi32>
    %div3A_1471 = arith.divsi %iota3A_329, %div3A_1470 : vector<128x1xi32>
    %sign3A_1472 = arith.constant 0 : i32
    %sign3A_1473 = vector.broadcast %sign3A_1472 : i32 to vector<128x1xi32>
    %sign3A_1474 = arith.cmpi sgt, %iota3A_329, %sign3A_1473 : vector<128x1xi32>
    %sign3A_1475 = arith.extui %sign3A_1474 : vector<128x1xi1> to vector<128x1xi32>
    %sign3A_1476 = arith.constant 0 : i32
    %sign3A_1477 = vector.broadcast %sign3A_1476 : i32 to vector<128x1xi32>
    %sign3A_1478 = arith.cmpi slt, %iota3A_329, %sign3A_1477 : vector<128x1xi32>
    %sign3A_1479 = arith.extui %sign3A_1478 : vector<128x1xi1> to vector<128x1xi32>
    %sign3A_1480 = arith.subi %sign3A_1475, %sign3A_1479 : vector<128x1xi32>
    %sign3A_1481 = arith.constant 0 : i32
    %sign3A_1482 = arith.cmpi sgt, %jit3A_1469, %sign3A_1481 : i32
    %sign3A_1483 = arith.extui %sign3A_1482 : i1 to i32
    %sign3A_1484 = arith.constant 0 : i32
    %sign3A_1485 = arith.cmpi slt, %jit3A_1469, %sign3A_1484 : i32
    %sign3A_1486 = arith.extui %sign3A_1485 : i1 to i32
    %sign3A_1487 = arith.subi %sign3A_1483, %sign3A_1486 : i32
    %ne3A_1488 = vector.broadcast %sign3A_1487 : i32 to vector<128x1xi32>
    %ne3A_1489 = arith.cmpi ne, %sign3A_1480, %ne3A_1488 : vector<128x1xi32>
    %rem3A_1490 = vector.broadcast %jit3A_1469 : i32 to vector<128x1xi32>
    %rem3A_1491 = arith.remsi %iota3A_329, %rem3A_1490 : vector<128x1xi32>
    %ne3A_1492 = arith.constant 0 : i32
    %ne3A_1493 = vector.broadcast %ne3A_1492 : i32 to vector<128x1xi32>
    %ne3A_1494 = arith.cmpi ne, %rem3A_1491, %ne3A_1493 : vector<128x1xi32>
    %and3A_1495 = arith.andi %ne3A_1489, %ne3A_1494 : vector<128x1xi1>
    %sub3A_1496 = arith.constant 1 : i32
    %sub3A_1497 = vector.broadcast %sub3A_1496 : i32 to vector<128x1xi32>
    %sub3A_1498 = arith.subi %div3A_1471, %sub3A_1497 : vector<128x1xi32>
    %select_n3A_1499 = arith.select %and3A_1495, %sub3A_1498, %div3A_1471 : vector<128x1xi1>, vector<128x1xi32>
    %eq3A_1500 = arith.constant 2 : i32
    %eq3A_1501 = vector.broadcast %eq3A_1500 : i32 to vector<128x1xi32>
    %eq3A_1502 = arith.cmpi eq, %select_n3A_1499, %eq3A_1501 : vector<128x1xi32>
    %jit3A_1503 = arith.constant 16 : i32
    %eq3A_1504 = arith.constant 0 : i32
    %eq3A_1505 = arith.cmpi eq, %jit3A_1503, %eq3A_1504 : i32
    %jit3A_1506 = arith.constant 1 : i32
    %select_n3A_1507 = arith.select %eq3A_1505, %jit3A_1506, %jit3A_1503 : i32
    %rem3A_1508 = vector.broadcast %select_n3A_1507 : i32 to vector<128x1xi32>
    %rem3A_1509 = arith.remsi %iota3A_329, %rem3A_1508 : vector<128x1xi32>
    %ne3A_1510 = arith.constant 0 : i32
    %ne3A_1511 = vector.broadcast %ne3A_1510 : i32 to vector<128x1xi32>
    %ne3A_1512 = arith.cmpi ne, %rem3A_1509, %ne3A_1511 : vector<128x1xi32>
    %lt3A_1513 = arith.constant 0 : i32
    %lt3A_1514 = vector.broadcast %lt3A_1513 : i32 to vector<128x1xi32>
    %lt3A_1515 = arith.cmpi slt, %rem3A_1509, %lt3A_1514 : vector<128x1xi32>
    %lt3A_1516 = arith.constant 0 : i32
    %lt3A_1517 = arith.cmpi slt, %select_n3A_1507, %lt3A_1516 : i32
    %ne3A_1518 = vector.broadcast %lt3A_1517 : i1 to vector<128x1xi1>
    %ne3A_1519 = vector.broadcast %ne3A_1518 : vector<128x1xi1> to vector<128x1xi1>
    %ne3A_1520 = arith.xori %lt3A_1515, %ne3A_1519 : vector<128x1xi1>
    %and3A_1521 = arith.andi %ne3A_1520, %ne3A_1512 : vector<128x1xi1>
    %add3A_1522 = vector.broadcast %select_n3A_1507 : i32 to vector<128x1xi32>
    %add3A_1523 = arith.addi %rem3A_1509, %add3A_1522 : vector<128x1xi32>
    %select_n3A_1524 = arith.select %and3A_1521, %add3A_1523, %rem3A_1509 : vector<128x1xi1>, vector<128x1xi32>
    %convert_element_type3A_1525 = arith.sitofp %select_n3A_1524 : vector<128x1xi32> to vector<128x1xf32>
    %add3A_1526 = vector.broadcast %broadcast_in_dim3A_1464 : vector<1x1xf32> to vector<128x1xf32>
    %add3A_1527 = arith.addf %add3A_1526, %convert_element_type3A_1525 : vector<128x1xf32>
    %select_n3A_1528 = arith.select %eq3A_1502, %add3A_1527, %select_n3A_1446 : vector<128x1xi1>, vector<128x1xf32>
    %lt3A_1529 = vector.broadcast %broadcast_in_dim3A_1468 : vector<1x1xf32> to vector<128x1xf32>
    %lt3A_1530 = arith.cmpf olt, %convert_element_type3A_1525, %lt3A_1529 : vector<128x1xf32>
    %and3A_1531 = arith.andi %eq3A_1502, %lt3A_1530 : vector<128x1xi1>
    %broadcast_in_dim3A_1532 = vector.shape_cast %div3A_1453 : vector<1x1xf32> to vector<1x1xf32>
    %broadcast_in_dim3A_1533 = vector.broadcast %broadcast_in_dim3A_1532 : vector<1x1xf32> to vector<128x1xf32>
    %select_n3A_1534 = arith.select %and3A_1531, %broadcast_in_dim3A_1533, %select_n3A_1452 : vector<128x1xi1>, vector<128x1xf32>
    %div3A_1535 = arith.divf %exp3A_1273, %add3A_1288 : vector<1x1xf32>
    %eq3A_1536 = vector.broadcast %broadcast_in_dim3A_1201 : vector<1x1xf32> to vector<256x1xf32>
    %eq3A_1537 = arith.cmpf oeq, %convert_element_type3A_325, %eq3A_1536 : vector<256x1xf32>
    %jit3A_1538 = arith.constant 1.000000e+00 : f32
    %jit3A_1539 = arith.constant 0.000000e+00 : f32
    %broadcast_in_dim3A_1540 = vector.broadcast %jit3A_1538 : f32 to vector<256x1xf32>
    %broadcast_in_dim3A_1541 = vector.broadcast %jit3A_1539 : f32 to vector<256x1xf32>
    %select_n3A_1542 = arith.select %eq3A_1537, %broadcast_in_dim3A_1540, %broadcast_in_dim3A_1541 : vector<256x1xi1>, vector<256x1xf32>
    %mul3A_1543 = arith.mulf %select_n3A_1542, %add3A_263 : vector<256x1xf32>
    %reduce_sum3A_1544 = arith.constant dense<0.000000e+00> : vector<1xf32>
    %reduce_sum3A_1545 = vector.multi_reduction <add>, %mul3A_1543, %reduce_sum3A_1544 [0] : vector<256x1xf32> to vector<1xf32>
    %broadcast_in_dim3A_1546 = vector.shape_cast %reduce_sum3A_1545 : vector<1xf32> to vector<1x1xf32>
    %mul3A_1547 = arith.mulf %select_n3A_1542, %select_n3A_296 : vector<256x1xf32>
    %reduce_sum3A_1548 = arith.constant dense<0.000000e+00> : vector<1xf32>
    %reduce_sum3A_1549 = vector.multi_reduction <add>, %mul3A_1547, %reduce_sum3A_1548 [0] : vector<256x1xf32> to vector<1xf32>
    %broadcast_in_dim3A_1550 = vector.shape_cast %reduce_sum3A_1549 : vector<1xf32> to vector<1x1xf32>
    %jit3A_1551 = arith.constant 16 : i32
    %div3A_1552 = vector.broadcast %jit3A_1551 : i32 to vector<128x1xi32>
    %div3A_1553 = arith.divsi %iota3A_329, %div3A_1552 : vector<128x1xi32>
    %sign3A_1554 = arith.constant 0 : i32
    %sign3A_1555 = vector.broadcast %sign3A_1554 : i32 to vector<128x1xi32>
    %sign3A_1556 = arith.cmpi sgt, %iota3A_329, %sign3A_1555 : vector<128x1xi32>
    %sign3A_1557 = arith.extui %sign3A_1556 : vector<128x1xi1> to vector<128x1xi32>
    %sign3A_1558 = arith.constant 0 : i32
    %sign3A_1559 = vector.broadcast %sign3A_1558 : i32 to vector<128x1xi32>
    %sign3A_1560 = arith.cmpi slt, %iota3A_329, %sign3A_1559 : vector<128x1xi32>
    %sign3A_1561 = arith.extui %sign3A_1560 : vector<128x1xi1> to vector<128x1xi32>
    %sign3A_1562 = arith.subi %sign3A_1557, %sign3A_1561 : vector<128x1xi32>
    %sign3A_1563 = arith.constant 0 : i32
    %sign3A_1564 = arith.cmpi sgt, %jit3A_1551, %sign3A_1563 : i32
    %sign3A_1565 = arith.extui %sign3A_1564 : i1 to i32
    %sign3A_1566 = arith.constant 0 : i32
    %sign3A_1567 = arith.cmpi slt, %jit3A_1551, %sign3A_1566 : i32
    %sign3A_1568 = arith.extui %sign3A_1567 : i1 to i32
    %sign3A_1569 = arith.subi %sign3A_1565, %sign3A_1568 : i32
    %ne3A_1570 = vector.broadcast %sign3A_1569 : i32 to vector<128x1xi32>
    %ne3A_1571 = arith.cmpi ne, %sign3A_1562, %ne3A_1570 : vector<128x1xi32>
    %rem3A_1572 = vector.broadcast %jit3A_1551 : i32 to vector<128x1xi32>
    %rem3A_1573 = arith.remsi %iota3A_329, %rem3A_1572 : vector<128x1xi32>
    %ne3A_1574 = arith.constant 0 : i32
    %ne3A_1575 = vector.broadcast %ne3A_1574 : i32 to vector<128x1xi32>
    %ne3A_1576 = arith.cmpi ne, %rem3A_1573, %ne3A_1575 : vector<128x1xi32>
    %and3A_1577 = arith.andi %ne3A_1571, %ne3A_1576 : vector<128x1xi1>
    %sub3A_1578 = arith.constant 1 : i32
    %sub3A_1579 = vector.broadcast %sub3A_1578 : i32 to vector<128x1xi32>
    %sub3A_1580 = arith.subi %div3A_1553, %sub3A_1579 : vector<128x1xi32>
    %select_n3A_1581 = arith.select %and3A_1577, %sub3A_1580, %div3A_1553 : vector<128x1xi1>, vector<128x1xi32>
    %eq3A_1582 = arith.constant 3 : i32
    %eq3A_1583 = vector.broadcast %eq3A_1582 : i32 to vector<128x1xi32>
    %eq3A_1584 = arith.cmpi eq, %select_n3A_1581, %eq3A_1583 : vector<128x1xi32>
    %jit3A_1585 = arith.constant 16 : i32
    %eq3A_1586 = arith.constant 0 : i32
    %eq3A_1587 = arith.cmpi eq, %jit3A_1585, %eq3A_1586 : i32
    %jit3A_1588 = arith.constant 1 : i32
    %select_n3A_1589 = arith.select %eq3A_1587, %jit3A_1588, %jit3A_1585 : i32
    %rem3A_1590 = vector.broadcast %select_n3A_1589 : i32 to vector<128x1xi32>
    %rem3A_1591 = arith.remsi %iota3A_329, %rem3A_1590 : vector<128x1xi32>
    %ne3A_1592 = arith.constant 0 : i32
    %ne3A_1593 = vector.broadcast %ne3A_1592 : i32 to vector<128x1xi32>
    %ne3A_1594 = arith.cmpi ne, %rem3A_1591, %ne3A_1593 : vector<128x1xi32>
    %lt3A_1595 = arith.constant 0 : i32
    %lt3A_1596 = vector.broadcast %lt3A_1595 : i32 to vector<128x1xi32>
    %lt3A_1597 = arith.cmpi slt, %rem3A_1591, %lt3A_1596 : vector<128x1xi32>
    %lt3A_1598 = arith.constant 0 : i32
    %lt3A_1599 = arith.cmpi slt, %select_n3A_1589, %lt3A_1598 : i32
    %ne3A_1600 = vector.broadcast %lt3A_1599 : i1 to vector<128x1xi1>
    %ne3A_1601 = vector.broadcast %ne3A_1600 : vector<128x1xi1> to vector<128x1xi1>
    %ne3A_1602 = arith.xori %lt3A_1597, %ne3A_1601 : vector<128x1xi1>
    %and3A_1603 = arith.andi %ne3A_1602, %ne3A_1594 : vector<128x1xi1>
    %add3A_1604 = vector.broadcast %select_n3A_1589 : i32 to vector<128x1xi32>
    %add3A_1605 = arith.addi %rem3A_1591, %add3A_1604 : vector<128x1xi32>
    %select_n3A_1606 = arith.select %and3A_1603, %add3A_1605, %rem3A_1591 : vector<128x1xi1>, vector<128x1xi32>
    %convert_element_type3A_1607 = arith.sitofp %select_n3A_1606 : vector<128x1xi32> to vector<128x1xf32>
    %add3A_1608 = vector.broadcast %broadcast_in_dim3A_1546 : vector<1x1xf32> to vector<128x1xf32>
    %add3A_1609 = arith.addf %add3A_1608, %convert_element_type3A_1607 : vector<128x1xf32>
    %select_n3A_1610 = arith.select %eq3A_1584, %add3A_1609, %select_n3A_1528 : vector<128x1xi1>, vector<128x1xf32>
    %lt3A_1611 = vector.broadcast %broadcast_in_dim3A_1550 : vector<1x1xf32> to vector<128x1xf32>
    %lt3A_1612 = arith.cmpf olt, %convert_element_type3A_1607, %lt3A_1611 : vector<128x1xf32>
    %and3A_1613 = arith.andi %eq3A_1584, %lt3A_1612 : vector<128x1xi1>
    %broadcast_in_dim3A_1614 = vector.shape_cast %div3A_1535 : vector<1x1xf32> to vector<1x1xf32>
    %broadcast_in_dim3A_1615 = vector.broadcast %broadcast_in_dim3A_1614 : vector<1x1xf32> to vector<128x1xf32>
    %select_n3A_1616 = arith.select %and3A_1613, %broadcast_in_dim3A_1615, %select_n3A_1534 : vector<128x1xi1>, vector<128x1xf32>
    %div3A_1617 = arith.divf %exp3A_1275, %add3A_1288 : vector<1x1xf32>
    %eq3A_1618 = vector.broadcast %broadcast_in_dim3A_1217 : vector<1x1xf32> to vector<256x1xf32>
    %eq3A_1619 = arith.cmpf oeq, %convert_element_type3A_325, %eq3A_1618 : vector<256x1xf32>
    %jit3A_1620 = arith.constant 1.000000e+00 : f32
    %jit3A_1621 = arith.constant 0.000000e+00 : f32
    %broadcast_in_dim3A_1622 = vector.broadcast %jit3A_1620 : f32 to vector<256x1xf32>
    %broadcast_in_dim3A_1623 = vector.broadcast %jit3A_1621 : f32 to vector<256x1xf32>
    %select_n3A_1624 = arith.select %eq3A_1619, %broadcast_in_dim3A_1622, %broadcast_in_dim3A_1623 : vector<256x1xi1>, vector<256x1xf32>
    %mul3A_1625 = arith.mulf %select_n3A_1624, %add3A_263 : vector<256x1xf32>
    %reduce_sum3A_1626 = arith.constant dense<0.000000e+00> : vector<1xf32>
    %reduce_sum3A_1627 = vector.multi_reduction <add>, %mul3A_1625, %reduce_sum3A_1626 [0] : vector<256x1xf32> to vector<1xf32>
    %broadcast_in_dim3A_1628 = vector.shape_cast %reduce_sum3A_1627 : vector<1xf32> to vector<1x1xf32>
    %mul3A_1629 = arith.mulf %select_n3A_1624, %select_n3A_296 : vector<256x1xf32>
    %reduce_sum3A_1630 = arith.constant dense<0.000000e+00> : vector<1xf32>
    %reduce_sum3A_1631 = vector.multi_reduction <add>, %mul3A_1629, %reduce_sum3A_1630 [0] : vector<256x1xf32> to vector<1xf32>
    %broadcast_in_dim3A_1632 = vector.shape_cast %reduce_sum3A_1631 : vector<1xf32> to vector<1x1xf32>
    %jit3A_1633 = arith.constant 16 : i32
    %div3A_1634 = vector.broadcast %jit3A_1633 : i32 to vector<128x1xi32>
    %div3A_1635 = arith.divsi %iota3A_329, %div3A_1634 : vector<128x1xi32>
    %sign3A_1636 = arith.constant 0 : i32
    %sign3A_1637 = vector.broadcast %sign3A_1636 : i32 to vector<128x1xi32>
    %sign3A_1638 = arith.cmpi sgt, %iota3A_329, %sign3A_1637 : vector<128x1xi32>
    %sign3A_1639 = arith.extui %sign3A_1638 : vector<128x1xi1> to vector<128x1xi32>
    %sign3A_1640 = arith.constant 0 : i32
    %sign3A_1641 = vector.broadcast %sign3A_1640 : i32 to vector<128x1xi32>
    %sign3A_1642 = arith.cmpi slt, %iota3A_329, %sign3A_1641 : vector<128x1xi32>
    %sign3A_1643 = arith.extui %sign3A_1642 : vector<128x1xi1> to vector<128x1xi32>
    %sign3A_1644 = arith.subi %sign3A_1639, %sign3A_1643 : vector<128x1xi32>
    %sign3A_1645 = arith.constant 0 : i32
    %sign3A_1646 = arith.cmpi sgt, %jit3A_1633, %sign3A_1645 : i32
    %sign3A_1647 = arith.extui %sign3A_1646 : i1 to i32
    %sign3A_1648 = arith.constant 0 : i32
    %sign3A_1649 = arith.cmpi slt, %jit3A_1633, %sign3A_1648 : i32
    %sign3A_1650 = arith.extui %sign3A_1649 : i1 to i32
    %sign3A_1651 = arith.subi %sign3A_1647, %sign3A_1650 : i32
    %ne3A_1652 = vector.broadcast %sign3A_1651 : i32 to vector<128x1xi32>
    %ne3A_1653 = arith.cmpi ne, %sign3A_1644, %ne3A_1652 : vector<128x1xi32>
    %rem3A_1654 = vector.broadcast %jit3A_1633 : i32 to vector<128x1xi32>
    %rem3A_1655 = arith.remsi %iota3A_329, %rem3A_1654 : vector<128x1xi32>
    %ne3A_1656 = arith.constant 0 : i32
    %ne3A_1657 = vector.broadcast %ne3A_1656 : i32 to vector<128x1xi32>
    %ne3A_1658 = arith.cmpi ne, %rem3A_1655, %ne3A_1657 : vector<128x1xi32>
    %and3A_1659 = arith.andi %ne3A_1653, %ne3A_1658 : vector<128x1xi1>
    %sub3A_1660 = arith.constant 1 : i32
    %sub3A_1661 = vector.broadcast %sub3A_1660 : i32 to vector<128x1xi32>
    %sub3A_1662 = arith.subi %div3A_1635, %sub3A_1661 : vector<128x1xi32>
    %select_n3A_1663 = arith.select %and3A_1659, %sub3A_1662, %div3A_1635 : vector<128x1xi1>, vector<128x1xi32>
    %eq3A_1664 = arith.constant 4 : i32
    %eq3A_1665 = vector.broadcast %eq3A_1664 : i32 to vector<128x1xi32>
    %eq3A_1666 = arith.cmpi eq, %select_n3A_1663, %eq3A_1665 : vector<128x1xi32>
    %jit3A_1667 = arith.constant 16 : i32
    %eq3A_1668 = arith.constant 0 : i32
    %eq3A_1669 = arith.cmpi eq, %jit3A_1667, %eq3A_1668 : i32
    %jit3A_1670 = arith.constant 1 : i32
    %select_n3A_1671 = arith.select %eq3A_1669, %jit3A_1670, %jit3A_1667 : i32
    %rem3A_1672 = vector.broadcast %select_n3A_1671 : i32 to vector<128x1xi32>
    %rem3A_1673 = arith.remsi %iota3A_329, %rem3A_1672 : vector<128x1xi32>
    %ne3A_1674 = arith.constant 0 : i32
    %ne3A_1675 = vector.broadcast %ne3A_1674 : i32 to vector<128x1xi32>
    %ne3A_1676 = arith.cmpi ne, %rem3A_1673, %ne3A_1675 : vector<128x1xi32>
    %lt3A_1677 = arith.constant 0 : i32
    %lt3A_1678 = vector.broadcast %lt3A_1677 : i32 to vector<128x1xi32>
    %lt3A_1679 = arith.cmpi slt, %rem3A_1673, %lt3A_1678 : vector<128x1xi32>
    %lt3A_1680 = arith.constant 0 : i32
    %lt3A_1681 = arith.cmpi slt, %select_n3A_1671, %lt3A_1680 : i32
    %ne3A_1682 = vector.broadcast %lt3A_1681 : i1 to vector<128x1xi1>
    %ne3A_1683 = vector.broadcast %ne3A_1682 : vector<128x1xi1> to vector<128x1xi1>
    %ne3A_1684 = arith.xori %lt3A_1679, %ne3A_1683 : vector<128x1xi1>
    %and3A_1685 = arith.andi %ne3A_1684, %ne3A_1676 : vector<128x1xi1>
    %add3A_1686 = vector.broadcast %select_n3A_1671 : i32 to vector<128x1xi32>
    %add3A_1687 = arith.addi %rem3A_1673, %add3A_1686 : vector<128x1xi32>
    %select_n3A_1688 = arith.select %and3A_1685, %add3A_1687, %rem3A_1673 : vector<128x1xi1>, vector<128x1xi32>
    %convert_element_type3A_1689 = arith.sitofp %select_n3A_1688 : vector<128x1xi32> to vector<128x1xf32>
    %add3A_1690 = vector.broadcast %broadcast_in_dim3A_1628 : vector<1x1xf32> to vector<128x1xf32>
    %add3A_1691 = arith.addf %add3A_1690, %convert_element_type3A_1689 : vector<128x1xf32>
    %select_n3A_1692 = arith.select %eq3A_1666, %add3A_1691, %select_n3A_1610 : vector<128x1xi1>, vector<128x1xf32>
    %lt3A_1693 = vector.broadcast %broadcast_in_dim3A_1632 : vector<1x1xf32> to vector<128x1xf32>
    %lt3A_1694 = arith.cmpf olt, %convert_element_type3A_1689, %lt3A_1693 : vector<128x1xf32>
    %and3A_1695 = arith.andi %eq3A_1666, %lt3A_1694 : vector<128x1xi1>
    %broadcast_in_dim3A_1696 = vector.shape_cast %div3A_1617 : vector<1x1xf32> to vector<1x1xf32>
    %broadcast_in_dim3A_1697 = vector.broadcast %broadcast_in_dim3A_1696 : vector<1x1xf32> to vector<128x1xf32>
    %select_n3A_1698 = arith.select %and3A_1695, %broadcast_in_dim3A_1697, %select_n3A_1616 : vector<128x1xi1>, vector<128x1xf32>
    %div3A_1699 = arith.divf %exp3A_1277, %add3A_1288 : vector<1x1xf32>
    %eq3A_1700 = vector.broadcast %broadcast_in_dim3A_1233 : vector<1x1xf32> to vector<256x1xf32>
    %eq3A_1701 = arith.cmpf oeq, %convert_element_type3A_325, %eq3A_1700 : vector<256x1xf32>
    %jit3A_1702 = arith.constant 1.000000e+00 : f32
    %jit3A_1703 = arith.constant 0.000000e+00 : f32
    %broadcast_in_dim3A_1704 = vector.broadcast %jit3A_1702 : f32 to vector<256x1xf32>
    %broadcast_in_dim3A_1705 = vector.broadcast %jit3A_1703 : f32 to vector<256x1xf32>
    %select_n3A_1706 = arith.select %eq3A_1701, %broadcast_in_dim3A_1704, %broadcast_in_dim3A_1705 : vector<256x1xi1>, vector<256x1xf32>
    %mul3A_1707 = arith.mulf %select_n3A_1706, %add3A_263 : vector<256x1xf32>
    %reduce_sum3A_1708 = arith.constant dense<0.000000e+00> : vector<1xf32>
    %reduce_sum3A_1709 = vector.multi_reduction <add>, %mul3A_1707, %reduce_sum3A_1708 [0] : vector<256x1xf32> to vector<1xf32>
    %broadcast_in_dim3A_1710 = vector.shape_cast %reduce_sum3A_1709 : vector<1xf32> to vector<1x1xf32>
    %mul3A_1711 = arith.mulf %select_n3A_1706, %select_n3A_296 : vector<256x1xf32>
    %reduce_sum3A_1712 = arith.constant dense<0.000000e+00> : vector<1xf32>
    %reduce_sum3A_1713 = vector.multi_reduction <add>, %mul3A_1711, %reduce_sum3A_1712 [0] : vector<256x1xf32> to vector<1xf32>
    %broadcast_in_dim3A_1714 = vector.shape_cast %reduce_sum3A_1713 : vector<1xf32> to vector<1x1xf32>
    %jit3A_1715 = arith.constant 16 : i32
    %div3A_1716 = vector.broadcast %jit3A_1715 : i32 to vector<128x1xi32>
    %div3A_1717 = arith.divsi %iota3A_329, %div3A_1716 : vector<128x1xi32>
    %sign3A_1718 = arith.constant 0 : i32
    %sign3A_1719 = vector.broadcast %sign3A_1718 : i32 to vector<128x1xi32>
    %sign3A_1720 = arith.cmpi sgt, %iota3A_329, %sign3A_1719 : vector<128x1xi32>
    %sign3A_1721 = arith.extui %sign3A_1720 : vector<128x1xi1> to vector<128x1xi32>
    %sign3A_1722 = arith.constant 0 : i32
    %sign3A_1723 = vector.broadcast %sign3A_1722 : i32 to vector<128x1xi32>
    %sign3A_1724 = arith.cmpi slt, %iota3A_329, %sign3A_1723 : vector<128x1xi32>
    %sign3A_1725 = arith.extui %sign3A_1724 : vector<128x1xi1> to vector<128x1xi32>
    %sign3A_1726 = arith.subi %sign3A_1721, %sign3A_1725 : vector<128x1xi32>
    %sign3A_1727 = arith.constant 0 : i32
    %sign3A_1728 = arith.cmpi sgt, %jit3A_1715, %sign3A_1727 : i32
    %sign3A_1729 = arith.extui %sign3A_1728 : i1 to i32
    %sign3A_1730 = arith.constant 0 : i32
    %sign3A_1731 = arith.cmpi slt, %jit3A_1715, %sign3A_1730 : i32
    %sign3A_1732 = arith.extui %sign3A_1731 : i1 to i32
    %sign3A_1733 = arith.subi %sign3A_1729, %sign3A_1732 : i32
    %ne3A_1734 = vector.broadcast %sign3A_1733 : i32 to vector<128x1xi32>
    %ne3A_1735 = arith.cmpi ne, %sign3A_1726, %ne3A_1734 : vector<128x1xi32>
    %rem3A_1736 = vector.broadcast %jit3A_1715 : i32 to vector<128x1xi32>
    %rem3A_1737 = arith.remsi %iota3A_329, %rem3A_1736 : vector<128x1xi32>
    %ne3A_1738 = arith.constant 0 : i32
    %ne3A_1739 = vector.broadcast %ne3A_1738 : i32 to vector<128x1xi32>
    %ne3A_1740 = arith.cmpi ne, %rem3A_1737, %ne3A_1739 : vector<128x1xi32>
    %and3A_1741 = arith.andi %ne3A_1735, %ne3A_1740 : vector<128x1xi1>
    %sub3A_1742 = arith.constant 1 : i32
    %sub3A_1743 = vector.broadcast %sub3A_1742 : i32 to vector<128x1xi32>
    %sub3A_1744 = arith.subi %div3A_1717, %sub3A_1743 : vector<128x1xi32>
    %select_n3A_1745 = arith.select %and3A_1741, %sub3A_1744, %div3A_1717 : vector<128x1xi1>, vector<128x1xi32>
    %eq3A_1746 = arith.constant 5 : i32
    %eq3A_1747 = vector.broadcast %eq3A_1746 : i32 to vector<128x1xi32>
    %eq3A_1748 = arith.cmpi eq, %select_n3A_1745, %eq3A_1747 : vector<128x1xi32>
    %jit3A_1749 = arith.constant 16 : i32
    %eq3A_1750 = arith.constant 0 : i32
    %eq3A_1751 = arith.cmpi eq, %jit3A_1749, %eq3A_1750 : i32
    %jit3A_1752 = arith.constant 1 : i32
    %select_n3A_1753 = arith.select %eq3A_1751, %jit3A_1752, %jit3A_1749 : i32
    %rem3A_1754 = vector.broadcast %select_n3A_1753 : i32 to vector<128x1xi32>
    %rem3A_1755 = arith.remsi %iota3A_329, %rem3A_1754 : vector<128x1xi32>
    %ne3A_1756 = arith.constant 0 : i32
    %ne3A_1757 = vector.broadcast %ne3A_1756 : i32 to vector<128x1xi32>
    %ne3A_1758 = arith.cmpi ne, %rem3A_1755, %ne3A_1757 : vector<128x1xi32>
    %lt3A_1759 = arith.constant 0 : i32
    %lt3A_1760 = vector.broadcast %lt3A_1759 : i32 to vector<128x1xi32>
    %lt3A_1761 = arith.cmpi slt, %rem3A_1755, %lt3A_1760 : vector<128x1xi32>
    %lt3A_1762 = arith.constant 0 : i32
    %lt3A_1763 = arith.cmpi slt, %select_n3A_1753, %lt3A_1762 : i32
    %ne3A_1764 = vector.broadcast %lt3A_1763 : i1 to vector<128x1xi1>
    %ne3A_1765 = vector.broadcast %ne3A_1764 : vector<128x1xi1> to vector<128x1xi1>
    %ne3A_1766 = arith.xori %lt3A_1761, %ne3A_1765 : vector<128x1xi1>
    %and3A_1767 = arith.andi %ne3A_1766, %ne3A_1758 : vector<128x1xi1>
    %add3A_1768 = vector.broadcast %select_n3A_1753 : i32 to vector<128x1xi32>
    %add3A_1769 = arith.addi %rem3A_1755, %add3A_1768 : vector<128x1xi32>
    %select_n3A_1770 = arith.select %and3A_1767, %add3A_1769, %rem3A_1755 : vector<128x1xi1>, vector<128x1xi32>
    %convert_element_type3A_1771 = arith.sitofp %select_n3A_1770 : vector<128x1xi32> to vector<128x1xf32>
    %add3A_1772 = vector.broadcast %broadcast_in_dim3A_1710 : vector<1x1xf32> to vector<128x1xf32>
    %add3A_1773 = arith.addf %add3A_1772, %convert_element_type3A_1771 : vector<128x1xf32>
    %select_n3A_1774 = arith.select %eq3A_1748, %add3A_1773, %select_n3A_1692 : vector<128x1xi1>, vector<128x1xf32>
    %lt3A_1775 = vector.broadcast %broadcast_in_dim3A_1714 : vector<1x1xf32> to vector<128x1xf32>
    %lt3A_1776 = arith.cmpf olt, %convert_element_type3A_1771, %lt3A_1775 : vector<128x1xf32>
    %and3A_1777 = arith.andi %eq3A_1748, %lt3A_1776 : vector<128x1xi1>
    %broadcast_in_dim3A_1778 = vector.shape_cast %div3A_1699 : vector<1x1xf32> to vector<1x1xf32>
    %broadcast_in_dim3A_1779 = vector.broadcast %broadcast_in_dim3A_1778 : vector<1x1xf32> to vector<128x1xf32>
    %select_n3A_1780 = arith.select %and3A_1777, %broadcast_in_dim3A_1779, %select_n3A_1698 : vector<128x1xi1>, vector<128x1xf32>
    %div3A_1781 = arith.divf %exp3A_1279, %add3A_1288 : vector<1x1xf32>
    %eq3A_1782 = vector.broadcast %broadcast_in_dim3A_1249 : vector<1x1xf32> to vector<256x1xf32>
    %eq3A_1783 = arith.cmpf oeq, %convert_element_type3A_325, %eq3A_1782 : vector<256x1xf32>
    %jit3A_1784 = arith.constant 1.000000e+00 : f32
    %jit3A_1785 = arith.constant 0.000000e+00 : f32
    %broadcast_in_dim3A_1786 = vector.broadcast %jit3A_1784 : f32 to vector<256x1xf32>
    %broadcast_in_dim3A_1787 = vector.broadcast %jit3A_1785 : f32 to vector<256x1xf32>
    %select_n3A_1788 = arith.select %eq3A_1783, %broadcast_in_dim3A_1786, %broadcast_in_dim3A_1787 : vector<256x1xi1>, vector<256x1xf32>
    %mul3A_1789 = arith.mulf %select_n3A_1788, %add3A_263 : vector<256x1xf32>
    %reduce_sum3A_1790 = arith.constant dense<0.000000e+00> : vector<1xf32>
    %reduce_sum3A_1791 = vector.multi_reduction <add>, %mul3A_1789, %reduce_sum3A_1790 [0] : vector<256x1xf32> to vector<1xf32>
    %broadcast_in_dim3A_1792 = vector.shape_cast %reduce_sum3A_1791 : vector<1xf32> to vector<1x1xf32>
    %mul3A_1793 = arith.mulf %select_n3A_1788, %select_n3A_296 : vector<256x1xf32>
    %reduce_sum3A_1794 = arith.constant dense<0.000000e+00> : vector<1xf32>
    %reduce_sum3A_1795 = vector.multi_reduction <add>, %mul3A_1793, %reduce_sum3A_1794 [0] : vector<256x1xf32> to vector<1xf32>
    %broadcast_in_dim3A_1796 = vector.shape_cast %reduce_sum3A_1795 : vector<1xf32> to vector<1x1xf32>
    %jit3A_1797 = arith.constant 16 : i32
    %div3A_1798 = vector.broadcast %jit3A_1797 : i32 to vector<128x1xi32>
    %div3A_1799 = arith.divsi %iota3A_329, %div3A_1798 : vector<128x1xi32>
    %sign3A_1800 = arith.constant 0 : i32
    %sign3A_1801 = vector.broadcast %sign3A_1800 : i32 to vector<128x1xi32>
    %sign3A_1802 = arith.cmpi sgt, %iota3A_329, %sign3A_1801 : vector<128x1xi32>
    %sign3A_1803 = arith.extui %sign3A_1802 : vector<128x1xi1> to vector<128x1xi32>
    %sign3A_1804 = arith.constant 0 : i32
    %sign3A_1805 = vector.broadcast %sign3A_1804 : i32 to vector<128x1xi32>
    %sign3A_1806 = arith.cmpi slt, %iota3A_329, %sign3A_1805 : vector<128x1xi32>
    %sign3A_1807 = arith.extui %sign3A_1806 : vector<128x1xi1> to vector<128x1xi32>
    %sign3A_1808 = arith.subi %sign3A_1803, %sign3A_1807 : vector<128x1xi32>
    %sign3A_1809 = arith.constant 0 : i32
    %sign3A_1810 = arith.cmpi sgt, %jit3A_1797, %sign3A_1809 : i32
    %sign3A_1811 = arith.extui %sign3A_1810 : i1 to i32
    %sign3A_1812 = arith.constant 0 : i32
    %sign3A_1813 = arith.cmpi slt, %jit3A_1797, %sign3A_1812 : i32
    %sign3A_1814 = arith.extui %sign3A_1813 : i1 to i32
    %sign3A_1815 = arith.subi %sign3A_1811, %sign3A_1814 : i32
    %ne3A_1816 = vector.broadcast %sign3A_1815 : i32 to vector<128x1xi32>
    %ne3A_1817 = arith.cmpi ne, %sign3A_1808, %ne3A_1816 : vector<128x1xi32>
    %rem3A_1818 = vector.broadcast %jit3A_1797 : i32 to vector<128x1xi32>
    %rem3A_1819 = arith.remsi %iota3A_329, %rem3A_1818 : vector<128x1xi32>
    %ne3A_1820 = arith.constant 0 : i32
    %ne3A_1821 = vector.broadcast %ne3A_1820 : i32 to vector<128x1xi32>
    %ne3A_1822 = arith.cmpi ne, %rem3A_1819, %ne3A_1821 : vector<128x1xi32>
    %and3A_1823 = arith.andi %ne3A_1817, %ne3A_1822 : vector<128x1xi1>
    %sub3A_1824 = arith.constant 1 : i32
    %sub3A_1825 = vector.broadcast %sub3A_1824 : i32 to vector<128x1xi32>
    %sub3A_1826 = arith.subi %div3A_1799, %sub3A_1825 : vector<128x1xi32>
    %select_n3A_1827 = arith.select %and3A_1823, %sub3A_1826, %div3A_1799 : vector<128x1xi1>, vector<128x1xi32>
    %eq3A_1828 = arith.constant 6 : i32
    %eq3A_1829 = vector.broadcast %eq3A_1828 : i32 to vector<128x1xi32>
    %eq3A_1830 = arith.cmpi eq, %select_n3A_1827, %eq3A_1829 : vector<128x1xi32>
    %jit3A_1831 = arith.constant 16 : i32
    %eq3A_1832 = arith.constant 0 : i32
    %eq3A_1833 = arith.cmpi eq, %jit3A_1831, %eq3A_1832 : i32
    %jit3A_1834 = arith.constant 1 : i32
    %select_n3A_1835 = arith.select %eq3A_1833, %jit3A_1834, %jit3A_1831 : i32
    %rem3A_1836 = vector.broadcast %select_n3A_1835 : i32 to vector<128x1xi32>
    %rem3A_1837 = arith.remsi %iota3A_329, %rem3A_1836 : vector<128x1xi32>
    %ne3A_1838 = arith.constant 0 : i32
    %ne3A_1839 = vector.broadcast %ne3A_1838 : i32 to vector<128x1xi32>
    %ne3A_1840 = arith.cmpi ne, %rem3A_1837, %ne3A_1839 : vector<128x1xi32>
    %lt3A_1841 = arith.constant 0 : i32
    %lt3A_1842 = vector.broadcast %lt3A_1841 : i32 to vector<128x1xi32>
    %lt3A_1843 = arith.cmpi slt, %rem3A_1837, %lt3A_1842 : vector<128x1xi32>
    %lt3A_1844 = arith.constant 0 : i32
    %lt3A_1845 = arith.cmpi slt, %select_n3A_1835, %lt3A_1844 : i32
    %ne3A_1846 = vector.broadcast %lt3A_1845 : i1 to vector<128x1xi1>
    %ne3A_1847 = vector.broadcast %ne3A_1846 : vector<128x1xi1> to vector<128x1xi1>
    %ne3A_1848 = arith.xori %lt3A_1843, %ne3A_1847 : vector<128x1xi1>
    %and3A_1849 = arith.andi %ne3A_1848, %ne3A_1840 : vector<128x1xi1>
    %add3A_1850 = vector.broadcast %select_n3A_1835 : i32 to vector<128x1xi32>
    %add3A_1851 = arith.addi %rem3A_1837, %add3A_1850 : vector<128x1xi32>
    %select_n3A_1852 = arith.select %and3A_1849, %add3A_1851, %rem3A_1837 : vector<128x1xi1>, vector<128x1xi32>
    %convert_element_type3A_1853 = arith.sitofp %select_n3A_1852 : vector<128x1xi32> to vector<128x1xf32>
    %add3A_1854 = vector.broadcast %broadcast_in_dim3A_1792 : vector<1x1xf32> to vector<128x1xf32>
    %add3A_1855 = arith.addf %add3A_1854, %convert_element_type3A_1853 : vector<128x1xf32>
    %select_n3A_1856 = arith.select %eq3A_1830, %add3A_1855, %select_n3A_1774 : vector<128x1xi1>, vector<128x1xf32>
    %lt3A_1857 = vector.broadcast %broadcast_in_dim3A_1796 : vector<1x1xf32> to vector<128x1xf32>
    %lt3A_1858 = arith.cmpf olt, %convert_element_type3A_1853, %lt3A_1857 : vector<128x1xf32>
    %and3A_1859 = arith.andi %eq3A_1830, %lt3A_1858 : vector<128x1xi1>
    %broadcast_in_dim3A_1860 = vector.shape_cast %div3A_1781 : vector<1x1xf32> to vector<1x1xf32>
    %broadcast_in_dim3A_1861 = vector.broadcast %broadcast_in_dim3A_1860 : vector<1x1xf32> to vector<128x1xf32>
    %select_n3A_1862 = arith.select %and3A_1859, %broadcast_in_dim3A_1861, %select_n3A_1780 : vector<128x1xi1>, vector<128x1xf32>
    %div3A_1863 = arith.divf %exp3A_1281, %add3A_1288 : vector<1x1xf32>
    %eq3A_1864 = vector.broadcast %broadcast_in_dim3A_1265 : vector<1x1xf32> to vector<256x1xf32>
    %eq3A_1865 = arith.cmpf oeq, %convert_element_type3A_325, %eq3A_1864 : vector<256x1xf32>
    %jit3A_1866 = arith.constant 1.000000e+00 : f32
    %jit3A_1867 = arith.constant 0.000000e+00 : f32
    %broadcast_in_dim3A_1868 = vector.broadcast %jit3A_1866 : f32 to vector<256x1xf32>
    %broadcast_in_dim3A_1869 = vector.broadcast %jit3A_1867 : f32 to vector<256x1xf32>
    %select_n3A_1870 = arith.select %eq3A_1865, %broadcast_in_dim3A_1868, %broadcast_in_dim3A_1869 : vector<256x1xi1>, vector<256x1xf32>
    %mul3A_1871 = arith.mulf %select_n3A_1870, %add3A_263 : vector<256x1xf32>
    %reduce_sum3A_1872 = arith.constant dense<0.000000e+00> : vector<1xf32>
    %reduce_sum3A_1873 = vector.multi_reduction <add>, %mul3A_1871, %reduce_sum3A_1872 [0] : vector<256x1xf32> to vector<1xf32>
    %broadcast_in_dim3A_1874 = vector.shape_cast %reduce_sum3A_1873 : vector<1xf32> to vector<1x1xf32>
    %mul3A_1875 = arith.mulf %select_n3A_1870, %select_n3A_296 : vector<256x1xf32>
    %reduce_sum3A_1876 = arith.constant dense<0.000000e+00> : vector<1xf32>
    %reduce_sum3A_1877 = vector.multi_reduction <add>, %mul3A_1875, %reduce_sum3A_1876 [0] : vector<256x1xf32> to vector<1xf32>
    %broadcast_in_dim3A_1878 = vector.shape_cast %reduce_sum3A_1877 : vector<1xf32> to vector<1x1xf32>
    %jit3A_1879 = arith.constant 16 : i32
    %div3A_1880 = vector.broadcast %jit3A_1879 : i32 to vector<128x1xi32>
    %div3A_1881 = arith.divsi %iota3A_329, %div3A_1880 : vector<128x1xi32>
    %sign3A_1882 = arith.constant 0 : i32
    %sign3A_1883 = vector.broadcast %sign3A_1882 : i32 to vector<128x1xi32>
    %sign3A_1884 = arith.cmpi sgt, %iota3A_329, %sign3A_1883 : vector<128x1xi32>
    %sign3A_1885 = arith.extui %sign3A_1884 : vector<128x1xi1> to vector<128x1xi32>
    %sign3A_1886 = arith.constant 0 : i32
    %sign3A_1887 = vector.broadcast %sign3A_1886 : i32 to vector<128x1xi32>
    %sign3A_1888 = arith.cmpi slt, %iota3A_329, %sign3A_1887 : vector<128x1xi32>
    %sign3A_1889 = arith.extui %sign3A_1888 : vector<128x1xi1> to vector<128x1xi32>
    %sign3A_1890 = arith.subi %sign3A_1885, %sign3A_1889 : vector<128x1xi32>
    %sign3A_1891 = arith.constant 0 : i32
    %sign3A_1892 = arith.cmpi sgt, %jit3A_1879, %sign3A_1891 : i32
    %sign3A_1893 = arith.extui %sign3A_1892 : i1 to i32
    %sign3A_1894 = arith.constant 0 : i32
    %sign3A_1895 = arith.cmpi slt, %jit3A_1879, %sign3A_1894 : i32
    %sign3A_1896 = arith.extui %sign3A_1895 : i1 to i32
    %sign3A_1897 = arith.subi %sign3A_1893, %sign3A_1896 : i32
    %ne3A_1898 = vector.broadcast %sign3A_1897 : i32 to vector<128x1xi32>
    %ne3A_1899 = arith.cmpi ne, %sign3A_1890, %ne3A_1898 : vector<128x1xi32>
    %rem3A_1900 = vector.broadcast %jit3A_1879 : i32 to vector<128x1xi32>
    %rem3A_1901 = arith.remsi %iota3A_329, %rem3A_1900 : vector<128x1xi32>
    %ne3A_1902 = arith.constant 0 : i32
    %ne3A_1903 = vector.broadcast %ne3A_1902 : i32 to vector<128x1xi32>
    %ne3A_1904 = arith.cmpi ne, %rem3A_1901, %ne3A_1903 : vector<128x1xi32>
    %and3A_1905 = arith.andi %ne3A_1899, %ne3A_1904 : vector<128x1xi1>
    %sub3A_1906 = arith.constant 1 : i32
    %sub3A_1907 = vector.broadcast %sub3A_1906 : i32 to vector<128x1xi32>
    %sub3A_1908 = arith.subi %div3A_1881, %sub3A_1907 : vector<128x1xi32>
    %select_n3A_1909 = arith.select %and3A_1905, %sub3A_1908, %div3A_1881 : vector<128x1xi1>, vector<128x1xi32>
    %eq3A_1910 = arith.constant 7 : i32
    %eq3A_1911 = vector.broadcast %eq3A_1910 : i32 to vector<128x1xi32>
    %eq3A_1912 = arith.cmpi eq, %select_n3A_1909, %eq3A_1911 : vector<128x1xi32>
    %jit3A_1913 = arith.constant 16 : i32
    %eq3A_1914 = arith.constant 0 : i32
    %eq3A_1915 = arith.cmpi eq, %jit3A_1913, %eq3A_1914 : i32
    %jit3A_1916 = arith.constant 1 : i32
    %select_n3A_1917 = arith.select %eq3A_1915, %jit3A_1916, %jit3A_1913 : i32
    %rem3A_1918 = vector.broadcast %select_n3A_1917 : i32 to vector<128x1xi32>
    %rem3A_1919 = arith.remsi %iota3A_329, %rem3A_1918 : vector<128x1xi32>
    %ne3A_1920 = arith.constant 0 : i32
    %ne3A_1921 = vector.broadcast %ne3A_1920 : i32 to vector<128x1xi32>
    %ne3A_1922 = arith.cmpi ne, %rem3A_1919, %ne3A_1921 : vector<128x1xi32>
    %lt3A_1923 = arith.constant 0 : i32
    %lt3A_1924 = vector.broadcast %lt3A_1923 : i32 to vector<128x1xi32>
    %lt3A_1925 = arith.cmpi slt, %rem3A_1919, %lt3A_1924 : vector<128x1xi32>
    %lt3A_1926 = arith.constant 0 : i32
    %lt3A_1927 = arith.cmpi slt, %select_n3A_1917, %lt3A_1926 : i32
    %ne3A_1928 = vector.broadcast %lt3A_1927 : i1 to vector<128x1xi1>
    %ne3A_1929 = vector.broadcast %ne3A_1928 : vector<128x1xi1> to vector<128x1xi1>
    %ne3A_1930 = arith.xori %lt3A_1925, %ne3A_1929 : vector<128x1xi1>
    %and3A_1931 = arith.andi %ne3A_1930, %ne3A_1922 : vector<128x1xi1>
    %add3A_1932 = vector.broadcast %select_n3A_1917 : i32 to vector<128x1xi32>
    %add3A_1933 = arith.addi %rem3A_1919, %add3A_1932 : vector<128x1xi32>
    %select_n3A_1934 = arith.select %and3A_1931, %add3A_1933, %rem3A_1919 : vector<128x1xi1>, vector<128x1xi32>
    %convert_element_type3A_1935 = arith.sitofp %select_n3A_1934 : vector<128x1xi32> to vector<128x1xf32>
    %add3A_1936 = vector.broadcast %broadcast_in_dim3A_1874 : vector<1x1xf32> to vector<128x1xf32>
    %add3A_1937 = arith.addf %add3A_1936, %convert_element_type3A_1935 : vector<128x1xf32>
    %select_n3A_1938 = arith.select %eq3A_1912, %add3A_1937, %select_n3A_1856 : vector<128x1xi1>, vector<128x1xf32>
    %lt3A_1939 = vector.broadcast %broadcast_in_dim3A_1878 : vector<1x1xf32> to vector<128x1xf32>
    %lt3A_1940 = arith.cmpf olt, %convert_element_type3A_1935, %lt3A_1939 : vector<128x1xf32>
    %and3A_1941 = arith.andi %eq3A_1912, %lt3A_1940 : vector<128x1xi1>
    %broadcast_in_dim3A_1942 = vector.shape_cast %div3A_1863 : vector<1x1xf32> to vector<1x1xf32>
    %broadcast_in_dim3A_1943 = vector.broadcast %broadcast_in_dim3A_1942 : vector<1x1xf32> to vector<128x1xf32>
    %select_n3A_1944 = arith.select %and3A_1941, %broadcast_in_dim3A_1943, %select_n3A_1862 : vector<128x1xi1>, vector<128x1xf32>
    %iota3A_1945 = tpu.iota {dimensions = array<i32: 0>} : vector<64x1xi32>
    %broadcast_in_dim3A_1946 = arith.constant 0.000000e+00 : f32
    %broadcast_in_dim3A_1947 = vector.broadcast %broadcast_in_dim3A_1946 : f32 to vector<64x1xf32>
    %broadcast_in_dim3A_1948 = arith.constant 0.000000e+00 : f32
    %broadcast_in_dim3A_1949 = vector.broadcast %broadcast_in_dim3A_1948 : f32 to vector<64x1xf32>
    %sub3A_1950 = arith.constant 1.000000e+00 : f32
    %sub3A_1951 = vector.broadcast %sub3A_1950 : f32 to vector<1x1xf32>
    %sub3A_1952 = arith.subf %min3A_328, %sub3A_1951 : vector<1x1xf32>
    %sub3A_1953 = arith.constant 0.000000e+00 : f32
    %sub3A_1954 = vector.broadcast %sub3A_1953 : f32 to vector<1x1xf32>
    %sub3A_1955 = arith.subf %sub3A_1952, %sub3A_1954 : vector<1x1xf32>
    %max3A_1956 = arith.constant 0.000000e+00 : f32
    %max3A_1957 = vector.broadcast %max3A_1956 : f32 to vector<1x1xf32>
    %max3A_1958 = arith.maximumf %sub3A_1955, %max3A_1957 : vector<1x1xf32>
    %eq3A_1959 = vector.broadcast %max3A_1958 : vector<1x1xf32> to vector<256x1xf32>
    %eq3A_1960 = arith.cmpf oeq, %convert_element_type3A_325, %eq3A_1959 : vector<256x1xf32>
    %jit3A_1961 = arith.constant 1.000000e+00 : f32
    %jit3A_1962 = arith.constant 0.000000e+00 : f32
    %broadcast_in_dim3A_1963 = vector.broadcast %jit3A_1961 : f32 to vector<256x1xf32>
    %broadcast_in_dim3A_1964 = vector.broadcast %jit3A_1962 : f32 to vector<256x1xf32>
    %select_n3A_1965 = arith.select %eq3A_1960, %broadcast_in_dim3A_1963, %broadcast_in_dim3A_1964 : vector<256x1xi1>, vector<256x1xf32>
    %mul3A_1966 = arith.mulf %select_n3A_1965, %add3A_263 : vector<256x1xf32>
    %reduce_sum3A_1967 = arith.constant dense<0.000000e+00> : vector<1xf32>
    %reduce_sum3A_1968 = vector.multi_reduction <add>, %mul3A_1966, %reduce_sum3A_1967 [0] : vector<256x1xf32> to vector<1xf32>
    %broadcast_in_dim3A_1969 = vector.shape_cast %reduce_sum3A_1968 : vector<1xf32> to vector<1x1xf32>
    %mul3A_1970 = arith.mulf %select_n3A_1965, %select_n3A_296 : vector<256x1xf32>
    %reduce_sum3A_1971 = arith.constant dense<0.000000e+00> : vector<1xf32>
    %reduce_sum3A_1972 = vector.multi_reduction <add>, %mul3A_1970, %reduce_sum3A_1971 [0] : vector<256x1xf32> to vector<1xf32>
    %broadcast_in_dim3A_1973 = vector.shape_cast %reduce_sum3A_1972 : vector<1xf32> to vector<1x1xf32>
    %jit3A_1974 = arith.constant 16 : i32
    %div3A_1975 = vector.broadcast %jit3A_1974 : i32 to vector<64x1xi32>
    %div3A_1976 = arith.divsi %iota3A_1945, %div3A_1975 : vector<64x1xi32>
    %sign3A_1977 = arith.constant 0 : i32
    %sign3A_1978 = vector.broadcast %sign3A_1977 : i32 to vector<64x1xi32>
    %sign3A_1979 = arith.cmpi sgt, %iota3A_1945, %sign3A_1978 : vector<64x1xi32>
    %sign3A_1980 = arith.extui %sign3A_1979 : vector<64x1xi1> to vector<64x1xi32>
    %sign3A_1981 = arith.constant 0 : i32
    %sign3A_1982 = vector.broadcast %sign3A_1981 : i32 to vector<64x1xi32>
    %sign3A_1983 = arith.cmpi slt, %iota3A_1945, %sign3A_1982 : vector<64x1xi32>
    %sign3A_1984 = arith.extui %sign3A_1983 : vector<64x1xi1> to vector<64x1xi32>
    %sign3A_1985 = arith.subi %sign3A_1980, %sign3A_1984 : vector<64x1xi32>
    %sign3A_1986 = arith.constant 0 : i32
    %sign3A_1987 = arith.cmpi sgt, %jit3A_1974, %sign3A_1986 : i32
    %sign3A_1988 = arith.extui %sign3A_1987 : i1 to i32
    %sign3A_1989 = arith.constant 0 : i32
    %sign3A_1990 = arith.cmpi slt, %jit3A_1974, %sign3A_1989 : i32
    %sign3A_1991 = arith.extui %sign3A_1990 : i1 to i32
    %sign3A_1992 = arith.subi %sign3A_1988, %sign3A_1991 : i32
    %ne3A_1993 = vector.broadcast %sign3A_1992 : i32 to vector<64x1xi32>
    %ne3A_1994 = arith.cmpi ne, %sign3A_1985, %ne3A_1993 : vector<64x1xi32>
    %rem3A_1995 = vector.broadcast %jit3A_1974 : i32 to vector<64x1xi32>
    %rem3A_1996 = arith.remsi %iota3A_1945, %rem3A_1995 : vector<64x1xi32>
    %ne3A_1997 = arith.constant 0 : i32
    %ne3A_1998 = vector.broadcast %ne3A_1997 : i32 to vector<64x1xi32>
    %ne3A_1999 = arith.cmpi ne, %rem3A_1996, %ne3A_1998 : vector<64x1xi32>
    %and3A_2000 = arith.andi %ne3A_1994, %ne3A_1999 : vector<64x1xi1>
    %sub3A_2001 = arith.constant 1 : i32
    %sub3A_2002 = vector.broadcast %sub3A_2001 : i32 to vector<64x1xi32>
    %sub3A_2003 = arith.subi %div3A_1976, %sub3A_2002 : vector<64x1xi32>
    %select_n3A_2004 = arith.select %and3A_2000, %sub3A_2003, %div3A_1976 : vector<64x1xi1>, vector<64x1xi32>
    %eq3A_2005 = arith.constant 0 : i32
    %eq3A_2006 = vector.broadcast %eq3A_2005 : i32 to vector<64x1xi32>
    %eq3A_2007 = arith.cmpi eq, %select_n3A_2004, %eq3A_2006 : vector<64x1xi32>
    %jit3A_2008 = arith.constant 16 : i32
    %eq3A_2009 = arith.constant 0 : i32
    %eq3A_2010 = arith.cmpi eq, %jit3A_2008, %eq3A_2009 : i32
    %jit3A_2011 = arith.constant 1 : i32
    %select_n3A_2012 = arith.select %eq3A_2010, %jit3A_2011, %jit3A_2008 : i32
    %rem3A_2013 = vector.broadcast %select_n3A_2012 : i32 to vector<64x1xi32>
    %rem3A_2014 = arith.remsi %iota3A_1945, %rem3A_2013 : vector<64x1xi32>
    %ne3A_2015 = arith.constant 0 : i32
    %ne3A_2016 = vector.broadcast %ne3A_2015 : i32 to vector<64x1xi32>
    %ne3A_2017 = arith.cmpi ne, %rem3A_2014, %ne3A_2016 : vector<64x1xi32>
    %lt3A_2018 = arith.constant 0 : i32
    %lt3A_2019 = vector.broadcast %lt3A_2018 : i32 to vector<64x1xi32>
    %lt3A_2020 = arith.cmpi slt, %rem3A_2014, %lt3A_2019 : vector<64x1xi32>
    %lt3A_2021 = arith.constant 0 : i32
    %lt3A_2022 = arith.cmpi slt, %select_n3A_2012, %lt3A_2021 : i32
    %ne3A_2023 = vector.broadcast %lt3A_2022 : i1 to vector<64x1xi1>
    %ne3A_2024 = vector.broadcast %ne3A_2023 : vector<64x1xi1> to vector<64x1xi1>
    %ne3A_2025 = arith.xori %lt3A_2020, %ne3A_2024 : vector<64x1xi1>
    %and3A_2026 = arith.andi %ne3A_2025, %ne3A_2017 : vector<64x1xi1>
    %add3A_2027 = vector.broadcast %select_n3A_2012 : i32 to vector<64x1xi32>
    %add3A_2028 = arith.addi %rem3A_2014, %add3A_2027 : vector<64x1xi32>
    %select_n3A_2029 = arith.select %and3A_2026, %add3A_2028, %rem3A_2014 : vector<64x1xi1>, vector<64x1xi32>
    %convert_element_type3A_2030 = arith.sitofp %select_n3A_2029 : vector<64x1xi32> to vector<64x1xf32>
    %add3A_2031 = vector.broadcast %broadcast_in_dim3A_1969 : vector<1x1xf32> to vector<64x1xf32>
    %add3A_2032 = arith.addf %add3A_2031, %convert_element_type3A_2030 : vector<64x1xf32>
    %select_n3A_2033 = arith.select %eq3A_2007, %add3A_2032, %broadcast_in_dim3A_1947 : vector<64x1xi1>, vector<64x1xf32>
    %lt3A_2034 = vector.broadcast %broadcast_in_dim3A_1973 : vector<1x1xf32> to vector<64x1xf32>
    %lt3A_2035 = arith.cmpf olt, %convert_element_type3A_2030, %lt3A_2034 : vector<64x1xf32>
    %and3A_2036 = arith.andi %eq3A_2007, %lt3A_2035 : vector<64x1xi1>
    %jit3A_2037 = arith.constant 1.000000e+00 : f32
    %broadcast_in_dim3A_2038 = vector.broadcast %jit3A_2037 : f32 to vector<64x1xf32>
    %select_n3A_2039 = arith.select %and3A_2036, %broadcast_in_dim3A_2038, %broadcast_in_dim3A_1949 : vector<64x1xi1>, vector<64x1xf32>
    %sub3A_2040 = arith.constant 1.000000e+00 : f32
    %sub3A_2041 = vector.broadcast %sub3A_2040 : f32 to vector<1x1xf32>
    %sub3A_2042 = arith.subf %min3A_328, %sub3A_2041 : vector<1x1xf32>
    %sub3A_2043 = arith.constant 1.000000e+00 : f32
    %sub3A_2044 = vector.broadcast %sub3A_2043 : f32 to vector<1x1xf32>
    %sub3A_2045 = arith.subf %sub3A_2042, %sub3A_2044 : vector<1x1xf32>
    %max3A_2046 = arith.constant 0.000000e+00 : f32
    %max3A_2047 = vector.broadcast %max3A_2046 : f32 to vector<1x1xf32>
    %max3A_2048 = arith.maximumf %sub3A_2045, %max3A_2047 : vector<1x1xf32>
    %eq3A_2049 = vector.broadcast %max3A_2048 : vector<1x1xf32> to vector<256x1xf32>
    %eq3A_2050 = arith.cmpf oeq, %convert_element_type3A_325, %eq3A_2049 : vector<256x1xf32>
    %jit3A_2051 = arith.constant 1.000000e+00 : f32
    %jit3A_2052 = arith.constant 0.000000e+00 : f32
    %broadcast_in_dim3A_2053 = vector.broadcast %jit3A_2051 : f32 to vector<256x1xf32>
    %broadcast_in_dim3A_2054 = vector.broadcast %jit3A_2052 : f32 to vector<256x1xf32>
    %select_n3A_2055 = arith.select %eq3A_2050, %broadcast_in_dim3A_2053, %broadcast_in_dim3A_2054 : vector<256x1xi1>, vector<256x1xf32>
    %mul3A_2056 = arith.mulf %select_n3A_2055, %add3A_263 : vector<256x1xf32>
    %reduce_sum3A_2057 = arith.constant dense<0.000000e+00> : vector<1xf32>
    %reduce_sum3A_2058 = vector.multi_reduction <add>, %mul3A_2056, %reduce_sum3A_2057 [0] : vector<256x1xf32> to vector<1xf32>
    %broadcast_in_dim3A_2059 = vector.shape_cast %reduce_sum3A_2058 : vector<1xf32> to vector<1x1xf32>
    %mul3A_2060 = arith.mulf %select_n3A_2055, %select_n3A_296 : vector<256x1xf32>
    %reduce_sum3A_2061 = arith.constant dense<0.000000e+00> : vector<1xf32>
    %reduce_sum3A_2062 = vector.multi_reduction <add>, %mul3A_2060, %reduce_sum3A_2061 [0] : vector<256x1xf32> to vector<1xf32>
    %broadcast_in_dim3A_2063 = vector.shape_cast %reduce_sum3A_2062 : vector<1xf32> to vector<1x1xf32>
    %jit3A_2064 = arith.constant 16 : i32
    %div3A_2065 = vector.broadcast %jit3A_2064 : i32 to vector<64x1xi32>
    %div3A_2066 = arith.divsi %iota3A_1945, %div3A_2065 : vector<64x1xi32>
    %sign3A_2067 = arith.constant 0 : i32
    %sign3A_2068 = vector.broadcast %sign3A_2067 : i32 to vector<64x1xi32>
    %sign3A_2069 = arith.cmpi sgt, %iota3A_1945, %sign3A_2068 : vector<64x1xi32>
    %sign3A_2070 = arith.extui %sign3A_2069 : vector<64x1xi1> to vector<64x1xi32>
    %sign3A_2071 = arith.constant 0 : i32
    %sign3A_2072 = vector.broadcast %sign3A_2071 : i32 to vector<64x1xi32>
    %sign3A_2073 = arith.cmpi slt, %iota3A_1945, %sign3A_2072 : vector<64x1xi32>
    %sign3A_2074 = arith.extui %sign3A_2073 : vector<64x1xi1> to vector<64x1xi32>
    %sign3A_2075 = arith.subi %sign3A_2070, %sign3A_2074 : vector<64x1xi32>
    %sign3A_2076 = arith.constant 0 : i32
    %sign3A_2077 = arith.cmpi sgt, %jit3A_2064, %sign3A_2076 : i32
    %sign3A_2078 = arith.extui %sign3A_2077 : i1 to i32
    %sign3A_2079 = arith.constant 0 : i32
    %sign3A_2080 = arith.cmpi slt, %jit3A_2064, %sign3A_2079 : i32
    %sign3A_2081 = arith.extui %sign3A_2080 : i1 to i32
    %sign3A_2082 = arith.subi %sign3A_2078, %sign3A_2081 : i32
    %ne3A_2083 = vector.broadcast %sign3A_2082 : i32 to vector<64x1xi32>
    %ne3A_2084 = arith.cmpi ne, %sign3A_2075, %ne3A_2083 : vector<64x1xi32>
    %rem3A_2085 = vector.broadcast %jit3A_2064 : i32 to vector<64x1xi32>
    %rem3A_2086 = arith.remsi %iota3A_1945, %rem3A_2085 : vector<64x1xi32>
    %ne3A_2087 = arith.constant 0 : i32
    %ne3A_2088 = vector.broadcast %ne3A_2087 : i32 to vector<64x1xi32>
    %ne3A_2089 = arith.cmpi ne, %rem3A_2086, %ne3A_2088 : vector<64x1xi32>
    %and3A_2090 = arith.andi %ne3A_2084, %ne3A_2089 : vector<64x1xi1>
    %sub3A_2091 = arith.constant 1 : i32
    %sub3A_2092 = vector.broadcast %sub3A_2091 : i32 to vector<64x1xi32>
    %sub3A_2093 = arith.subi %div3A_2066, %sub3A_2092 : vector<64x1xi32>
    %select_n3A_2094 = arith.select %and3A_2090, %sub3A_2093, %div3A_2066 : vector<64x1xi1>, vector<64x1xi32>
    %eq3A_2095 = arith.constant 1 : i32
    %eq3A_2096 = vector.broadcast %eq3A_2095 : i32 to vector<64x1xi32>
    %eq3A_2097 = arith.cmpi eq, %select_n3A_2094, %eq3A_2096 : vector<64x1xi32>
    %jit3A_2098 = arith.constant 16 : i32
    %eq3A_2099 = arith.constant 0 : i32
    %eq3A_2100 = arith.cmpi eq, %jit3A_2098, %eq3A_2099 : i32
    %jit3A_2101 = arith.constant 1 : i32
    %select_n3A_2102 = arith.select %eq3A_2100, %jit3A_2101, %jit3A_2098 : i32
    %rem3A_2103 = vector.broadcast %select_n3A_2102 : i32 to vector<64x1xi32>
    %rem3A_2104 = arith.remsi %iota3A_1945, %rem3A_2103 : vector<64x1xi32>
    %ne3A_2105 = arith.constant 0 : i32
    %ne3A_2106 = vector.broadcast %ne3A_2105 : i32 to vector<64x1xi32>
    %ne3A_2107 = arith.cmpi ne, %rem3A_2104, %ne3A_2106 : vector<64x1xi32>
    %lt3A_2108 = arith.constant 0 : i32
    %lt3A_2109 = vector.broadcast %lt3A_2108 : i32 to vector<64x1xi32>
    %lt3A_2110 = arith.cmpi slt, %rem3A_2104, %lt3A_2109 : vector<64x1xi32>
    %lt3A_2111 = arith.constant 0 : i32
    %lt3A_2112 = arith.cmpi slt, %select_n3A_2102, %lt3A_2111 : i32
    %ne3A_2113 = vector.broadcast %lt3A_2112 : i1 to vector<64x1xi1>
    %ne3A_2114 = vector.broadcast %ne3A_2113 : vector<64x1xi1> to vector<64x1xi1>
    %ne3A_2115 = arith.xori %lt3A_2110, %ne3A_2114 : vector<64x1xi1>
    %and3A_2116 = arith.andi %ne3A_2115, %ne3A_2107 : vector<64x1xi1>
    %add3A_2117 = vector.broadcast %select_n3A_2102 : i32 to vector<64x1xi32>
    %add3A_2118 = arith.addi %rem3A_2104, %add3A_2117 : vector<64x1xi32>
    %select_n3A_2119 = arith.select %and3A_2116, %add3A_2118, %rem3A_2104 : vector<64x1xi1>, vector<64x1xi32>
    %convert_element_type3A_2120 = arith.sitofp %select_n3A_2119 : vector<64x1xi32> to vector<64x1xf32>
    %add3A_2121 = vector.broadcast %broadcast_in_dim3A_2059 : vector<1x1xf32> to vector<64x1xf32>
    %add3A_2122 = arith.addf %add3A_2121, %convert_element_type3A_2120 : vector<64x1xf32>
    %select_n3A_2123 = arith.select %eq3A_2097, %add3A_2122, %select_n3A_2033 : vector<64x1xi1>, vector<64x1xf32>
    %lt3A_2124 = vector.broadcast %broadcast_in_dim3A_2063 : vector<1x1xf32> to vector<64x1xf32>
    %lt3A_2125 = arith.cmpf olt, %convert_element_type3A_2120, %lt3A_2124 : vector<64x1xf32>
    %and3A_2126 = arith.andi %eq3A_2097, %lt3A_2125 : vector<64x1xi1>
    %jit3A_2127 = arith.constant 1.000000e+00 : f32
    %broadcast_in_dim3A_2128 = vector.broadcast %jit3A_2127 : f32 to vector<64x1xf32>
    %select_n3A_2129 = arith.select %and3A_2126, %broadcast_in_dim3A_2128, %select_n3A_2039 : vector<64x1xi1>, vector<64x1xf32>
    %sub3A_2130 = arith.constant 1.000000e+00 : f32
    %sub3A_2131 = vector.broadcast %sub3A_2130 : f32 to vector<1x1xf32>
    %sub3A_2132 = arith.subf %min3A_328, %sub3A_2131 : vector<1x1xf32>
    %sub3A_2133 = arith.constant 2.000000e+00 : f32
    %sub3A_2134 = vector.broadcast %sub3A_2133 : f32 to vector<1x1xf32>
    %sub3A_2135 = arith.subf %sub3A_2132, %sub3A_2134 : vector<1x1xf32>
    %max3A_2136 = arith.constant 0.000000e+00 : f32
    %max3A_2137 = vector.broadcast %max3A_2136 : f32 to vector<1x1xf32>
    %max3A_2138 = arith.maximumf %sub3A_2135, %max3A_2137 : vector<1x1xf32>
    %eq3A_2139 = vector.broadcast %max3A_2138 : vector<1x1xf32> to vector<256x1xf32>
    %eq3A_2140 = arith.cmpf oeq, %convert_element_type3A_325, %eq3A_2139 : vector<256x1xf32>
    %jit3A_2141 = arith.constant 1.000000e+00 : f32
    %jit3A_2142 = arith.constant 0.000000e+00 : f32
    %broadcast_in_dim3A_2143 = vector.broadcast %jit3A_2141 : f32 to vector<256x1xf32>
    %broadcast_in_dim3A_2144 = vector.broadcast %jit3A_2142 : f32 to vector<256x1xf32>
    %select_n3A_2145 = arith.select %eq3A_2140, %broadcast_in_dim3A_2143, %broadcast_in_dim3A_2144 : vector<256x1xi1>, vector<256x1xf32>
    %mul3A_2146 = arith.mulf %select_n3A_2145, %add3A_263 : vector<256x1xf32>
    %reduce_sum3A_2147 = arith.constant dense<0.000000e+00> : vector<1xf32>
    %reduce_sum3A_2148 = vector.multi_reduction <add>, %mul3A_2146, %reduce_sum3A_2147 [0] : vector<256x1xf32> to vector<1xf32>
    %broadcast_in_dim3A_2149 = vector.shape_cast %reduce_sum3A_2148 : vector<1xf32> to vector<1x1xf32>
    %mul3A_2150 = arith.mulf %select_n3A_2145, %select_n3A_296 : vector<256x1xf32>
    %reduce_sum3A_2151 = arith.constant dense<0.000000e+00> : vector<1xf32>
    %reduce_sum3A_2152 = vector.multi_reduction <add>, %mul3A_2150, %reduce_sum3A_2151 [0] : vector<256x1xf32> to vector<1xf32>
    %broadcast_in_dim3A_2153 = vector.shape_cast %reduce_sum3A_2152 : vector<1xf32> to vector<1x1xf32>
    %jit3A_2154 = arith.constant 16 : i32
    %div3A_2155 = vector.broadcast %jit3A_2154 : i32 to vector<64x1xi32>
    %div3A_2156 = arith.divsi %iota3A_1945, %div3A_2155 : vector<64x1xi32>
    %sign3A_2157 = arith.constant 0 : i32
    %sign3A_2158 = vector.broadcast %sign3A_2157 : i32 to vector<64x1xi32>
    %sign3A_2159 = arith.cmpi sgt, %iota3A_1945, %sign3A_2158 : vector<64x1xi32>
    %sign3A_2160 = arith.extui %sign3A_2159 : vector<64x1xi1> to vector<64x1xi32>
    %sign3A_2161 = arith.constant 0 : i32
    %sign3A_2162 = vector.broadcast %sign3A_2161 : i32 to vector<64x1xi32>
    %sign3A_2163 = arith.cmpi slt, %iota3A_1945, %sign3A_2162 : vector<64x1xi32>
    %sign3A_2164 = arith.extui %sign3A_2163 : vector<64x1xi1> to vector<64x1xi32>
    %sign3A_2165 = arith.subi %sign3A_2160, %sign3A_2164 : vector<64x1xi32>
    %sign3A_2166 = arith.constant 0 : i32
    %sign3A_2167 = arith.cmpi sgt, %jit3A_2154, %sign3A_2166 : i32
    %sign3A_2168 = arith.extui %sign3A_2167 : i1 to i32
    %sign3A_2169 = arith.constant 0 : i32
    %sign3A_2170 = arith.cmpi slt, %jit3A_2154, %sign3A_2169 : i32
    %sign3A_2171 = arith.extui %sign3A_2170 : i1 to i32
    %sign3A_2172 = arith.subi %sign3A_2168, %sign3A_2171 : i32
    %ne3A_2173 = vector.broadcast %sign3A_2172 : i32 to vector<64x1xi32>
    %ne3A_2174 = arith.cmpi ne, %sign3A_2165, %ne3A_2173 : vector<64x1xi32>
    %rem3A_2175 = vector.broadcast %jit3A_2154 : i32 to vector<64x1xi32>
    %rem3A_2176 = arith.remsi %iota3A_1945, %rem3A_2175 : vector<64x1xi32>
    %ne3A_2177 = arith.constant 0 : i32
    %ne3A_2178 = vector.broadcast %ne3A_2177 : i32 to vector<64x1xi32>
    %ne3A_2179 = arith.cmpi ne, %rem3A_2176, %ne3A_2178 : vector<64x1xi32>
    %and3A_2180 = arith.andi %ne3A_2174, %ne3A_2179 : vector<64x1xi1>
    %sub3A_2181 = arith.constant 1 : i32
    %sub3A_2182 = vector.broadcast %sub3A_2181 : i32 to vector<64x1xi32>
    %sub3A_2183 = arith.subi %div3A_2156, %sub3A_2182 : vector<64x1xi32>
    %select_n3A_2184 = arith.select %and3A_2180, %sub3A_2183, %div3A_2156 : vector<64x1xi1>, vector<64x1xi32>
    %eq3A_2185 = arith.constant 2 : i32
    %eq3A_2186 = vector.broadcast %eq3A_2185 : i32 to vector<64x1xi32>
    %eq3A_2187 = arith.cmpi eq, %select_n3A_2184, %eq3A_2186 : vector<64x1xi32>
    %jit3A_2188 = arith.constant 16 : i32
    %eq3A_2189 = arith.constant 0 : i32
    %eq3A_2190 = arith.cmpi eq, %jit3A_2188, %eq3A_2189 : i32
    %jit3A_2191 = arith.constant 1 : i32
    %select_n3A_2192 = arith.select %eq3A_2190, %jit3A_2191, %jit3A_2188 : i32
    %rem3A_2193 = vector.broadcast %select_n3A_2192 : i32 to vector<64x1xi32>
    %rem3A_2194 = arith.remsi %iota3A_1945, %rem3A_2193 : vector<64x1xi32>
    %ne3A_2195 = arith.constant 0 : i32
    %ne3A_2196 = vector.broadcast %ne3A_2195 : i32 to vector<64x1xi32>
    %ne3A_2197 = arith.cmpi ne, %rem3A_2194, %ne3A_2196 : vector<64x1xi32>
    %lt3A_2198 = arith.constant 0 : i32
    %lt3A_2199 = vector.broadcast %lt3A_2198 : i32 to vector<64x1xi32>
    %lt3A_2200 = arith.cmpi slt, %rem3A_2194, %lt3A_2199 : vector<64x1xi32>
    %lt3A_2201 = arith.constant 0 : i32
    %lt3A_2202 = arith.cmpi slt, %select_n3A_2192, %lt3A_2201 : i32
    %ne3A_2203 = vector.broadcast %lt3A_2202 : i1 to vector<64x1xi1>
    %ne3A_2204 = vector.broadcast %ne3A_2203 : vector<64x1xi1> to vector<64x1xi1>
    %ne3A_2205 = arith.xori %lt3A_2200, %ne3A_2204 : vector<64x1xi1>
    %and3A_2206 = arith.andi %ne3A_2205, %ne3A_2197 : vector<64x1xi1>
    %add3A_2207 = vector.broadcast %select_n3A_2192 : i32 to vector<64x1xi32>
    %add3A_2208 = arith.addi %rem3A_2194, %add3A_2207 : vector<64x1xi32>
    %select_n3A_2209 = arith.select %and3A_2206, %add3A_2208, %rem3A_2194 : vector<64x1xi1>, vector<64x1xi32>
    %convert_element_type3A_2210 = arith.sitofp %select_n3A_2209 : vector<64x1xi32> to vector<64x1xf32>
    %add3A_2211 = vector.broadcast %broadcast_in_dim3A_2149 : vector<1x1xf32> to vector<64x1xf32>
    %add3A_2212 = arith.addf %add3A_2211, %convert_element_type3A_2210 : vector<64x1xf32>
    %select_n3A_2213 = arith.select %eq3A_2187, %add3A_2212, %select_n3A_2123 : vector<64x1xi1>, vector<64x1xf32>
    %lt3A_2214 = vector.broadcast %broadcast_in_dim3A_2153 : vector<1x1xf32> to vector<64x1xf32>
    %lt3A_2215 = arith.cmpf olt, %convert_element_type3A_2210, %lt3A_2214 : vector<64x1xf32>
    %and3A_2216 = arith.andi %eq3A_2187, %lt3A_2215 : vector<64x1xi1>
    %jit3A_2217 = arith.constant 1.000000e+00 : f32
    %broadcast_in_dim3A_2218 = vector.broadcast %jit3A_2217 : f32 to vector<64x1xf32>
    %select_n3A_2219 = arith.select %and3A_2216, %broadcast_in_dim3A_2218, %select_n3A_2129 : vector<64x1xi1>, vector<64x1xf32>
    %sub3A_2220 = arith.constant 1.000000e+00 : f32
    %sub3A_2221 = vector.broadcast %sub3A_2220 : f32 to vector<1x1xf32>
    %sub3A_2222 = arith.subf %min3A_328, %sub3A_2221 : vector<1x1xf32>
    %sub3A_2223 = arith.constant 3.000000e+00 : f32
    %sub3A_2224 = vector.broadcast %sub3A_2223 : f32 to vector<1x1xf32>
    %sub3A_2225 = arith.subf %sub3A_2222, %sub3A_2224 : vector<1x1xf32>
    %max3A_2226 = arith.constant 0.000000e+00 : f32
    %max3A_2227 = vector.broadcast %max3A_2226 : f32 to vector<1x1xf32>
    %max3A_2228 = arith.maximumf %sub3A_2225, %max3A_2227 : vector<1x1xf32>
    %eq3A_2229 = vector.broadcast %max3A_2228 : vector<1x1xf32> to vector<256x1xf32>
    %eq3A_2230 = arith.cmpf oeq, %convert_element_type3A_325, %eq3A_2229 : vector<256x1xf32>
    %jit3A_2231 = arith.constant 1.000000e+00 : f32
    %jit3A_2232 = arith.constant 0.000000e+00 : f32
    %broadcast_in_dim3A_2233 = vector.broadcast %jit3A_2231 : f32 to vector<256x1xf32>
    %broadcast_in_dim3A_2234 = vector.broadcast %jit3A_2232 : f32 to vector<256x1xf32>
    %select_n3A_2235 = arith.select %eq3A_2230, %broadcast_in_dim3A_2233, %broadcast_in_dim3A_2234 : vector<256x1xi1>, vector<256x1xf32>
    %mul3A_2236 = arith.mulf %select_n3A_2235, %add3A_263 : vector<256x1xf32>
    %reduce_sum3A_2237 = arith.constant dense<0.000000e+00> : vector<1xf32>
    %reduce_sum3A_2238 = vector.multi_reduction <add>, %mul3A_2236, %reduce_sum3A_2237 [0] : vector<256x1xf32> to vector<1xf32>
    %broadcast_in_dim3A_2239 = vector.shape_cast %reduce_sum3A_2238 : vector<1xf32> to vector<1x1xf32>
    %mul3A_2240 = arith.mulf %select_n3A_2235, %select_n3A_296 : vector<256x1xf32>
    %reduce_sum3A_2241 = arith.constant dense<0.000000e+00> : vector<1xf32>
    %reduce_sum3A_2242 = vector.multi_reduction <add>, %mul3A_2240, %reduce_sum3A_2241 [0] : vector<256x1xf32> to vector<1xf32>
    %broadcast_in_dim3A_2243 = vector.shape_cast %reduce_sum3A_2242 : vector<1xf32> to vector<1x1xf32>
    %jit3A_2244 = arith.constant 16 : i32
    %div3A_2245 = vector.broadcast %jit3A_2244 : i32 to vector<64x1xi32>
    %div3A_2246 = arith.divsi %iota3A_1945, %div3A_2245 : vector<64x1xi32>
    %sign3A_2247 = arith.constant 0 : i32
    %sign3A_2248 = vector.broadcast %sign3A_2247 : i32 to vector<64x1xi32>
    %sign3A_2249 = arith.cmpi sgt, %iota3A_1945, %sign3A_2248 : vector<64x1xi32>
    %sign3A_2250 = arith.extui %sign3A_2249 : vector<64x1xi1> to vector<64x1xi32>
    %sign3A_2251 = arith.constant 0 : i32
    %sign3A_2252 = vector.broadcast %sign3A_2251 : i32 to vector<64x1xi32>
    %sign3A_2253 = arith.cmpi slt, %iota3A_1945, %sign3A_2252 : vector<64x1xi32>
    %sign3A_2254 = arith.extui %sign3A_2253 : vector<64x1xi1> to vector<64x1xi32>
    %sign3A_2255 = arith.subi %sign3A_2250, %sign3A_2254 : vector<64x1xi32>
    %sign3A_2256 = arith.constant 0 : i32
    %sign3A_2257 = arith.cmpi sgt, %jit3A_2244, %sign3A_2256 : i32
    %sign3A_2258 = arith.extui %sign3A_2257 : i1 to i32
    %sign3A_2259 = arith.constant 0 : i32
    %sign3A_2260 = arith.cmpi slt, %jit3A_2244, %sign3A_2259 : i32
    %sign3A_2261 = arith.extui %sign3A_2260 : i1 to i32
    %sign3A_2262 = arith.subi %sign3A_2258, %sign3A_2261 : i32
    %ne3A_2263 = vector.broadcast %sign3A_2262 : i32 to vector<64x1xi32>
    %ne3A_2264 = arith.cmpi ne, %sign3A_2255, %ne3A_2263 : vector<64x1xi32>
    %rem3A_2265 = vector.broadcast %jit3A_2244 : i32 to vector<64x1xi32>
    %rem3A_2266 = arith.remsi %iota3A_1945, %rem3A_2265 : vector<64x1xi32>
    %ne3A_2267 = arith.constant 0 : i32
    %ne3A_2268 = vector.broadcast %ne3A_2267 : i32 to vector<64x1xi32>
    %ne3A_2269 = arith.cmpi ne, %rem3A_2266, %ne3A_2268 : vector<64x1xi32>
    %and3A_2270 = arith.andi %ne3A_2264, %ne3A_2269 : vector<64x1xi1>
    %sub3A_2271 = arith.constant 1 : i32
    %sub3A_2272 = vector.broadcast %sub3A_2271 : i32 to vector<64x1xi32>
    %sub3A_2273 = arith.subi %div3A_2246, %sub3A_2272 : vector<64x1xi32>
    %select_n3A_2274 = arith.select %and3A_2270, %sub3A_2273, %div3A_2246 : vector<64x1xi1>, vector<64x1xi32>
    %eq3A_2275 = arith.constant 3 : i32
    %eq3A_2276 = vector.broadcast %eq3A_2275 : i32 to vector<64x1xi32>
    %eq3A_2277 = arith.cmpi eq, %select_n3A_2274, %eq3A_2276 : vector<64x1xi32>
    %jit3A_2278 = arith.constant 16 : i32
    %eq3A_2279 = arith.constant 0 : i32
    %eq3A_2280 = arith.cmpi eq, %jit3A_2278, %eq3A_2279 : i32
    %jit3A_2281 = arith.constant 1 : i32
    %select_n3A_2282 = arith.select %eq3A_2280, %jit3A_2281, %jit3A_2278 : i32
    %rem3A_2283 = vector.broadcast %select_n3A_2282 : i32 to vector<64x1xi32>
    %rem3A_2284 = arith.remsi %iota3A_1945, %rem3A_2283 : vector<64x1xi32>
    %ne3A_2285 = arith.constant 0 : i32
    %ne3A_2286 = vector.broadcast %ne3A_2285 : i32 to vector<64x1xi32>
    %ne3A_2287 = arith.cmpi ne, %rem3A_2284, %ne3A_2286 : vector<64x1xi32>
    %lt3A_2288 = arith.constant 0 : i32
    %lt3A_2289 = vector.broadcast %lt3A_2288 : i32 to vector<64x1xi32>
    %lt3A_2290 = arith.cmpi slt, %rem3A_2284, %lt3A_2289 : vector<64x1xi32>
    %lt3A_2291 = arith.constant 0 : i32
    %lt3A_2292 = arith.cmpi slt, %select_n3A_2282, %lt3A_2291 : i32
    %ne3A_2293 = vector.broadcast %lt3A_2292 : i1 to vector<64x1xi1>
    %ne3A_2294 = vector.broadcast %ne3A_2293 : vector<64x1xi1> to vector<64x1xi1>
    %ne3A_2295 = arith.xori %lt3A_2290, %ne3A_2294 : vector<64x1xi1>
    %and3A_2296 = arith.andi %ne3A_2295, %ne3A_2287 : vector<64x1xi1>
    %add3A_2297 = vector.broadcast %select_n3A_2282 : i32 to vector<64x1xi32>
    %add3A_2298 = arith.addi %rem3A_2284, %add3A_2297 : vector<64x1xi32>
    %select_n3A_2299 = arith.select %and3A_2296, %add3A_2298, %rem3A_2284 : vector<64x1xi1>, vector<64x1xi32>
    %convert_element_type3A_2300 = arith.sitofp %select_n3A_2299 : vector<64x1xi32> to vector<64x1xf32>
    %add3A_2301 = vector.broadcast %broadcast_in_dim3A_2239 : vector<1x1xf32> to vector<64x1xf32>
    %add3A_2302 = arith.addf %add3A_2301, %convert_element_type3A_2300 : vector<64x1xf32>
    %select_n3A_2303 = arith.select %eq3A_2277, %add3A_2302, %select_n3A_2213 : vector<64x1xi1>, vector<64x1xf32>
    %lt3A_2304 = vector.broadcast %broadcast_in_dim3A_2243 : vector<1x1xf32> to vector<64x1xf32>
    %lt3A_2305 = arith.cmpf olt, %convert_element_type3A_2300, %lt3A_2304 : vector<64x1xf32>
    %and3A_2306 = arith.andi %eq3A_2277, %lt3A_2305 : vector<64x1xi1>
    %jit3A_2307 = arith.constant 1.000000e+00 : f32
    %broadcast_in_dim3A_2308 = vector.broadcast %jit3A_2307 : f32 to vector<64x1xf32>
    %select_n3A_2309 = arith.select %and3A_2306, %broadcast_in_dim3A_2308, %select_n3A_2219 : vector<64x1xi1>, vector<64x1xf32>
    %concatenate3A_2310 = tpu.concatenate %select_n3A_1127, %select_n3A_1938, %select_n3A_2303 in 0 : vector<128x1xf32>, vector<128x1xf32>, vector<64x1xf32> -> vector<320x1xf32>
    %concatenate3A_2311 = tpu.concatenate %select_n3A_1133, %select_n3A_1944, %select_n3A_2309 in 0 : vector<128x1xf32>, vector<128x1xf32>, vector<64x1xf32> -> vector<320x1xf32>
    %gt3A_2312 = arith.constant 0.000000e+00 : f32
    %gt3A_2313 = vector.broadcast %gt3A_2312 : f32 to vector<320x1xf32>
    %gt3A_2314 = arith.cmpf ogt, %concatenate3A_2311, %gt3A_2313 : vector<320x1xf32>
    %jit3A_2315 = arith.constant 0.000000e+00 : f32
    %broadcast_in_dim3A_2316 = vector.broadcast %jit3A_2315 : f32 to vector<320x1xf32>
    %select_n3A_2317 = arith.select %gt3A_2314, %concatenate3A_2310, %broadcast_in_dim3A_2316 : vector<320x1xi1>, vector<320x1xf32>
    %convert_element_type3A_2318 = arith.fptosi %select_n3A_2317 : vector<320x1xf32> to vector<320x1xi32>
    %swap3A = arith.constant 0 : index
    %swap3A_2319 = arith.constant 0 : index
    %swap3A_2320 = vector.load %arg4[%swap3A, %swap3A_2319] : memref<512x1xi32, #tpu.memory_space<vmem>>, vector<320x1xi32>
    tpu.vector_store %arg4[%swap3A, %swap3A_2319], %convert_element_type3A_2318 {strides = array<i32>} : memref<512x1xi32, #tpu.memory_space<vmem>>, vector<320x1xi32>,
    %broadcast_in_dim3A_2321 = arith.constant 0 : i32
    %broadcast_in_dim3A_2322 = vector.broadcast %broadcast_in_dim3A_2321 : i32 to vector<192x1xi32>
    %swap3A_2323 = arith.constant 320 : index
    %swap3A_2324 = arith.constant 0 : index
    %swap3A_2325 = vector.load %arg4[%swap3A_2323, %swap3A_2324] : memref<512x1xi32, #tpu.memory_space<vmem>>, vector<192x1xi32>
    tpu.vector_store %arg4[%swap3A_2323, %swap3A_2324], %broadcast_in_dim3A_2322 {strides = array<i32>} : memref<512x1xi32, #tpu.memory_space<vmem>>, vector<192x1xi32>,
    %swap3A_2326 = arith.constant 0 : index
    %swap3A_2327 = arith.constant 0 : index
    %swap3A_2328 = vector.load %arg5[%swap3A_2326, %swap3A_2327] : memref<320x1xf32, #tpu.memory_space<vmem>>, vector<320x1xf32>
    tpu.vector_store %arg5[%swap3A_2326, %swap3A_2327], %concatenate3A_2311 {strides = array<i32>} : memref<320x1xf32, #tpu.memory_space<vmem>>, vector<320x1xf32>,
    return
  }
}

module attributes {stable_mosaic.version = 14 : i64} {
  func.func @_mlp_head_body(%arg0: memref<320x1024xf32, #tpu.memory_space<vmem>>, %arg1: memref<320x1xf32, #tpu.memory_space<vmem>>, %arg2: memref<1024x1024xf32, #tpu.memory_space<vmem>>, %arg3: memref<1x1024xf32, #tpu.memory_space<vmem>>, %arg4: memref<1024x1024xf32, #tpu.memory_space<vmem>>, %arg5: memref<1x1024xf32, #tpu.memory_space<vmem>>, %arg6: memref<384x1024xf32, #tpu.memory_space<vmem>>) attributes {dimension_semantics = [], scalar_prefetch = 0 : i64, scratch_operands = 0 : i64, tpu.core_type = #tpu.core_type<tc>} {
    %get3A = arith.constant 0 : index
    %get3A_0 = arith.constant 0 : index
    %get3A_1 = vector.load %arg0[%get3A, %get3A_0] : memref<320x1024xf32, #tpu.memory_space<vmem>>, vector<320x1024xf32>
    %get3A_2 = arith.constant 0 : index
    %get3A_3 = arith.constant 0 : index
    %get3A_4 = vector.load %arg1[%get3A_2, %get3A_3] : memref<320x1xf32, #tpu.memory_space<vmem>>, vector<320x1xf32>
    %mul3A = vector.broadcast %get3A_4 : vector<320x1xf32> to vector<320x1024xf32>
    %mul3A_5 = arith.mulf %get3A_1, %mul3A : vector<320x1024xf32>
    %get3A_6 = arith.constant 0 : index
    %get3A_7 = arith.constant 0 : index
    %get3A_8 = vector.load %arg2[%get3A_6, %get3A_7] : memref<1024x1024xf32, #tpu.memory_space<vmem>>, vector<1024x1024xf32>
    %dot_general3A = arith.constant dense<0.000000e+00> : vector<320x1024xf32>
    %dot_general3A_9 = tpu.matmul %mul3A_5, %get3A_8, %dot_general3A {dimension_numbers = #tpu.dot_dimension_numbers<[1], [0], [0], [1], [0, 0, 1, 1], [], []>, transpose_lhs_hint = false} : vector<320x1024xf32>, vector<1024x1024xf32>, vector<320x1024xf32> -> vector<320x1024xf32>
    %get3A_10 = arith.constant 0 : index
    %get3A_11 = arith.constant 0 : index
    %get3A_12 = vector.load %arg3[%get3A_10, %get3A_11] : memref<1x1024xf32, #tpu.memory_space<vmem>>, vector<1x1024xf32>
    %add3A = vector.broadcast %get3A_12 : vector<1x1024xf32> to vector<320x1024xf32>
    %add3A_13 = arith.addf %dot_general3A_9, %add3A : vector<320x1024xf32>
    %max3A = arith.constant 0.000000e+00 : f32
    %max3A_14 = vector.broadcast %max3A : f32 to vector<320x1024xf32>
    %max3A_15 = arith.maximumf %add3A_13, %max3A_14 : vector<320x1024xf32>
    %get3A_16 = arith.constant 0 : index
    %get3A_17 = arith.constant 0 : index
    %get3A_18 = vector.load %arg4[%get3A_16, %get3A_17] : memref<1024x1024xf32, #tpu.memory_space<vmem>>, vector<1024x1024xf32>
    %dot_general3A_19 = arith.constant dense<0.000000e+00> : vector<320x1024xf32>
    %dot_general3A_20 = tpu.matmul %max3A_15, %get3A_18, %dot_general3A_19 {dimension_numbers = #tpu.dot_dimension_numbers<[1], [0], [0], [1], [0, 0, 1, 1], [], []>, transpose_lhs_hint = false} : vector<320x1024xf32>, vector<1024x1024xf32>, vector<320x1024xf32> -> vector<320x1024xf32>
    %get3A_21 = arith.constant 0 : index
    %get3A_22 = arith.constant 0 : index
    %get3A_23 = vector.load %arg5[%get3A_21, %get3A_22] : memref<1x1024xf32, #tpu.memory_space<vmem>>, vector<1x1024xf32>
    %add3A_24 = vector.broadcast %get3A_23 : vector<1x1024xf32> to vector<320x1024xf32>
    %add3A_25 = arith.addf %dot_general3A_20, %add3A_24 : vector<320x1024xf32>
    %slice3A = vector.extract_strided_slice %add3A_25 {offsets = [0, 0], sizes = [128, 1024], strides = [1, 1]} : vector<320x1024xf32> to vector<128x1024xf32>
    %swap3A = arith.constant 0 : index
    %swap3A_26 = arith.constant 0 : index
    %swap3A_27 = vector.load %arg6[%swap3A, %swap3A_26] : memref<384x1024xf32, #tpu.memory_space<vmem>>, vector<128x1024xf32>
    tpu.vector_store %arg6[%swap3A, %swap3A_26], %slice3A {strides = array<i32>} : memref<384x1024xf32, #tpu.memory_space<vmem>>, vector<128x1024xf32>,
    %slice3A_28 = vector.extract_strided_slice %add3A_25 {offsets = [256, 0], sizes = [64, 1024], strides = [1, 1]} : vector<320x1024xf32> to vector<64x1024xf32>
    %swap3A_29 = arith.constant 128 : index
    %swap3A_30 = arith.constant 0 : index
    %swap3A_31 = vector.load %arg6[%swap3A_29, %swap3A_30] : memref<384x1024xf32, #tpu.memory_space<vmem>>, vector<64x1024xf32>
    tpu.vector_store %arg6[%swap3A_29, %swap3A_30], %slice3A_28 {strides = array<i32>} : memref<384x1024xf32, #tpu.memory_space<vmem>>, vector<64x1024xf32>,
    %slice3A_32 = vector.extract_strided_slice %add3A_25 {offsets = [128, 0], sizes = [128, 1024], strides = [1, 1]} : vector<320x1024xf32> to vector<128x1024xf32>
    %swap3A_33 = arith.constant 192 : index
    %swap3A_34 = arith.constant 0 : index
    %swap3A_35 = vector.load %arg6[%swap3A_33, %swap3A_34] : memref<384x1024xf32, #tpu.memory_space<vmem>>, vector<128x1024xf32>
    tpu.vector_store %arg6[%swap3A_33, %swap3A_34], %slice3A_32 {strides = array<i32>} : memref<384x1024xf32, #tpu.memory_space<vmem>>, vector<128x1024xf32>,
    %slice3A_36 = vector.extract_strided_slice %add3A_25 {offsets = [256, 0], sizes = [64, 1024], strides = [1, 1]} : vector<320x1024xf32> to vector<64x1024xf32>
    %swap3A_37 = arith.constant 320 : index
    %swap3A_38 = arith.constant 0 : index
    %swap3A_39 = vector.load %arg6[%swap3A_37, %swap3A_38] : memref<384x1024xf32, #tpu.memory_space<vmem>>, vector<64x1024xf32>
    tpu.vector_store %arg6[%swap3A_37, %swap3A_38], %slice3A_36 {strides = array<i32>} : memref<384x1024xf32, #tpu.memory_space<vmem>>, vector<64x1024xf32>,
    return
  }
}

</mosaic_0001>

<sc_bundles>
// kernel: kernel.6.cloned.1.call-start
scs
__scs_entry_jumppad:
0x0: {  	(pc) =	sbr.rel $0x88, $3  }
0x1: {  	(tag) =	ssettag $0x0;
	lr =	simm.s32 $0x1  }
0x2: {  	[smem:$0x3F97] =	sst lr;
	_ =	strace $0xD0000000  }
0x3: {  	_ = 	snop  }
0x4: {  	_ = 	snop  }
0x5: {  	_ = 	snop  }
0x6: {  	_ = 	snop  }
0x7: {  	_ = 	snop  }
__scs_overlays_trampoline_lowered:
0x8: {  	[smem:$0x3FA6] =	sst s0  }
0x9: {  	[smem:$0x3FA7] =	sst s1  }
0xa: {  	[smem:$0x3FA8] =	sst s2  }
0xb: {  	[smem:$0x3FA9] =	sst s3  }
0xc: {  	[smem:$0x3FAA] =	sst s4  }
0xd: {  	[smem:$0x3FAB] =	sst s5  }
0xe: {  	[smem:$0x3FAC] =	sst s6  }
0xf: {  	[smem:$0x3FAD] =	sst s7  }
0x10: {  	[smem:$0x3FAE] =	sst s8  }
0x11: {  	[smem:$0x3FAF] =	sst s9;
	s0 =	simm.s32 @!p0 $0x0  }
0x12: {  	s1 =	sld [smem:$0x3F95];
	s0 =	simm.s32 @p0 $0x1  }
0x13: {  	[smem:$0x3FB0] =	sst s0;
	s0 =	simm.s32 @!p1 $0x0  }
0x14: {  	s2 =	sld [smem:$0x3F94];
	s0 =	simm.s32 @p1 $0x1  }
0x15: {  	[smem:$0x3FB1] =	sst s0;
	s0 =	simm.s32 @!p2 $0x0  }
0x16: {  	s3 =	sld [smem:$0x3FDB];
	s0 =	simm.s32 @p2 $0x1  }
0x17: {  	s4 =	simm.s32 $0x1BF5;
	[smem:$0x3FB3] =	sst s0  }
0x18: {  	s0 =	sld [smem:$0x3F96];
	_ =	swait.ge [sflag:s4], $0x0  }
0x19: {  	s7 =	sld [smem:$0x3F97]  }
0x1a: {  	s8 =	sadd.s32 $0xFFFFE003, lr  }
0x1b: {  	s9 =	sadd.s32 $0xFFFFFEF7, lr;
	s5 =	simm.s32 $0xFFFFFFFF;
	p2 =	slt.u32 s8, $0xFFFFF086  }
0x1c: {  	p1 =	slt.u32 s9, $0xF7A;
	s5 =	simm.s32 @!p2 $0x0  }
0x1d: {  	s5 =	simm.s32 @p1 $0x1;
	p0 =	seq.s32 s7, s2  }
0x1e: {  	s7 =	smul.u32 @!p0 $0xF7A, s2;
	p2 =	seq.s32 @!p0 s5, $0x0  }
0x1f: {  	s9 =	smul.u32 $0xF7A, s1;
	s8 =	simm.s32 @!p0 $0x1BF5;
	p2 =	por !p2, p0  }
0x20: {  	[sflag:s8] =	ssyncset.s32 @!p0 $0xFFFFF086;
	s6 =	sadd.s32 @!p0 s3, s7;
	s7 =	simm.s32 @!p0 $0x108  }
0x21: {  	s3 =	sadd.s32 s3, s9;
	s6 =	sadd.s32 @!p0 $0x88, s6;
	s7 =	simm.s32 @p2 $0x1082  }
0x22: {  	[simem:s7], [sflag:s8] =	dma.local @!p0 [hbm:s6], $0xF7A  }
0x23: {  	s9 =	sor.u32 $0xD0000000, s2;
	s6 =	simm.s32 $0x108;
	_ =	swait.ge @!p0 [sflag:s8], $0x0  }
0x24: {  	s3 =	sadd.s32 $0x88, s3;
	s6 =	simm.s32 @!p1 $0x1082;
	[sflag:s4] =	ssyncset.s32 $0xFFFFF086  }
0x25: {  	[simem:s6], [sflag:s4] =	dma.local [hbm:s3], $0xF7A  }
0x26: {  	[smem:$0x3F97] =	sst s1;
	(tag) =	ssettag s2;
	_ =	strace s9  }
0x27: {  	s1 =	sld [smem:$0x3FA7]  }
0x28: {  	s2 =	sld [smem:$0x3FA8]  }
0x29: {  	s4 =	sld [smem:$0x3FAA]  }
0x2a: {  	p0 =	seq.s32 s5, $0x0;
	s5 =	sld [smem:$0x3FAB]  }
0x2b: {  	s6 =	sld [smem:$0x3FAC]  }
0x2c: {  	s7 =	sld [smem:$0x3FAD]  }
0x2d: {  	s3 =	simm.s32 $0x108;
	s8 =	sld [smem:$0x3FAE]  }
0x2e: {  	s3 =	simm.s32 @!p0 $0x1082;
	s9 =	sld [smem:$0x3FAF]  }
0x2f: {  	lr =	sadd.s32 s0, s3;
	s0 =	sld [smem:$0x3FA6]  }
0x30: {  	s3 =	sld [smem:$0x3FA9]  }
0x31: {  	[smem:$0x3FB2] =	sst s10  }
0x32: {  	s10 =	sld [smem:$0x3FB0];
	_ =	sdelay $0x3  }
0x33: {  	p0 =	seq.s32 s10, $0x1;
	s10 =	sld [smem:$0x3FB2];
	_ =	sdelay $0x3  }
0x34: {  	[smem:$0x3FB2] =	sst s10  }
0x35: {  	s10 =	sld [smem:$0x3FB1];
	_ =	sdelay $0x3  }
0x36: {  	p1 =	seq.s32 s10, $0x1;
	s10 =	sld [smem:$0x3FB2];
	_ =	sdelay $0x3  }
0x37: {  	[smem:$0x3FB2] =	sst s10  }
0x38: {  	s10 =	sld [smem:$0x3FB3]  }
0x39: {  	_ = 	snop;
	(pc) =	sbr.ind lr, $3  }
0x3a: {  	_ = 	snop  }
0x3b: {  	_ = 	snop  }
0x3c: {  	p2 =	seq.s32 s10, $0x1;
	s10 =	sld [smem:$0x3FB2]  }
0x3d: {  	_ =	shalt  }
0x3e: {  	_ =	shalt  }
0x3f: {  	_ =	shalt  }
0x40: {  	_ =	shalt  }
0x41: {  	_ =	shalt  }
0x42: {  	_ =	shalt  }
0x43: {  	_ =	shalt  }
0x44: {  	_ =	shalt  }
0x45: {  	_ =	shalt  }
0x46: {  	_ =	shalt  }
0x47: {  	_ =	shalt  }
0x48: {  	_ =	shalt  }
0x49: {  	_ =	shalt  }
0x4a: {  	_ =	shalt  }
0x4b: {  	_ =	shalt  }
0x4c: {  	_ =	shalt  }
0x4d: {  	_ =	shalt  }
0x4e: {  	_ =	shalt  }
0x4f: {  	_ =	shalt  }
0x50: {  	_ =	shalt  }
0x51: {  	_ =	shalt  }
0x52: {  	_ =	shalt  }
0x53: {  	_ =	shalt  }
0x54: {  	_ =	shalt  }
0x55: {  	_ =	shalt  }
0x56: {  	_ =	shalt  }
0x57: {  	_ =	shalt  }
0x58: {  	_ =	shalt  }
0x59: {  	_ =	shalt  }
0x5a: {  	_ =	shalt  }
0x5b: {  	_ =	shalt  }
0x5c: {  	_ =	shalt  }
0x5d: {  	_ =	shalt  }
0x5e: {  	_ =	shalt  }
0x5f: {  	_ =	shalt  }
0x60: {  	_ =	shalt  }
0x61: {  	_ =	shalt  }
0x62: {  	_ =	shalt  }
0x63: {  	_ =	shalt  }
0x64: {  	_ =	shalt  }
0x65: {  	_ =	shalt  }
0x66: {  	_ =	shalt  }
0x67: {  	_ =	shalt  }
0x68: {  	_ =	shalt  }
0x69: {  	_ =	shalt  }
0x6a: {  	_ =	shalt  }
0x6b: {  	_ =	shalt  }
0x6c: {  	_ =	shalt  }
0x6d: {  	_ =	shalt  }
0x6e: {  	_ =	shalt  }
0x6f: {  	_ =	shalt  }
0x70: {  	_ =	shalt  }
0x71: {  	_ =	shalt  }
0x72: {  	_ =	shalt  }
0x73: {  	_ =	shalt  }
0x74: {  	_ =	shalt  }
0x75: {  	_ =	shalt  }
0x76: {  	_ =	shalt  }
0x77: {  	_ =	shalt  }
0x78: {  	_ =	shalt  }
0x79: {  	_ =	shalt  }
0x7a: {  	_ =	shalt  }
0x7b: {  	_ =	shalt  }
0x7c: {  	_ =	shalt  }
0x7d: {  	_ =	shalt  }
0x7e: {  	_ =	shalt  }
0x7f: {  	_ =	shalt  }
0x80: {  	_ =	shalt  }
0x81: {  	_ =	shalt  }
0x82: {  	_ =	shalt  }
0x83: {  	_ =	shalt  }
0x84: {  	_ =	shalt  }
0x85: {  	_ =	shalt  }
0x86: {  	_ =	shalt  }
0x87: {  	_ =	shalt  }
.Lfunc_end0:
.L_simem_size_0:
called_computation_lowered:
.L_overlay_start_0:
0x88: {  	s2 =	sld [smem:$0x3FD9]  }
0x89: {  	s3 =	sld [smem:$0x3FFE];
	_ =	sdelay $0x1  }
0x8a: {  	s1 =	srdreg.scid  }
0x8b: {  	s0 =	sand.u32 $0x1, s1  }
0x8c: {  	s15 =	sshll.u32 s0, $0xA;
	s2 =	sadd.s32 s3, s2  }
0x8d: {  	s2 =	sadd.s32 s2, s15  }
0x8e: {  	[smem:$0x3FBE] =	sst s2  }
0x8f: {  	_ = 	snop  }
0x90: {  	s2 =	sld [smem:$0x3FD0];
	_ =	sdelay $0x2  }
0x91: {  	s4 =	simm.s32 $0xA;
	s5 =	simm.s32 $0x10;
	s16 =	sld [smem:$0x3FC9]  }
0x92: {  	[smem:s5], [sflag:s4] =	dma.local [hbm:s2], $0x1  }
0x93: {  	_ =	swait.eq [sflag:s4], $0x1  }
0x94: {  	[sflag:s4] =	ssyncset.done $0x0  }
0x95: {  	s17 =	sld [smem:$0x10];
	[sflag:s4] =	ssyncadd.s32 $0xFFFFFFFF  }
0x96: {  	s18 =	sld [smem:$0x12];
	(tm) =	ssettm $0x1  }
0x97: {  	s19 =	sld [smem:$0x3FFB];
	_ =	sdelay $0x3  }
0x98: {  	_ =	strace s19  }
0x99: {  	s5 =	sld [smem:$0x3FFC];
	_ =	sdelay $0x3  }
0x9a: {  	_ =	strace s5  }
0x9b: {  	s5 =	sld [smem:$0x3FFD];
	_ =	sdelay $0x3  }
0x9c: {  	_ =	strace s5  }
0x9d: {  	_ =	strace $0x8FFFFFFF  }
0x9e: {  	s20 =	sld [smem:$0x3FDB];
	_ =	sdelay $0x1  }
0x9f: {  	s6 =	simm.s32 $_scs_section_size  }
0xa0: {  	s7 =	simm.s32 $_size__tile_overlayer_lowered;
	s8 =	simm.s32 $_tile_overlayer_lowered  }
0xa1: {  	s23 =	simm.s32 $0x1BFF;
	s22 =	sshll.u32 s8, $0x1;
	s5 =	sadd.s32 s6, s20  }
0xa2: {  	s9 =	simm.s32 $0x0;
	s21 =	sshll.u32 s7, $0x1;
	s7 =	sadd.s32 s22, s5  }
0xa3: {  	[timem:s9], [sflag:s23] =	dma.local [hbm:s7], s21  }
0xa4: {  	_ =	swait.ge [sflag:s23], s21  }
0xa5: {  	s6 =	ssub.s32 $0x0, s21;
	[sflag:s23] =	ssyncset.done $0x0  }
0xa6: {  	[sflag:s23] =	ssyncadd.s32 s6;
	_ =	sdelay $0x1  }
0xa7: {  	s24 =	simm.s32 $0x1B8B  }
0xa8: {  	_ =	swait.ge [sflag:s24], $0x1  }
0xa9: {  	[sflag:s24] =	ssyncset.done $0x0  }
0xaa: {  	s25 =	simm.s32 $0x1B8E;
	[sflag:s24] =	ssyncadd.s32 $0xFFFFFFFF  }
0xab: {  	s26 =	simm.s32 $execute0_lowered;
	[smem:$0x3FD2] =	sst s25  }
0xac: {  	s6 =	sshll.u32 s26, $0x1;
	_ =	strace $0x80000046;
	[dreg:$0x1] =	wrdreg $0xFFFFFFFF  }
0xad: {  	s28 =	simm.s32 $_size_execute0_lowered;
	s5 =	sadd.s32 s5, s6;
	[dreg:$0x0] =	wrdreg $0x0  }
0xae: {  	s6 =	sshll.u32 s28, $0x1;
	[dreg:$0x2] =	wrdreg s5  }
0xaf: {  	[dreg:$0x3] =	wrdreg s6  }
0xb0: {  	[dreg:$0x4] =	wrdreg $0xC0  }
0xb1: {  	_ =	task [dreg:s9], $0x5FFFF  }
0xb2: {  	[dreg:$0x1] =	wrdreg $0xFFFFFFFF  }
0xb3: {  	[dreg:$0x0] =	wrdreg $0x60  }
0xb4: {  	[dreg:$0x2] =	wrdreg s16  }
0xb5: {  	[dreg:$0x3] =	wrdreg s18  }
0xb6: {  	[dreg:$0x4] =	wrdreg s17  }
0xb7: {  	[dreg:$0x5] =	wrdreg $0x9  }
0xb8: {  	_ =	task.clear_ibuf [dreg:s9], $0x6FFFF;
	_ =	strace $0x90000046  }
0xb9: {  	s29 =	simm.s32 $0x9;
	_ =	strace $0x80000048  }
0xba: {  	_ =	swait.ge [sflag:s29], $0x1  }
0xbb: {  	[sflag:s29] =	ssyncadd.s32 $0xFFFFFFFF  }
0xbc: {  	_ =	strace $0x90000048  }
0xbd: {  	_ =	sfence  }
0xbe: {  	s30 =	sld [smem:$0x0];
	_ =	sdelay $0x2  }
0xbf: {  	s31 =	sshll.u32 s1, $0xD;
	s1 =	sshrl.u32 s1, $0x2  }
0xc0: {  	s3 =	sand.u32 $0x4000, s31;
	s1 =	sadd.s32 s1, s30  }
0xc1: {  	s0 =	sor.u32 s3, s0;
	s1 =	sshll.u32 s1, $0x11  }
0xc2: {  	s0 =	sor.u32 s1, s0  }
0xc3: {  	s0 =	sadd.s32 $0x8F2B, s0  }
0xc4: {  	[sflag:s0] =	ssyncadd.remote.s32 $0x1  }
0xc5: {  	_ =	sfence.sel $0xFFFF  }
0xc6: {  	[dreg:$0x0] =	wrdreg $0xFFFFFFFF;
	(pc) =	sbr.abs _section_cstart, $3  }
0xc7: {  	[dreg:$0x1] =	wrdreg $0xFFFFFFFF  }
0xc8: {  	_ =	task.clear_ibuf [dreg:s9], $0x2FFFF;
	_ =	strace $0x9FFFFFFF  }
0xc9: {  	(tm) =	ssettm $0x7FFFFFFF  }
tec
execute0_lowered:
.L_overlay_start_1:
0x0: {  	(tag) =	ssettag $0x1  }
0x1: {  	s1 =	rddreg [dreg:$0x0];
	s2 =	srdreg.scid  }
0x2: {  	s4 =	rddreg [dreg:$0x1];
	s0 =	stileid.u32;
	s16 =	sand.u32 $0x1, s2  }
0x3: {  	s18 =	rddreg [dreg:$0x2];
	s5 =	sshll.u32 s0, $0x5;
	s6 =	sshll.u32 s16, $0x4  }
0x4: {  	s3 =	simm.s32 $0x0;
	s2 =	rddreg [dreg:$0x3];
	s19 =	sor.u32 s6, s5  }
0x5: {  	[smem:$0x7FF] =	sst s3;
	s5 =	sshrl.u32 s19, $0x3  }
0x6: {  	_ =	strace $0x80000047;
	s5 =	sadd.s32 s4, s5;
	s4 =	simm.s32 $0x2  }
0x7: {  	[tilespmem:s3], [sflag:$0x2] =	stream.linear.gather [hbm4b:s5+s3], $0x10, $0x38;
	[tilespmem:$0x4080] =	vst v63  }
0x8: {  	_ =	swait.ge [sflag:s4], $0x10  }
0x9: {  	[sflag:s4] =	ssyncset.done $0x0  }
0xa: {  	[sflag:s4] =	ssyncadd.s32 $0xFFFFFFF0  }
0xb: {  	v0 =	vld [tilespmem:$0x0];
	_ =	sdelay $0x4  }
0xc: {  	v1 =	vshll.u32 v0, $0x3  }
0xd: {  	v2 =	vlaneseq.u32;
	v3 =	vand.u32 $0x7, v0;
	v1 =	vand.u32 $0xFFFFFFC0, v1  }
0xe: {  	v4 =	vshrl.u32 v2, $0x3;
	v0 =	vand.u32 $0x7, v2;
	v3 =	vor.u32 v3, v1  }
0xf: {  	v1 =	vmul.u32 $0x8, v4;
	v63 =	vperm.xlane v3, v0;
	_ =	sdelay $0x1  }
0x10: {  	v4 =	vadd.s32 v1, v63;
	_ =	sdelay $0x3  }
0x11: {  	vm0 =	vmmov $0xffff;
	s6 =	simm.s32 $0x80  }
0x12: {  	v2 =	vor.u32 $0x8, v2;
	[tilespmem:s6], [sflag:$0x1] =	stream.indirect_vreg.gather [hbm4b:s1+s3], $0x80, v4, vm0, $0xb8;
	[tilespmem:$0x4080] =	vst v63  }
0x13: {  	s8 =	simm.s32 $0x880;
	s7 =	sadd.s32 $0x100, s1;
	v3 =	vperm.xlane v3, v2  }
0x14: {  	[tilespmem:s8], [sflag:$0x1] =	stream.indirect_vreg.gather [hbm4b:s7+s3], $0x80, v4, vm0, $0xb8;
	[tilespmem:$0x4080] =	vst v63  }
0x15: {  	s10 =	simm.s32 $0x1080;
	s9 =	sadd.s32 $0x200, s1;
	v3 =	vadd.s32 v1, v3  }
0x16: {  	[tilespmem:s10], [sflag:$0x1] =	stream.indirect_vreg.gather [hbm4b:s9+s3], $0x80, v4, vm0, $0xb8;
	[tilespmem:$0x4080] =	vst v63  }
0x17: {  	s12 =	simm.s32 $0x1880;
	s11 =	sadd.s32 $0x300, s1  }
0x18: {  	[tilespmem:s12], [sflag:$0x1] =	stream.indirect_vreg.gather [hbm4b:s11+s3], $0x80, v4, vm0, $0xb8;
	[tilespmem:$0x4080] =	vst v63  }
0x19: {  	s13 =	simm.s32 $0x2080;
	s20 =	ssub.s32 $0x2, s16  }
0x1a: {  	[tilespmem:s13], [sflag:$0x1] =	stream.indirect_vreg.gather [hbm4b:s1+s3], $0x80, v3, vm0, $0xb8;
	[tilespmem:$0x4080] =	vst v63  }
0x1b: {  	s14 =	simm.s32 $0x2880;
	s21 =	sshrl.u32 s20, $0x1  }
0x1c: {  	[tilespmem:s14], [sflag:$0x1] =	stream.indirect_vreg.gather [hbm4b:s7+s3], $0x80, v3, vm0, $0xb8;
	[tilespmem:$0x4080] =	vst v63  }
0x1d: {  	s15 =	simm.s32 $0x3080;
	s20 =	ssub.s32 s20, s21  }
0x1e: {  	[tilespmem:s15], [sflag:$0x1] =	stream.indirect_vreg.gather [hbm4b:s9+s3], $0x80, v3, vm0, $0xb8;
	[tilespmem:$0x4080] =	vst v63  }
0x1f: {  	s17 =	simm.s32 $0x1;
	s16 =	simm.s32 $0x3880;
	s31 =	smax.u32 s20, $0x1  }
0x20: {  	[tilespmem:s16], [sflag:$0x1] =	stream.indirect_vreg.gather [hbm4b:s11+s3], $0x80, v3, vm0, $0xb8;
	[tilespmem:$0x4080] =	vst v63  }
0x21: {  	p0 =	sne.s32 s31, $0x1;
	_ =	swait.ge [sflag:s17], $0x4000  }
.Ltmp0:
0x22: {  	s19 =	sshll.u32 s19, $0x7;
	[sflag:s17] =	ssyncset.done $0x0;
	(pc) =	sbr.rel @!p0 .LBB2_2-.Ltmp0, $4  }
0x23: {  	s18 =	sadd.s32 s18, s19;
	[sflag:s17] =	ssyncadd.s32 $0xFFFFC000  }
0x24: {  	[hbm4b:s18+s3] =	stream.linear.scatter [tilespmem:s6], [sflag:$0x2], $0x4000, $0x38;
	[tilespmem:$0x4080] =	vst v63  }
0x25: {  	_ =	swait.ge [sflag:s4], $0x4000  }
0x26: {  	s19 =	sadd.s32 $0xFFFFFFFF, s31;
	[sflag:s4] =	ssyncset.done $0x0  }
.LBB2_1:
0x27: {  	p0 =	sne.s32 s19, $0x1;
	s19 =	sadd.s32 $0xFFFFFFFF, s19;
	[sflag:s4] =	ssyncadd.s32 $0xFFFFC000  }
0x28: {  	[tilespmem:s3], [sflag:$0x2] =	stream.linear.gather [hbm4b:s5+s3], $0x10, $0x38;
	[tilespmem:$0x4080] =	vst v63  }
0x29: {  	_ =	swait.ge [sflag:s4], $0x10  }
0x2a: {  	[sflag:s4] =	ssyncset.done $0x0  }
0x2b: {  	[sflag:s4] =	ssyncadd.s32 $0xFFFFFFF0  }
0x2c: {  	v3 =	vld [tilespmem:$0x0];
	_ =	sdelay $0x4  }
0x2d: {  	v4 =	vshll.u32 v3, $0x3  }
0x2e: {  	v3 =	vand.u32 $0x7, v3;
	v4 =	vand.u32 $0xFFFFFFC0, v4  }
0x2f: {  	v3 =	vor.u32 v3, v4  }
0x30: {  	v4 =	vperm.xlane v3, v0;
	v3 =	vperm.xlane v3, v2;
	_ =	sdelay $0x1  }
0x31: {  	v4 =	vadd.s32 v1, v4;
	_ =	sdelay $0x4  }
0x32: {  	[tilespmem:s6], [sflag:$0x1] =	stream.indirect_vreg.gather [hbm4b:s1+s3], $0x80, v4, vm0, $0xb8;
	[tilespmem:$0x4080] =	vst v63  }
0x33: {  	_ = 	snop  }
0x34: {  	[tilespmem:s8], [sflag:$0x1] =	stream.indirect_vreg.gather [hbm4b:s7+s3], $0x80, v4, vm0, $0xb8;
	[tilespmem:$0x4080] =	vst v63  }
0x35: {  	v3 =	vadd.s32 v1, v3  }
0x36: {  	[tilespmem:s10], [sflag:$0x1] =	stream.indirect_vreg.gather [hbm4b:s9+s3], $0x80, v4, vm0, $0xb8;
	[tilespmem:$0x4080] =	vst v63  }
0x37: {  	_ = 	snop  }
0x38: {  	[tilespmem:s12], [sflag:$0x1] =	stream.indirect_vreg.gather [hbm4b:s11+s3], $0x80, v4, vm0, $0xb8;
	[tilespmem:$0x4080] =	vst v63  }
0x39: {  	_ = 	snop  }
0x3a: {  	[tilespmem:s13], [sflag:$0x1] =	stream.indirect_vreg.gather [hbm4b:s1+s3], $0x80, v3, vm0, $0xb8;
	[tilespmem:$0x4080] =	vst v63  }
0x3b: {  	_ = 	snop  }
0x3c: {  	[tilespmem:s14], [sflag:$0x1] =	stream.indirect_vreg.gather [hbm4b:s7+s3], $0x80, v3, vm0, $0xb8;
	[tilespmem:$0x4080] =	vst v63  }
0x3d: {  	_ = 	snop  }
0x3e: {  	[tilespmem:s15], [sflag:$0x1] =	stream.indirect_vreg.gather [hbm4b:s9+s3], $0x80, v3, vm0, $0xb8;
	[tilespmem:$0x4080] =	vst v63  }
0x3f: {  	_ = 	snop  }
0x40: {  	[tilespmem:s16], [sflag:$0x1] =	stream.indirect_vreg.gather [hbm4b:s11+s3], $0x80, v3, vm0, $0xb8;
	[tilespmem:$0x4080] =	vst v63  }
0x41: {  	_ =	swait.ge [sflag:s17], $0x4000  }
.Ltmp1:
0x42: {  	[sflag:s17] =	ssyncset.done $0x0;
	(pc) =	sbr.rel @p0 .LBB2_1-.Ltmp1, $4  }
0x43: {  	[sflag:s17] =	ssyncadd.s32 $0xFFFFC000  }
0x44: {  	[hbm4b:s18+s3] =	stream.linear.scatter [tilespmem:s6], [sflag:$0x2], $0x4000, $0x38;
	[tilespmem:$0x4080] =	vst v63  }
0x45: {  	_ =	swait.ge [sflag:s4], $0x4000  }
0x46: {  	[sflag:s4] =	ssyncset.done $0x0  }
.LBB2_2:
0x47: {  	[sflag:s4] =	ssyncadd.s32 $0xFFFFC000  }
0x48: {  	_ =	sfence.sel $0x180000  }
0x49: {  	[bflag:$0x0] =	sbarrier.arrive $0xFFFF  }
0x4a: {  	p0 =	sne.s32 s0, $0x0;
	_ =	strace $0x90000047  }
0x4b: {  	s0 =	sadd.s32 @!p0 $0x100000, s2;
	[bflag:$0x2] =	sbarrier.arrive $0xFFFF  }
0x4c: {  	[sflag:s0] =	ssyncadd.tile.s32 @!p0 $0x1;
	_ =	shalt  }
.Lfunc_end2:
_tile_overlayer_lowered:
.L_overlay_start_2:
0x4d: {  	(tag) =	ssettag $0x2  }
0x4e: {  	s0 =	rddreg [dreg:$0x0];
	s2 =	stileid.u32  }
0x4f: {  	s1 =	rddreg [dreg:$0x1];
	p0 =	sne.s32 s2, $0x0  }
0x50: {  	s3 =	rddreg [dreg:$0x2];
	[bflag:$0x3] =	sbarrier.arrive $0xFFFF;
	s2 =	simm.s32 @!p0 $0x1C02  }
0x51: {  	[timem:s3], [sflag:s2] =	dma.local @!p0 [hbm:s0], s1  }
0x52: {  	s0 =	simm.s32 @!p0 $0x2  }
0x53: {  	_ =	swait.ge @!p0 [sflag:s0], s1  }
0x54: {  	s1 =	ssub.s32 @!p0 $0x0, s1;
	[sflag:s0] =	ssyncset.done @!p0 $0x0  }
0x55: {  	[sflag:s0] =	ssyncadd.s32 @!p0 s1  }
0x56: {  	[bflag:$0x3] =	sbarrier.arrive $0xFFFF  }
0x57: {  	_ =	shalt  }

</sc_bundles>
